<compile_context>
chip_gen: v7x
topology: tpu7x:2x2x1
jax: 0.10.2.dev20260603
libtpu: 0.0.44.dev20260713+nightly
codegen_flags: <defaults>
</compile_context>

<pallas_src>
import functools

import jax
import jax.numpy as jnp
from jax import lax
from jax.experimental import pallas as pl
from jax.experimental.pallas import tpu as pltpu
from jax.experimental.pallas import tpu_sc as plsc

VOCAB_END = 50000
EMBED = 128
PAD_ROW = VOCAB_END

NC, NS = 2, 16
NW = NC * NS
CB = 128
NB = 5


def _stage_and_fire(ids_hbm, table_hbm, idxv, rows, gsem, b, rowb):
    pltpu.sync_copy(ids_hbm.at[pl.ds(rowb, 1)], idxv.at[pl.ds(b, 1)])
    for v in range(8):
        sl = (b, pl.ds(v * 16, 16))
        ids = idxv[sl]
        idxv[sl] = jnp.where(ids < VOCAB_END, ids, PAD_ROW)
    return pltpu.async_copy(table_hbm.at[idxv.at[b]], rows.at[b], gsem[b])


def _emb_body(ids_hbm, table_hbm, out_hbm, idxv, rows, *sems, rows_per_w):
    gsem, osem = sems[:NB], sems[NB:]
    wid = lax.axis_index("s") * NC + lax.axis_index("c")
    row0 = wid * rows_per_w
    n_chunks = rows_per_w

    for b in range(NB):
        _stage_and_fire(ids_hbm, table_hbm, idxv, rows, gsem, b, row0 + b)

    def ring_cycle(ci, carry):
        base = row0 + ci * NB
        for b in range(NB):
            pltpu.make_async_copy(
                table_hbm.at[idxv.at[b]], rows.at[b], gsem[b]
            ).wait()
            ocp = pltpu.async_copy(
                rows.at[b], out_hbm.at[pl.ds((base + b) * CB, CB)], osem[b]
            )
            nxt = base + NB + b
            pltpu.sync_copy(ids_hbm.at[pl.ds(nxt, 1)], idxv.at[pl.ds(b, 1)])
            for v in range(8):
                sl = (b, pl.ds(v * 16, 16))
                ids = idxv[sl]
                idxv[sl] = jnp.where(ids < VOCAB_END, ids, PAD_ROW)
            ocp.wait()
            pltpu.async_copy(table_hbm.at[idxv.at[b]], rows.at[b], gsem[b])
        return carry

    lax.fori_loop(0, n_chunks // NB - 1, ring_cycle, 0)

    base = row0 + n_chunks - NB
    for b in range(NB):
        pltpu.make_async_copy(
            table_hbm.at[idxv.at[b]], rows.at[b], gsem[b]
        ).wait()
        pltpu.sync_copy(rows.at[b], out_hbm.at[pl.ds((base + b) * CB, CB)])


def _make_emb(b_tokens):
    assert b_tokens % (CB * NB * NW) == 0
    rows_per_w = (b_tokens // CB) // NW
    mesh = plsc.VectorSubcoreMesh(core_axis_name="c", subcore_axis_name="s")
    return functools.partial(
        pl.kernel,
        mesh=mesh,
        out_type=jax.ShapeDtypeStruct((b_tokens, EMBED), jnp.float32),
        scratch_types=[
            pltpu.VMEM((NB, CB), jnp.int32),
            pltpu.VMEM((NB, CB, EMBED), jnp.float32),
        ]
        + [pltpu.SemaphoreType.DMA] * (2 * NB),
    )(functools.partial(_emb_body, rows_per_w=rows_per_w))


def kernel(input_ids, weight):
    b, t = input_ids.shape
    ids = input_ids.reshape(-1).astype(jnp.int32).reshape(-1, CB)
    wpad = jnp.pad(weight, ((0, 8), (0, 0)))
    out = _make_emb(b * t)(ids, wpad)
    return out.reshape(b, t, EMBED)

# --- scband reference (transcript-rebuilt; emitter-appended) ---
"""Pipeline reference for scband-vocab-parallel-embedding-2516850835599 (READ-ONLY COPY).

The authoritative reference and input builder live on the scoring server;
editing this copy changes nothing except your own understanding.
"""

import jax, jax.numpy as jnp
import numpy as np

VOCAB_START = 0
VOCAB_END = 50000
EMBED_DIM = 128
FULL_VOCAB = 100000

def setup_inputs(seed: int = 0) -> dict:
    key = jax.random.key(seed)
    k1, k2 = jax.random.split(key)
    input_ids = jax.random.randint(k1, (4096, 200), 0, FULL_VOCAB, dtype=jnp.int64)
    weight = jax.random.normal(k2, (VOCAB_END - VOCAB_START, EMBED_DIM), dtype=jnp.float32)
    return {"input_ids": input_ids, "weight": weight}

def reference(input_ids, weight):
    # mask ids outside this rank's vocab shard
    mask = (input_ids >= VOCAB_START) & (input_ids < VOCAB_END)
    masked_input = (input_ids - VOCAB_START) * mask.astype(input_ids.dtype)
    # embedding lookup on local shard
    embeddings = jnp.take(weight, masked_input, axis=0)
    # zero out contributions for out-of-shard tokens
    embeddings = embeddings * mask[..., None].astype(jnp.float32)
    # All_Reduce across TP group is identity for a single simulated rank
    return embeddings

if __name__ == "__main__":
    import jax
    _d = setup_inputs()
    print(jax.jit(kernel)(*tuple(_d.values())))

</pallas_src>

<mosaic_0001>
#map = affine_map<(d0, d1) -> (0, 0)>
module attributes {stable_mosaic.version = 14 : i64} {
  func.func @_emb_body(%arg0: i32, %arg1: i32, %arg2: memref<6400x128xi32, #tpu.memory_space<hbm>>, %arg3: memref<50008x128xf32, #tpu.memory_space<hbm>>, %arg4: memref<819200x128xf32, #tpu.memory_space<hbm>>, %arg5: memref<5x128xi32, #tpu.memory_space<vmem>>, %arg6: memref<5x128x128xf32, #tpu.memory_space<vmem>>, %arg7: memref<!tpu.dma_semaphore, #tpu.memory_space<semaphore_mem>>, %arg8: memref<!tpu.dma_semaphore, #tpu.memory_space<semaphore_mem>>, %arg9: memref<!tpu.dma_semaphore, #tpu.memory_space<semaphore_mem>>, %arg10: memref<!tpu.dma_semaphore, #tpu.memory_space<semaphore_mem>>, %arg11: memref<!tpu.dma_semaphore, #tpu.memory_space<semaphore_mem>>, %arg12: memref<!tpu.dma_semaphore, #tpu.memory_space<semaphore_mem>>, %arg13: memref<!tpu.dma_semaphore, #tpu.memory_space<semaphore_mem>>, %arg14: memref<!tpu.dma_semaphore, #tpu.memory_space<semaphore_mem>>, %arg15: memref<!tpu.dma_semaphore, #tpu.memory_space<semaphore_mem>>, %arg16: memref<!tpu.dma_semaphore, #tpu.memory_space<semaphore_mem>>) attributes {dimension_semantics = [#tpu.dimension_semantics<core_parallel>, #tpu.dimension_semantics<subcore_parallel>], iteration_bounds = array<i64: 2, 16>, scalar_prefetch = 0 : i64, scratch_operands = 12 : i64, tpu.core_type = #tpu.core_type<sc_vector_subcore>, window_params = [{transform_indices = #map}, {transform_indices = #map}, {transform_indices = #map}]} {
    %mul3A = arith.constant 2 : i32
    %mul3A_0 = arith.muli %arg1, %mul3A : i32
    %add3A = arith.addi %mul3A_0, %arg0 : i32
    %mul3A_1 = arith.constant 200 : i32
    %mul3A_2 = arith.muli %add3A, %mul3A_1 : i32
    %add3A_3 = arith.constant 0 : i32
    %add3A_4 = arith.addi %mul3A_2, %add3A_3 : i32
    "tpu.region"() ({
      %run_scoped3A_837 = tpu.sem_alloc : memref<!tpu.dma_semaphore, #tpu.memory_space<semaphore_mem>>
      %dma_start3A_838 = arith.constant 0 : i32
      %dma_start3A_839 = arith.constant 0 : i32
      %dma_start3A_840 = tpu.memref_slice %arg5[%dma_start3A_838, %dma_start3A_839] : memref<5x128xi32, #tpu.memory_space<vmem>> -> memref<1x128xi32, #tpu.memory_space<vmem>>
      %dma_start3A_841 = arith.constant 0 : i32
      %dma_start3A_842 = tpu.memref_slice %arg2[%add3A_4, %dma_start3A_841] : memref<6400x128xi32, #tpu.memory_space<hbm>> -> memref<1x128xi32, #tpu.memory_space<hbm>>
      %dma_start3A_843 = arith.constant 0 : i32
      %dma_start3A_844 = arith.constant 0 : i32
      %dma_start3A_845 = tpu.memref_slice %arg5[%dma_start3A_843, %dma_start3A_844] : memref<5x128xi32, #tpu.memory_space<vmem>> -> memref<1x128xi32, #tpu.memory_space<vmem>>
      %dma_start3A_846 = arith.constant 0 : i32
      %dma_start3A_847 = tpu.memref_slice %arg2[%add3A_4, %dma_start3A_846] : memref<6400x128xi32, #tpu.memory_space<hbm>> -> memref<1x128xi32, #tpu.memory_space<hbm>>
      tpu.enqueue_dma source(%dma_start3A_847 : memref<1x128xi32, #tpu.memory_space<hbm>>) target(%dma_start3A_845 : memref<1x128xi32, #tpu.memory_space<vmem>>) target_semaphore(%run_scoped3A_837 : memref<!tpu.dma_semaphore, #tpu.memory_space<semaphore_mem>>)
      %dma_wait3A_848 = arith.constant 0 : i32
      %dma_wait3A_849 = arith.constant 0 : i32
      %dma_wait3A_850 = tpu.memref_slice %arg5[%dma_wait3A_848, %dma_wait3A_849] : memref<5x128xi32, #tpu.memory_space<vmem>> -> memref<1x128xi32, #tpu.memory_space<vmem>>
      %dma_wait3A_851 = arith.constant 0 : i32
      %dma_wait3A_852 = tpu.memref_slice %arg2[%add3A_4, %dma_wait3A_851] : memref<6400x128xi32, #tpu.memory_space<hbm>> -> memref<1x128xi32, #tpu.memory_space<hbm>>
      %dma_wait3A_853 = arith.constant 0 : i32
      %dma_wait3A_854 = arith.constant 0 : i32
      %dma_wait3A_855 = tpu.memref_slice %arg5[%dma_wait3A_853, %dma_wait3A_854] : memref<5x128xi32, #tpu.memory_space<vmem>> -> memref<1x128xi32, #tpu.memory_space<vmem>>
      %dma_wait3A_856 = arith.constant 0 : i32
      %dma_wait3A_857 = tpu.memref_slice %arg2[%add3A_4, %dma_wait3A_856] : memref<6400x128xi32, #tpu.memory_space<hbm>> -> memref<1x128xi32, #tpu.memory_space<hbm>>
      tpu.wait_dma2 semaphore(%run_scoped3A_837 : memref<!tpu.dma_semaphore, #tpu.memory_space<semaphore_mem>>) src(%dma_wait3A_857 : memref<1x128xi32, #tpu.memory_space<hbm>>) dst(%dma_wait3A_855 : memref<1x128xi32, #tpu.memory_space<vmem>>)
      tpu.yield
    }) : () -> ()
    %get3A = arith.constant 0 : i32
    %get3A_5 = arith.index_cast %get3A : i32 to index
    %get3A_6 = arith.constant 0 : index
    %get3A_7 = tpu.vector_load %arg5[%get3A_5, %get3A_6] {strides = array<i32>} : memref<5x128xi32, #tpu.memory_space<vmem>>, vector<1x16xi32>,
    %get3A_8 = vector.shape_cast %get3A_7 : vector<1x16xi32> to vector<16xi32>
    %lt3A = arith.constant 50000 : i32
    %lt3A_9 = vector.broadcast %lt3A : i32 to vector<16xi32>
    %lt3A_10 = arith.cmpi slt, %get3A_8, %lt3A_9 : vector<16xi32>
    %jit3A = arith.constant 50000 : i32
    %broadcast_in_dim3A = vector.broadcast %jit3A : i32 to vector<16xi32>
    %select_n3A = arith.select %lt3A_10, %get3A_8, %broadcast_in_dim3A : vector<16xi1>, vector<16xi32>
    %swap3A = arith.constant 0 : i32
    %swap3A_11 = arith.index_cast %swap3A : i32 to index
    %swap3A_12 = arith.constant 0 : index
    %swap3A_13 = tpu.vector_load %arg5[%swap3A_11, %swap3A_12] {strides = array<i32>} : memref<5x128xi32, #tpu.memory_space<vmem>>, vector<1x16xi32>,
    %swap3A_14 = vector.shape_cast %swap3A_13 : vector<1x16xi32> to vector<16xi32>
    %swap3A_15 = vector.shape_cast %select_n3A : vector<16xi32> to vector<1x16xi32>
    tpu.vector_store %arg5[%swap3A_11, %swap3A_12], %swap3A_15 {strides = array<i32>} : memref<5x128xi32, #tpu.memory_space<vmem>>, vector<1x16xi32>,
    %get3A_16 = arith.constant 0 : i32
    %get3A_17 = arith.index_cast %get3A_16 : i32 to index
    %get3A_18 = arith.constant 16 : index
    %get3A_19 = tpu.vector_load %arg5[%get3A_17, %get3A_18] {strides = array<i32>} : memref<5x128xi32, #tpu.memory_space<vmem>>, vector<1x16xi32>,
    %get3A_20 = vector.shape_cast %get3A_19 : vector<1x16xi32> to vector<16xi32>
    %lt3A_21 = arith.constant 50000 : i32
    %lt3A_22 = vector.broadcast %lt3A_21 : i32 to vector<16xi32>
    %lt3A_23 = arith.cmpi slt, %get3A_20, %lt3A_22 : vector<16xi32>
    %jit3A_24 = arith.constant 50000 : i32
    %broadcast_in_dim3A_25 = vector.broadcast %jit3A_24 : i32 to vector<16xi32>
    %select_n3A_26 = arith.select %lt3A_23, %get3A_20, %broadcast_in_dim3A_25 : vector<16xi1>, vector<16xi32>
    %swap3A_27 = arith.constant 0 : i32
    %swap3A_28 = arith.index_cast %swap3A_27 : i32 to index
    %swap3A_29 = arith.constant 16 : index
    %swap3A_30 = tpu.vector_load %arg5[%swap3A_28, %swap3A_29] {strides = array<i32>} : memref<5x128xi32, #tpu.memory_space<vmem>>, vector<1x16xi32>,
    %swap3A_31 = vector.shape_cast %swap3A_30 : vector<1x16xi32> to vector<16xi32>
    %swap3A_32 = vector.shape_cast %select_n3A_26 : vector<16xi32> to vector<1x16xi32>
    tpu.vector_store %arg5[%swap3A_28, %swap3A_29], %swap3A_32 {strides = array<i32>} : memref<5x128xi32, #tpu.memory_space<vmem>>, vector<1x16xi32>,
    %get3A_33 = arith.constant 0 : i32
    %get3A_34 = arith.index_cast %get3A_33 : i32 to index
    %get3A_35 = arith.constant 32 : index
    %get3A_36 = tpu.vector_load %arg5[%get3A_34, %get3A_35] {strides = array<i32>} : memref<5x128xi32, #tpu.memory_space<vmem>>, vector<1x16xi32>,
    %get3A_37 = vector.shape_cast %get3A_36 : vector<1x16xi32> to vector<16xi32>
    %lt3A_38 = arith.constant 50000 : i32
    %lt3A_39 = vector.broadcast %lt3A_38 : i32 to vector<16xi32>
    %lt3A_40 = arith.cmpi slt, %get3A_37, %lt3A_39 : vector<16xi32>
    %jit3A_41 = arith.constant 50000 : i32
    %broadcast_in_dim3A_42 = vector.broadcast %jit3A_41 : i32 to vector<16xi32>
    %select_n3A_43 = arith.select %lt3A_40, %get3A_37, %broadcast_in_dim3A_42 : vector<16xi1>, vector<16xi32>
    %swap3A_44 = arith.constant 0 : i32
    %swap3A_45 = arith.index_cast %swap3A_44 : i32 to index
    %swap3A_46 = arith.constant 32 : index
    %swap3A_47 = tpu.vector_load %arg5[%swap3A_45, %swap3A_46] {strides = array<i32>} : memref<5x128xi32, #tpu.memory_space<vmem>>, vector<1x16xi32>,
    %swap3A_48 = vector.shape_cast %swap3A_47 : vector<1x16xi32> to vector<16xi32>
    %swap3A_49 = vector.shape_cast %select_n3A_43 : vector<16xi32> to vector<1x16xi32>
    tpu.vector_store %arg5[%swap3A_45, %swap3A_46], %swap3A_49 {strides = array<i32>} : memref<5x128xi32, #tpu.memory_space<vmem>>, vector<1x16xi32>,
    %get3A_50 = arith.constant 0 : i32
    %get3A_51 = arith.index_cast %get3A_50 : i32 to index
    %get3A_52 = arith.constant 48 : index
    %get3A_53 = tpu.vector_load %arg5[%get3A_51, %get3A_52] {strides = array<i32>} : memref<5x128xi32, #tpu.memory_space<vmem>>, vector<1x16xi32>,
    %get3A_54 = vector.shape_cast %get3A_53 : vector<1x16xi32> to vector<16xi32>
    %lt3A_55 = arith.constant 50000 : i32
    %lt3A_56 = vector.broadcast %lt3A_55 : i32 to vector<16xi32>
    %lt3A_57 = arith.cmpi slt, %get3A_54, %lt3A_56 : vector<16xi32>
    %jit3A_58 = arith.constant 50000 : i32
    %broadcast_in_dim3A_59 = vector.broadcast %jit3A_58 : i32 to vector<16xi32>
    %select_n3A_60 = arith.select %lt3A_57, %get3A_54, %broadcast_in_dim3A_59 : vector<16xi1>, vector<16xi32>
    %swap3A_61 = arith.constant 0 : i32
    %swap3A_62 = arith.index_cast %swap3A_61 : i32 to index
    %swap3A_63 = arith.constant 48 : index
    %swap3A_64 = tpu.vector_load %arg5[%swap3A_62, %swap3A_63] {strides = array<i32>} : memref<5x128xi32, #tpu.memory_space<vmem>>, vector<1x16xi32>,
    %swap3A_65 = vector.shape_cast %swap3A_64 : vector<1x16xi32> to vector<16xi32>
    %swap3A_66 = vector.shape_cast %select_n3A_60 : vector<16xi32> to vector<1x16xi32>
    tpu.vector_store %arg5[%swap3A_62, %swap3A_63], %swap3A_66 {strides = array<i32>} : memref<5x128xi32, #tpu.memory_space<vmem>>, vector<1x16xi32>,
    %get3A_67 = arith.constant 0 : i32
    %get3A_68 = arith.index_cast %get3A_67 : i32 to index
    %get3A_69 = arith.constant 64 : index
    %get3A_70 = tpu.vector_load %arg5[%get3A_68, %get3A_69] {strides = array<i32>} : memref<5x128xi32, #tpu.memory_space<vmem>>, vector<1x16xi32>,
    %get3A_71 = vector.shape_cast %get3A_70 : vector<1x16xi32> to vector<16xi32>
    %lt3A_72 = arith.constant 50000 : i32
    %lt3A_73 = vector.broadcast %lt3A_72 : i32 to vector<16xi32>
    %lt3A_74 = arith.cmpi slt, %get3A_71, %lt3A_73 : vector<16xi32>
    %jit3A_75 = arith.constant 50000 : i32
    %broadcast_in_dim3A_76 = vector.broadcast %jit3A_75 : i32 to vector<16xi32>
    %select_n3A_77 = arith.select %lt3A_74, %get3A_71, %broadcast_in_dim3A_76 : vector<16xi1>, vector<16xi32>
    %swap3A_78 = arith.constant 0 : i32
    %swap3A_79 = arith.index_cast %swap3A_78 : i32 to index
    %swap3A_80 = arith.constant 64 : index
    %swap3A_81 = tpu.vector_load %arg5[%swap3A_79, %swap3A_80] {strides = array<i32>} : memref<5x128xi32, #tpu.memory_space<vmem>>, vector<1x16xi32>,
    %swap3A_82 = vector.shape_cast %swap3A_81 : vector<1x16xi32> to vector<16xi32>
    %swap3A_83 = vector.shape_cast %select_n3A_77 : vector<16xi32> to vector<1x16xi32>
    tpu.vector_store %arg5[%swap3A_79, %swap3A_80], %swap3A_83 {strides = array<i32>} : memref<5x128xi32, #tpu.memory_space<vmem>>, vector<1x16xi32>,
    %get3A_84 = arith.constant 0 : i32
    %get3A_85 = arith.index_cast %get3A_84 : i32 to index
    %get3A_86 = arith.constant 80 : index
    %get3A_87 = tpu.vector_load %arg5[%get3A_85, %get3A_86] {strides = array<i32>} : memref<5x128xi32, #tpu.memory_space<vmem>>, vector<1x16xi32>,
    %get3A_88 = vector.shape_cast %get3A_87 : vector<1x16xi32> to vector<16xi32>
    %lt3A_89 = arith.constant 50000 : i32
    %lt3A_90 = vector.broadcast %lt3A_89 : i32 to vector<16xi32>
    %lt3A_91 = arith.cmpi slt, %get3A_88, %lt3A_90 : vector<16xi32>
    %jit3A_92 = arith.constant 50000 : i32
    %broadcast_in_dim3A_93 = vector.broadcast %jit3A_92 : i32 to vector<16xi32>
    %select_n3A_94 = arith.select %lt3A_91, %get3A_88, %broadcast_in_dim3A_93 : vector<16xi1>, vector<16xi32>
    %swap3A_95 = arith.constant 0 : i32
    %swap3A_96 = arith.index_cast %swap3A_95 : i32 to index
    %swap3A_97 = arith.constant 80 : index
    %swap3A_98 = tpu.vector_load %arg5[%swap3A_96, %swap3A_97] {strides = array<i32>} : memref<5x128xi32, #tpu.memory_space<vmem>>, vector<1x16xi32>,
    %swap3A_99 = vector.shape_cast %swap3A_98 : vector<1x16xi32> to vector<16xi32>
    %swap3A_100 = vector.shape_cast %select_n3A_94 : vector<16xi32> to vector<1x16xi32>
    tpu.vector_store %arg5[%swap3A_96, %swap3A_97], %swap3A_100 {strides = array<i32>} : memref<5x128xi32, #tpu.memory_space<vmem>>, vector<1x16xi32>,
    %get3A_101 = arith.constant 0 : i32
    %get3A_102 = arith.index_cast %get3A_101 : i32 to index
    %get3A_103 = arith.constant 96 : index
    %get3A_104 = tpu.vector_load %arg5[%get3A_102, %get3A_103] {strides = array<i32>} : memref<5x128xi32, #tpu.memory_space<vmem>>, vector<1x16xi32>,
    %get3A_105 = vector.shape_cast %get3A_104 : vector<1x16xi32> to vector<16xi32>
    %lt3A_106 = arith.constant 50000 : i32
    %lt3A_107 = vector.broadcast %lt3A_106 : i32 to vector<16xi32>
    %lt3A_108 = arith.cmpi slt, %get3A_105, %lt3A_107 : vector<16xi32>
    %jit3A_109 = arith.constant 50000 : i32
    %broadcast_in_dim3A_110 = vector.broadcast %jit3A_109 : i32 to vector<16xi32>
    %select_n3A_111 = arith.select %lt3A_108, %get3A_105, %broadcast_in_dim3A_110 : vector<16xi1>, vector<16xi32>
    %swap3A_112 = arith.constant 0 : i32
    %swap3A_113 = arith.index_cast %swap3A_112 : i32 to index
    %swap3A_114 = arith.constant 96 : index
    %swap3A_115 = tpu.vector_load %arg5[%swap3A_113, %swap3A_114] {strides = array<i32>} : memref<5x128xi32, #tpu.memory_space<vmem>>, vector<1x16xi32>,
    %swap3A_116 = vector.shape_cast %swap3A_115 : vector<1x16xi32> to vector<16xi32>
    %swap3A_117 = vector.shape_cast %select_n3A_111 : vector<16xi32> to vector<1x16xi32>
    tpu.vector_store %arg5[%swap3A_113, %swap3A_114], %swap3A_117 {strides = array<i32>} : memref<5x128xi32, #tpu.memory_space<vmem>>, vector<1x16xi32>,
    %get3A_118 = arith.constant 0 : i32
    %get3A_119 = arith.index_cast %get3A_118 : i32 to index
    %get3A_120 = arith.constant 112 : index
    %get3A_121 = tpu.vector_load %arg5[%get3A_119, %get3A_120] {strides = array<i32>} : memref<5x128xi32, #tpu.memory_space<vmem>>, vector<1x16xi32>,
    %get3A_122 = vector.shape_cast %get3A_121 : vector<1x16xi32> to vector<16xi32>
    %lt3A_123 = arith.constant 50000 : i32
    %lt3A_124 = vector.broadcast %lt3A_123 : i32 to vector<16xi32>
    %lt3A_125 = arith.cmpi slt, %get3A_122, %lt3A_124 : vector<16xi32>
    %jit3A_126 = arith.constant 50000 : i32
    %broadcast_in_dim3A_127 = vector.broadcast %jit3A_126 : i32 to vector<16xi32>
    %select_n3A_128 = arith.select %lt3A_125, %get3A_122, %broadcast_in_dim3A_127 : vector<16xi1>, vector<16xi32>
    %swap3A_129 = arith.constant 0 : i32
    %swap3A_130 = arith.index_cast %swap3A_129 : i32 to index
    %swap3A_131 = arith.constant 112 : index
    %swap3A_132 = tpu.vector_load %arg5[%swap3A_130, %swap3A_131] {strides = array<i32>} : memref<5x128xi32, #tpu.memory_space<vmem>>, vector<1x16xi32>,
    %swap3A_133 = vector.shape_cast %swap3A_132 : vector<1x16xi32> to vector<16xi32>
    %swap3A_134 = vector.shape_cast %select_n3A_128 : vector<16xi32> to vector<1x16xi32>
    tpu.vector_store %arg5[%swap3A_130, %swap3A_131], %swap3A_134 {strides = array<i32>} : memref<5x128xi32, #tpu.memory_space<vmem>>, vector<1x16xi32>,
    %dma_start3A = arith.constant 0 : i32
    %dma_start3A_135 = arith.constant 0 : i32
    %dma_start3A_136 = arith.constant 0 : i32
    %dma_start3A_137 = arith.constant 0 : i32
    %dma_start3A_138 = tpu.memref_slice %arg6[%dma_start3A_135, %dma_start3A_136, %dma_start3A_137] : memref<5x128x128xf32, #tpu.memory_space<vmem>> -> memref<1x128x128xf32, #tpu.memory_space<vmem>>
    %dma_start3A_139 = tpu.memref_squeeze %dma_start3A_138 : memref<1x128x128xf32, #tpu.memory_space<vmem>> -> memref<128x128xf32, #tpu.memory_space<vmem>>
    %dma_start3A_140 = arith.constant 0 : i32
    %dma_start3A_141 = tpu.memref_slice %arg5[%dma_start3A, %dma_start3A_140] : memref<5x128xi32, #tpu.memory_space<vmem>> -> memref<1x128xi32, #tpu.memory_space<vmem>>
    %dma_start3A_142 = tpu.memref_squeeze %dma_start3A_141 : memref<1x128xi32, #tpu.memory_space<vmem>> -> memref<128xi32, #tpu.memory_space<vmem>>
    %dma_start3A_143 = arith.constant 0 : i32
    %dma_start3A_144 = arith.constant 0 : i32
    %dma_start3A_145 = tpu.memref_slice %arg3[%dma_start3A_143, %dma_start3A_144] : memref<50008x128xf32, #tpu.memory_space<hbm>> -> memref<50008x128xf32, #tpu.memory_space<hbm>>
    tpu.enqueue_indirect_dma source(%dma_start3A_145 : memref<50008x128xf32, #tpu.memory_space<hbm>>) target(%dma_start3A_139 : memref<128x128xf32, #tpu.memory_space<vmem>>) offsets(%dma_start3A_142 : memref<128xi32, #tpu.memory_space<vmem>>) semaphore(%arg7 : memref<!tpu.dma_semaphore, #tpu.memory_space<semaphore_mem>>)
    %add3A_146 = arith.constant 1 : i32
    %add3A_147 = arith.addi %mul3A_2, %add3A_146 : i32
    "tpu.region"() ({
      %run_scoped3A_837 = tpu.sem_alloc : memref<!tpu.dma_semaphore, #tpu.memory_space<semaphore_mem>>
      %dma_start3A_838 = arith.constant 1 : i32
      %dma_start3A_839 = arith.constant 0 : i32
      %dma_start3A_840 = tpu.memref_slice %arg5[%dma_start3A_838, %dma_start3A_839] : memref<5x128xi32, #tpu.memory_space<vmem>> -> memref<1x128xi32, #tpu.memory_space<vmem>>
      %dma_start3A_841 = arith.constant 0 : i32
      %dma_start3A_842 = tpu.memref_slice %arg2[%add3A_147, %dma_start3A_841] : memref<6400x128xi32, #tpu.memory_space<hbm>> -> memref<1x128xi32, #tpu.memory_space<hbm>>
      %dma_start3A_843 = arith.constant 1 : i32
      %dma_start3A_844 = arith.constant 0 : i32
      %dma_start3A_845 = tpu.memref_slice %arg5[%dma_start3A_843, %dma_start3A_844] : memref<5x128xi32, #tpu.memory_space<vmem>> -> memref<1x128xi32, #tpu.memory_space<vmem>>
      %dma_start3A_846 = arith.constant 0 : i32
      %dma_start3A_847 = tpu.memref_slice %arg2[%add3A_147, %dma_start3A_846] : memref<6400x128xi32, #tpu.memory_space<hbm>> -> memref<1x128xi32, #tpu.memory_space<hbm>>
      tpu.enqueue_dma source(%dma_start3A_847 : memref<1x128xi32, #tpu.memory_space<hbm>>) target(%dma_start3A_845 : memref<1x128xi32, #tpu.memory_space<vmem>>) target_semaphore(%run_scoped3A_837 : memref<!tpu.dma_semaphore, #tpu.memory_space<semaphore_mem>>)
      %dma_wait3A_848 = arith.constant 1 : i32
      %dma_wait3A_849 = arith.constant 0 : i32
      %dma_wait3A_850 = tpu.memref_slice %arg5[%dma_wait3A_848, %dma_wait3A_849] : memref<5x128xi32, #tpu.memory_space<vmem>> -> memref<1x128xi32, #tpu.memory_space<vmem>>
      %dma_wait3A_851 = arith.constant 0 : i32
      %dma_wait3A_852 = tpu.memref_slice %arg2[%add3A_147, %dma_wait3A_851] : memref<6400x128xi32, #tpu.memory_space<hbm>> -> memref<1x128xi32, #tpu.memory_space<hbm>>
      %dma_wait3A_853 = arith.constant 1 : i32
      %dma_wait3A_854 = arith.constant 0 : i32
      %dma_wait3A_855 = tpu.memref_slice %arg5[%dma_wait3A_853, %dma_wait3A_854] : memref<5x128xi32, #tpu.memory_space<vmem>> -> memref<1x128xi32, #tpu.memory_space<vmem>>
      %dma_wait3A_856 = arith.constant 0 : i32
      %dma_wait3A_857 = tpu.memref_slice %arg2[%add3A_147, %dma_wait3A_856] : memref<6400x128xi32, #tpu.memory_space<hbm>> -> memref<1x128xi32, #tpu.memory_space<hbm>>
      tpu.wait_dma2 semaphore(%run_scoped3A_837 : memref<!tpu.dma_semaphore, #tpu.memory_space<semaphore_mem>>) src(%dma_wait3A_857 : memref<1x128xi32, #tpu.memory_space<hbm>>) dst(%dma_wait3A_855 : memref<1x128xi32, #tpu.memory_space<vmem>>)
      tpu.yield
    }) : () -> ()
    %get3A_148 = arith.constant 1 : i32
    %get3A_149 = arith.index_cast %get3A_148 : i32 to index
    %get3A_150 = arith.constant 0 : index
    %get3A_151 = tpu.vector_load %arg5[%get3A_149, %get3A_150] {strides = array<i32>} : memref<5x128xi32, #tpu.memory_space<vmem>>, vector<1x16xi32>,
    %get3A_152 = vector.shape_cast %get3A_151 : vector<1x16xi32> to vector<16xi32>
    %lt3A_153 = arith.constant 50000 : i32
    %lt3A_154 = vector.broadcast %lt3A_153 : i32 to vector<16xi32>
    %lt3A_155 = arith.cmpi slt, %get3A_152, %lt3A_154 : vector<16xi32>
    %jit3A_156 = arith.constant 50000 : i32
    %broadcast_in_dim3A_157 = vector.broadcast %jit3A_156 : i32 to vector<16xi32>
    %select_n3A_158 = arith.select %lt3A_155, %get3A_152, %broadcast_in_dim3A_157 : vector<16xi1>, vector<16xi32>
    %swap3A_159 = arith.constant 1 : i32
    %swap3A_160 = arith.index_cast %swap3A_159 : i32 to index
    %swap3A_161 = arith.constant 0 : index
    %swap3A_162 = tpu.vector_load %arg5[%swap3A_160, %swap3A_161] {strides = array<i32>} : memref<5x128xi32, #tpu.memory_space<vmem>>, vector<1x16xi32>,
    %swap3A_163 = vector.shape_cast %swap3A_162 : vector<1x16xi32> to vector<16xi32>
    %swap3A_164 = vector.shape_cast %select_n3A_158 : vector<16xi32> to vector<1x16xi32>
    tpu.vector_store %arg5[%swap3A_160, %swap3A_161], %swap3A_164 {strides = array<i32>} : memref<5x128xi32, #tpu.memory_space<vmem>>, vector<1x16xi32>,
    %get3A_165 = arith.constant 1 : i32
    %get3A_166 = arith.index_cast %get3A_165 : i32 to index
    %get3A_167 = arith.constant 16 : index
    %get3A_168 = tpu.vector_load %arg5[%get3A_166, %get3A_167] {strides = array<i32>} : memref<5x128xi32, #tpu.memory_space<vmem>>, vector<1x16xi32>,
    %get3A_169 = vector.shape_cast %get3A_168 : vector<1x16xi32> to vector<16xi32>
    %lt3A_170 = arith.constant 50000 : i32
    %lt3A_171 = vector.broadcast %lt3A_170 : i32 to vector<16xi32>
    %lt3A_172 = arith.cmpi slt, %get3A_169, %lt3A_171 : vector<16xi32>
    %jit3A_173 = arith.constant 50000 : i32
    %broadcast_in_dim3A_174 = vector.broadcast %jit3A_173 : i32 to vector<16xi32>
    %select_n3A_175 = arith.select %lt3A_172, %get3A_169, %broadcast_in_dim3A_174 : vector<16xi1>, vector<16xi32>
    %swap3A_176 = arith.constant 1 : i32
    %swap3A_177 = arith.index_cast %swap3A_176 : i32 to index
    %swap3A_178 = arith.constant 16 : index
    %swap3A_179 = tpu.vector_load %arg5[%swap3A_177, %swap3A_178] {strides = array<i32>} : memref<5x128xi32, #tpu.memory_space<vmem>>, vector<1x16xi32>,
    %swap3A_180 = vector.shape_cast %swap3A_179 : vector<1x16xi32> to vector<16xi32>
    %swap3A_181 = vector.shape_cast %select_n3A_175 : vector<16xi32> to vector<1x16xi32>
    tpu.vector_store %arg5[%swap3A_177, %swap3A_178], %swap3A_181 {strides = array<i32>} : memref<5x128xi32, #tpu.memory_space<vmem>>, vector<1x16xi32>,
    %get3A_182 = arith.constant 1 : i32
    %get3A_183 = arith.index_cast %get3A_182 : i32 to index
    %get3A_184 = arith.constant 32 : index
    %get3A_185 = tpu.vector_load %arg5[%get3A_183, %get3A_184] {strides = array<i32>} : memref<5x128xi32, #tpu.memory_space<vmem>>, vector<1x16xi32>,
    %get3A_186 = vector.shape_cast %get3A_185 : vector<1x16xi32> to vector<16xi32>
    %lt3A_187 = arith.constant 50000 : i32
    %lt3A_188 = vector.broadcast %lt3A_187 : i32 to vector<16xi32>
    %lt3A_189 = arith.cmpi slt, %get3A_186, %lt3A_188 : vector<16xi32>
    %jit3A_190 = arith.constant 50000 : i32
    %broadcast_in_dim3A_191 = vector.broadcast %jit3A_190 : i32 to vector<16xi32>
    %select_n3A_192 = arith.select %lt3A_189, %get3A_186, %broadcast_in_dim3A_191 : vector<16xi1>, vector<16xi32>
    %swap3A_193 = arith.constant 1 : i32
    %swap3A_194 = arith.index_cast %swap3A_193 : i32 to index
    %swap3A_195 = arith.constant 32 : index
    %swap3A_196 = tpu.vector_load %arg5[%swap3A_194, %swap3A_195] {strides = array<i32>} : memref<5x128xi32, #tpu.memory_space<vmem>>, vector<1x16xi32>,
    %swap3A_197 = vector.shape_cast %swap3A_196 : vector<1x16xi32> to vector<16xi32>
    %swap3A_198 = vector.shape_cast %select_n3A_192 : vector<16xi32> to vector<1x16xi32>
    tpu.vector_store %arg5[%swap3A_194, %swap3A_195], %swap3A_198 {strides = array<i32>} : memref<5x128xi32, #tpu.memory_space<vmem>>, vector<1x16xi32>,
    %get3A_199 = arith.constant 1 : i32
    %get3A_200 = arith.index_cast %get3A_199 : i32 to index
    %get3A_201 = arith.constant 48 : index
    %get3A_202 = tpu.vector_load %arg5[%get3A_200, %get3A_201] {strides = array<i32>} : memref<5x128xi32, #tpu.memory_space<vmem>>, vector<1x16xi32>,
    %get3A_203 = vector.shape_cast %get3A_202 : vector<1x16xi32> to vector<16xi32>
    %lt3A_204 = arith.constant 50000 : i32
    %lt3A_205 = vector.broadcast %lt3A_204 : i32 to vector<16xi32>
    %lt3A_206 = arith.cmpi slt, %get3A_203, %lt3A_205 : vector<16xi32>
    %jit3A_207 = arith.constant 50000 : i32
    %broadcast_in_dim3A_208 = vector.broadcast %jit3A_207 : i32 to vector<16xi32>
    %select_n3A_209 = arith.select %lt3A_206, %get3A_203, %broadcast_in_dim3A_208 : vector<16xi1>, vector<16xi32>
    %swap3A_210 = arith.constant 1 : i32
    %swap3A_211 = arith.index_cast %swap3A_210 : i32 to index
    %swap3A_212 = arith.constant 48 : index
    %swap3A_213 = tpu.vector_load %arg5[%swap3A_211, %swap3A_212] {strides = array<i32>} : memref<5x128xi32, #tpu.memory_space<vmem>>, vector<1x16xi32>,
    %swap3A_214 = vector.shape_cast %swap3A_213 : vector<1x16xi32> to vector<16xi32>
    %swap3A_215 = vector.shape_cast %select_n3A_209 : vector<16xi32> to vector<1x16xi32>
    tpu.vector_store %arg5[%swap3A_211, %swap3A_212], %swap3A_215 {strides = array<i32>} : memref<5x128xi32, #tpu.memory_space<vmem>>, vector<1x16xi32>,
    %get3A_216 = arith.constant 1 : i32
    %get3A_217 = arith.index_cast %get3A_216 : i32 to index
    %get3A_218 = arith.constant 64 : index
    %get3A_219 = tpu.vector_load %arg5[%get3A_217, %get3A_218] {strides = array<i32>} : memref<5x128xi32, #tpu.memory_space<vmem>>, vector<1x16xi32>,
    %get3A_220 = vector.shape_cast %get3A_219 : vector<1x16xi32> to vector<16xi32>
    %lt3A_221 = arith.constant 50000 : i32
    %lt3A_222 = vector.broadcast %lt3A_221 : i32 to vector<16xi32>
    %lt3A_223 = arith.cmpi slt, %get3A_220, %lt3A_222 : vector<16xi32>
    %jit3A_224 = arith.constant 50000 : i32
    %broadcast_in_dim3A_225 = vector.broadcast %jit3A_224 : i32 to vector<16xi32>
    %select_n3A_226 = arith.select %lt3A_223, %get3A_220, %broadcast_in_dim3A_225 : vector<16xi1>, vector<16xi32>
    %swap3A_227 = arith.constant 1 : i32
    %swap3A_228 = arith.index_cast %swap3A_227 : i32 to index
    %swap3A_229 = arith.constant 64 : index
    %swap3A_230 = tpu.vector_load %arg5[%swap3A_228, %swap3A_229] {strides = array<i32>} : memref<5x128xi32, #tpu.memory_space<vmem>>, vector<1x16xi32>,
    %swap3A_231 = vector.shape_cast %swap3A_230 : vector<1x16xi32> to vector<16xi32>
    %swap3A_232 = vector.shape_cast %select_n3A_226 : vector<16xi32> to vector<1x16xi32>
    tpu.vector_store %arg5[%swap3A_228, %swap3A_229], %swap3A_232 {strides = array<i32>} : memref<5x128xi32, #tpu.memory_space<vmem>>, vector<1x16xi32>,
    %get3A_233 = arith.constant 1 : i32
    %get3A_234 = arith.index_cast %get3A_233 : i32 to index
    %get3A_235 = arith.constant 80 : index
    %get3A_236 = tpu.vector_load %arg5[%get3A_234, %get3A_235] {strides = array<i32>} : memref<5x128xi32, #tpu.memory_space<vmem>>, vector<1x16xi32>,
    %get3A_237 = vector.shape_cast %get3A_236 : vector<1x16xi32> to vector<16xi32>
    %lt3A_238 = arith.constant 50000 : i32
    %lt3A_239 = vector.broadcast %lt3A_238 : i32 to vector<16xi32>
    %lt3A_240 = arith.cmpi slt, %get3A_237, %lt3A_239 : vector<16xi32>
    %jit3A_241 = arith.constant 50000 : i32
    %broadcast_in_dim3A_242 = vector.broadcast %jit3A_241 : i32 to vector<16xi32>
    %select_n3A_243 = arith.select %lt3A_240, %get3A_237, %broadcast_in_dim3A_242 : vector<16xi1>, vector<16xi32>
    %swap3A_244 = arith.constant 1 : i32
    %swap3A_245 = arith.index_cast %swap3A_244 : i32 to index
    %swap3A_246 = arith.constant 80 : index
    %swap3A_247 = tpu.vector_load %arg5[%swap3A_245, %swap3A_246] {strides = array<i32>} : memref<5x128xi32, #tpu.memory_space<vmem>>, vector<1x16xi32>,
    %swap3A_248 = vector.shape_cast %swap3A_247 : vector<1x16xi32> to vector<16xi32>
    %swap3A_249 = vector.shape_cast %select_n3A_243 : vector<16xi32> to vector<1x16xi32>
    tpu.vector_store %arg5[%swap3A_245, %swap3A_246], %swap3A_249 {strides = array<i32>} : memref<5x128xi32, #tpu.memory_space<vmem>>, vector<1x16xi32>,
    %get3A_250 = arith.constant 1 : i32
    %get3A_251 = arith.index_cast %get3A_250 : i32 to index
    %get3A_252 = arith.constant 96 : index
    %get3A_253 = tpu.vector_load %arg5[%get3A_251, %get3A_252] {strides = array<i32>} : memref<5x128xi32, #tpu.memory_space<vmem>>, vector<1x16xi32>,
    %get3A_254 = vector.shape_cast %get3A_253 : vector<1x16xi32> to vector<16xi32>
    %lt3A_255 = arith.constant 50000 : i32
    %lt3A_256 = vector.broadcast %lt3A_255 : i32 to vector<16xi32>
    %lt3A_257 = arith.cmpi slt, %get3A_254, %lt3A_256 : vector<16xi32>
    %jit3A_258 = arith.constant 50000 : i32
    %broadcast_in_dim3A_259 = vector.broadcast %jit3A_258 : i32 to vector<16xi32>
    %select_n3A_260 = arith.select %lt3A_257, %get3A_254, %broadcast_in_dim3A_259 : vector<16xi1>, vector<16xi32>
    %swap3A_261 = arith.constant 1 : i32
    %swap3A_262 = arith.index_cast %swap3A_261 : i32 to index
    %swap3A_263 = arith.constant 96 : index
    %swap3A_264 = tpu.vector_load %arg5[%swap3A_262, %swap3A_263] {strides = array<i32>} : memref<5x128xi32, #tpu.memory_space<vmem>>, vector<1x16xi32>,
    %swap3A_265 = vector.shape_cast %swap3A_264 : vector<1x16xi32> to vector<16xi32>
    %swap3A_266 = vector.shape_cast %select_n3A_260 : vector<16xi32> to vector<1x16xi32>
    tpu.vector_store %arg5[%swap3A_262, %swap3A_263], %swap3A_266 {strides = array<i32>} : memref<5x128xi32, #tpu.memory_space<vmem>>, vector<1x16xi32>,
    %get3A_267 = arith.constant 1 : i32
    %get3A_268 = arith.index_cast %get3A_267 : i32 to index
    %get3A_269 = arith.constant 112 : index
    %get3A_270 = tpu.vector_load %arg5[%get3A_268, %get3A_269] {strides = array<i32>} : memref<5x128xi32, #tpu.memory_space<vmem>>, vector<1x16xi32>,
    %get3A_271 = vector.shape_cast %get3A_270 : vector<1x16xi32> to vector<16xi32>
    %lt3A_272 = arith.constant 50000 : i32
    %lt3A_273 = vector.broadcast %lt3A_272 : i32 to vector<16xi32>
    %lt3A_274 = arith.cmpi slt, %get3A_271, %lt3A_273 : vector<16xi32>
    %jit3A_275 = arith.constant 50000 : i32
    %broadcast_in_dim3A_276 = vector.broadcast %jit3A_275 : i32 to vector<16xi32>
    %select_n3A_277 = arith.select %lt3A_274, %get3A_271, %broadcast_in_dim3A_276 : vector<16xi1>, vector<16xi32>
    %swap3A_278 = arith.constant 1 : i32
    %swap3A_279 = arith.index_cast %swap3A_278 : i32 to index
    %swap3A_280 = arith.constant 112 : index
    %swap3A_281 = tpu.vector_load %arg5[%swap3A_279, %swap3A_280] {strides = array<i32>} : memref<5x128xi32, #tpu.memory_space<vmem>>, vector<1x16xi32>,
    %swap3A_282 = vector.shape_cast %swap3A_281 : vector<1x16xi32> to vector<16xi32>
    %swap3A_283 = vector.shape_cast %select_n3A_277 : vector<16xi32> to vector<1x16xi32>
    tpu.vector_store %arg5[%swap3A_279, %swap3A_280], %swap3A_283 {strides = array<i32>} : memref<5x128xi32, #tpu.memory_space<vmem>>, vector<1x16xi32>,
    %dma_start3A_284 = arith.constant 1 : i32
    %dma_start3A_285 = arith.constant 1 : i32
    %dma_start3A_286 = arith.constant 0 : i32
    %dma_start3A_287 = arith.constant 0 : i32
    %dma_start3A_288 = tpu.memref_slice %arg6[%dma_start3A_285, %dma_start3A_286, %dma_start3A_287] : memref<5x128x128xf32, #tpu.memory_space<vmem>> -> memref<1x128x128xf32, #tpu.memory_space<vmem>>
    %dma_start3A_289 = tpu.memref_squeeze %dma_start3A_288 : memref<1x128x128xf32, #tpu.memory_space<vmem>> -> memref<128x128xf32, #tpu.memory_space<vmem>>
    %dma_start3A_290 = arith.constant 0 : i32
    %dma_start3A_291 = tpu.memref_slice %arg5[%dma_start3A_284, %dma_start3A_290] : memref<5x128xi32, #tpu.memory_space<vmem>> -> memref<1x128xi32, #tpu.memory_space<vmem>>
    %dma_start3A_292 = tpu.memref_squeeze %dma_start3A_291 : memref<1x128xi32, #tpu.memory_space<vmem>> -> memref<128xi32, #tpu.memory_space<vmem>>
    %dma_start3A_293 = arith.constant 0 : i32
    %dma_start3A_294 = arith.constant 0 : i32
    %dma_start3A_295 = tpu.memref_slice %arg3[%dma_start3A_293, %dma_start3A_294] : memref<50008x128xf32, #tpu.memory_space<hbm>> -> memref<50008x128xf32, #tpu.memory_space<hbm>>
    tpu.enqueue_indirect_dma source(%dma_start3A_295 : memref<50008x128xf32, #tpu.memory_space<hbm>>) target(%dma_start3A_289 : memref<128x128xf32, #tpu.memory_space<vmem>>) offsets(%dma_start3A_292 : memref<128xi32, #tpu.memory_space<vmem>>) semaphore(%arg8 : memref<!tpu.dma_semaphore, #tpu.memory_space<semaphore_mem>>)
    %add3A_296 = arith.constant 2 : i32
    %add3A_297 = arith.addi %mul3A_2, %add3A_296 : i32
    "tpu.region"() ({
      %run_scoped3A_837 = tpu.sem_alloc : memref<!tpu.dma_semaphore, #tpu.memory_space<semaphore_mem>>
      %dma_start3A_838 = arith.constant 2 : i32
      %dma_start3A_839 = arith.constant 0 : i32
      %dma_start3A_840 = tpu.memref_slice %arg5[%dma_start3A_838, %dma_start3A_839] : memref<5x128xi32, #tpu.memory_space<vmem>> -> memref<1x128xi32, #tpu.memory_space<vmem>>
      %dma_start3A_841 = arith.constant 0 : i32
      %dma_start3A_842 = tpu.memref_slice %arg2[%add3A_297, %dma_start3A_841] : memref<6400x128xi32, #tpu.memory_space<hbm>> -> memref<1x128xi32, #tpu.memory_space<hbm>>
      %dma_start3A_843 = arith.constant 2 : i32
      %dma_start3A_844 = arith.constant 0 : i32
      %dma_start3A_845 = tpu.memref_slice %arg5[%dma_start3A_843, %dma_start3A_844] : memref<5x128xi32, #tpu.memory_space<vmem>> -> memref<1x128xi32, #tpu.memory_space<vmem>>
      %dma_start3A_846 = arith.constant 0 : i32
      %dma_start3A_847 = tpu.memref_slice %arg2[%add3A_297, %dma_start3A_846] : memref<6400x128xi32, #tpu.memory_space<hbm>> -> memref<1x128xi32, #tpu.memory_space<hbm>>
      tpu.enqueue_dma source(%dma_start3A_847 : memref<1x128xi32, #tpu.memory_space<hbm>>) target(%dma_start3A_845 : memref<1x128xi32, #tpu.memory_space<vmem>>) target_semaphore(%run_scoped3A_837 : memref<!tpu.dma_semaphore, #tpu.memory_space<semaphore_mem>>)
      %dma_wait3A_848 = arith.constant 2 : i32
      %dma_wait3A_849 = arith.constant 0 : i32
      %dma_wait3A_850 = tpu.memref_slice %arg5[%dma_wait3A_848, %dma_wait3A_849] : memref<5x128xi32, #tpu.memory_space<vmem>> -> memref<1x128xi32, #tpu.memory_space<vmem>>
      %dma_wait3A_851 = arith.constant 0 : i32
      %dma_wait3A_852 = tpu.memref_slice %arg2[%add3A_297, %dma_wait3A_851] : memref<6400x128xi32, #tpu.memory_space<hbm>> -> memref<1x128xi32, #tpu.memory_space<hbm>>
      %dma_wait3A_853 = arith.constant 2 : i32
      %dma_wait3A_854 = arith.constant 0 : i32
      %dma_wait3A_855 = tpu.memref_slice %arg5[%dma_wait3A_853, %dma_wait3A_854] : memref<5x128xi32, #tpu.memory_space<vmem>> -> memref<1x128xi32, #tpu.memory_space<vmem>>
      %dma_wait3A_856 = arith.constant 0 : i32
      %dma_wait3A_857 = tpu.memref_slice %arg2[%add3A_297, %dma_wait3A_856] : memref<6400x128xi32, #tpu.memory_space<hbm>> -> memref<1x128xi32, #tpu.memory_space<hbm>>
      tpu.wait_dma2 semaphore(%run_scoped3A_837 : memref<!tpu.dma_semaphore, #tpu.memory_space<semaphore_mem>>) src(%dma_wait3A_857 : memref<1x128xi32, #tpu.memory_space<hbm>>) dst(%dma_wait3A_855 : memref<1x128xi32, #tpu.memory_space<vmem>>)
      tpu.yield
    }) : () -> ()
    %get3A_298 = arith.constant 2 : i32
    %get3A_299 = arith.index_cast %get3A_298 : i32 to index
    %get3A_300 = arith.constant 0 : index
    %get3A_301 = tpu.vector_load %arg5[%get3A_299, %get3A_300] {strides = array<i32>} : memref<5x128xi32, #tpu.memory_space<vmem>>, vector<1x16xi32>,
    %get3A_302 = vector.shape_cast %get3A_301 : vector<1x16xi32> to vector<16xi32>
    %lt3A_303 = arith.constant 50000 : i32
    %lt3A_304 = vector.broadcast %lt3A_303 : i32 to vector<16xi32>
    %lt3A_305 = arith.cmpi slt, %get3A_302, %lt3A_304 : vector<16xi32>
    %jit3A_306 = arith.constant 50000 : i32
    %broadcast_in_dim3A_307 = vector.broadcast %jit3A_306 : i32 to vector<16xi32>
    %select_n3A_308 = arith.select %lt3A_305, %get3A_302, %broadcast_in_dim3A_307 : vector<16xi1>, vector<16xi32>
    %swap3A_309 = arith.constant 2 : i32
    %swap3A_310 = arith.index_cast %swap3A_309 : i32 to index
    %swap3A_311 = arith.constant 0 : index
    %swap3A_312 = tpu.vector_load %arg5[%swap3A_310, %swap3A_311] {strides = array<i32>} : memref<5x128xi32, #tpu.memory_space<vmem>>, vector<1x16xi32>,
    %swap3A_313 = vector.shape_cast %swap3A_312 : vector<1x16xi32> to vector<16xi32>
    %swap3A_314 = vector.shape_cast %select_n3A_308 : vector<16xi32> to vector<1x16xi32>
    tpu.vector_store %arg5[%swap3A_310, %swap3A_311], %swap3A_314 {strides = array<i32>} : memref<5x128xi32, #tpu.memory_space<vmem>>, vector<1x16xi32>,
    %get3A_315 = arith.constant 2 : i32
    %get3A_316 = arith.index_cast %get3A_315 : i32 to index
    %get3A_317 = arith.constant 16 : index
    %get3A_318 = tpu.vector_load %arg5[%get3A_316, %get3A_317] {strides = array<i32>} : memref<5x128xi32, #tpu.memory_space<vmem>>, vector<1x16xi32>,
    %get3A_319 = vector.shape_cast %get3A_318 : vector<1x16xi32> to vector<16xi32>
    %lt3A_320 = arith.constant 50000 : i32
    %lt3A_321 = vector.broadcast %lt3A_320 : i32 to vector<16xi32>
    %lt3A_322 = arith.cmpi slt, %get3A_319, %lt3A_321 : vector<16xi32>
    %jit3A_323 = arith.constant 50000 : i32
    %broadcast_in_dim3A_324 = vector.broadcast %jit3A_323 : i32 to vector<16xi32>
    %select_n3A_325 = arith.select %lt3A_322, %get3A_319, %broadcast_in_dim3A_324 : vector<16xi1>, vector<16xi32>
    %swap3A_326 = arith.constant 2 : i32
    %swap3A_327 = arith.index_cast %swap3A_326 : i32 to index
    %swap3A_328 = arith.constant 16 : index
    %swap3A_329 = tpu.vector_load %arg5[%swap3A_327, %swap3A_328] {strides = array<i32>} : memref<5x128xi32, #tpu.memory_space<vmem>>, vector<1x16xi32>,
    %swap3A_330 = vector.shape_cast %swap3A_329 : vector<1x16xi32> to vector<16xi32>
    %swap3A_331 = vector.shape_cast %select_n3A_325 : vector<16xi32> to vector<1x16xi32>
    tpu.vector_store %arg5[%swap3A_327, %swap3A_328], %swap3A_331 {strides = array<i32>} : memref<5x128xi32, #tpu.memory_space<vmem>>, vector<1x16xi32>,
    %get3A_332 = arith.constant 2 : i32
    %get3A_333 = arith.index_cast %get3A_332 : i32 to index
    %get3A_334 = arith.constant 32 : index
    %get3A_335 = tpu.vector_load %arg5[%get3A_333, %get3A_334] {strides = array<i32>} : memref<5x128xi32, #tpu.memory_space<vmem>>, vector<1x16xi32>,
    %get3A_336 = vector.shape_cast %get3A_335 : vector<1x16xi32> to vector<16xi32>
    %lt3A_337 = arith.constant 50000 : i32
    %lt3A_338 = vector.broadcast %lt3A_337 : i32 to vector<16xi32>
    %lt3A_339 = arith.cmpi slt, %get3A_336, %lt3A_338 : vector<16xi32>
    %jit3A_340 = arith.constant 50000 : i32
    %broadcast_in_dim3A_341 = vector.broadcast %jit3A_340 : i32 to vector<16xi32>
    %select_n3A_342 = arith.select %lt3A_339, %get3A_336, %broadcast_in_dim3A_341 : vector<16xi1>, vector<16xi32>
    %swap3A_343 = arith.constant 2 : i32
    %swap3A_344 = arith.index_cast %swap3A_343 : i32 to index
    %swap3A_345 = arith.constant 32 : index
    %swap3A_346 = tpu.vector_load %arg5[%swap3A_344, %swap3A_345] {strides = array<i32>} : memref<5x128xi32, #tpu.memory_space<vmem>>, vector<1x16xi32>,
    %swap3A_347 = vector.shape_cast %swap3A_346 : vector<1x16xi32> to vector<16xi32>
    %swap3A_348 = vector.shape_cast %select_n3A_342 : vector<16xi32> to vector<1x16xi32>
    tpu.vector_store %arg5[%swap3A_344, %swap3A_345], %swap3A_348 {strides = array<i32>} : memref<5x128xi32, #tpu.memory_space<vmem>>, vector<1x16xi32>,
    %get3A_349 = arith.constant 2 : i32
    %get3A_350 = arith.index_cast %get3A_349 : i32 to index
    %get3A_351 = arith.constant 48 : index
    %get3A_352 = tpu.vector_load %arg5[%get3A_350, %get3A_351] {strides = array<i32>} : memref<5x128xi32, #tpu.memory_space<vmem>>, vector<1x16xi32>,
    %get3A_353 = vector.shape_cast %get3A_352 : vector<1x16xi32> to vector<16xi32>
    %lt3A_354 = arith.constant 50000 : i32
    %lt3A_355 = vector.broadcast %lt3A_354 : i32 to vector<16xi32>
    %lt3A_356 = arith.cmpi slt, %get3A_353, %lt3A_355 : vector<16xi32>
    %jit3A_357 = arith.constant 50000 : i32
    %broadcast_in_dim3A_358 = vector.broadcast %jit3A_357 : i32 to vector<16xi32>
    %select_n3A_359 = arith.select %lt3A_356, %get3A_353, %broadcast_in_dim3A_358 : vector<16xi1>, vector<16xi32>
    %swap3A_360 = arith.constant 2 : i32
    %swap3A_361 = arith.index_cast %swap3A_360 : i32 to index
    %swap3A_362 = arith.constant 48 : index
    %swap3A_363 = tpu.vector_load %arg5[%swap3A_361, %swap3A_362] {strides = array<i32>} : memref<5x128xi32, #tpu.memory_space<vmem>>, vector<1x16xi32>,
    %swap3A_364 = vector.shape_cast %swap3A_363 : vector<1x16xi32> to vector<16xi32>
    %swap3A_365 = vector.shape_cast %select_n3A_359 : vector<16xi32> to vector<1x16xi32>
    tpu.vector_store %arg5[%swap3A_361, %swap3A_362], %swap3A_365 {strides = array<i32>} : memref<5x128xi32, #tpu.memory_space<vmem>>, vector<1x16xi32>,
    %get3A_366 = arith.constant 2 : i32
    %get3A_367 = arith.index_cast %get3A_366 : i32 to index
    %get3A_368 = arith.constant 64 : index
    %get3A_369 = tpu.vector_load %arg5[%get3A_367, %get3A_368] {strides = array<i32>} : memref<5x128xi32, #tpu.memory_space<vmem>>, vector<1x16xi32>,
    %get3A_370 = vector.shape_cast %get3A_369 : vector<1x16xi32> to vector<16xi32>
    %lt3A_371 = arith.constant 50000 : i32
    %lt3A_372 = vector.broadcast %lt3A_371 : i32 to vector<16xi32>
    %lt3A_373 = arith.cmpi slt, %get3A_370, %lt3A_372 : vector<16xi32>
    %jit3A_374 = arith.constant 50000 : i32
    %broadcast_in_dim3A_375 = vector.broadcast %jit3A_374 : i32 to vector<16xi32>
    %select_n3A_376 = arith.select %lt3A_373, %get3A_370, %broadcast_in_dim3A_375 : vector<16xi1>, vector<16xi32>
    %swap3A_377 = arith.constant 2 : i32
    %swap3A_378 = arith.index_cast %swap3A_377 : i32 to index
    %swap3A_379 = arith.constant 64 : index
    %swap3A_380 = tpu.vector_load %arg5[%swap3A_378, %swap3A_379] {strides = array<i32>} : memref<5x128xi32, #tpu.memory_space<vmem>>, vector<1x16xi32>,
    %swap3A_381 = vector.shape_cast %swap3A_380 : vector<1x16xi32> to vector<16xi32>
    %swap3A_382 = vector.shape_cast %select_n3A_376 : vector<16xi32> to vector<1x16xi32>
    tpu.vector_store %arg5[%swap3A_378, %swap3A_379], %swap3A_382 {strides = array<i32>} : memref<5x128xi32, #tpu.memory_space<vmem>>, vector<1x16xi32>,
    %get3A_383 = arith.constant 2 : i32
    %get3A_384 = arith.index_cast %get3A_383 : i32 to index
    %get3A_385 = arith.constant 80 : index
    %get3A_386 = tpu.vector_load %arg5[%get3A_384, %get3A_385] {strides = array<i32>} : memref<5x128xi32, #tpu.memory_space<vmem>>, vector<1x16xi32>,
    %get3A_387 = vector.shape_cast %get3A_386 : vector<1x16xi32> to vector<16xi32>
    %lt3A_388 = arith.constant 50000 : i32
    %lt3A_389 = vector.broadcast %lt3A_388 : i32 to vector<16xi32>
    %lt3A_390 = arith.cmpi slt, %get3A_387, %lt3A_389 : vector<16xi32>
    %jit3A_391 = arith.constant 50000 : i32
    %broadcast_in_dim3A_392 = vector.broadcast %jit3A_391 : i32 to vector<16xi32>
    %select_n3A_393 = arith.select %lt3A_390, %get3A_387, %broadcast_in_dim3A_392 : vector<16xi1>, vector<16xi32>
    %swap3A_394 = arith.constant 2 : i32
    %swap3A_395 = arith.index_cast %swap3A_394 : i32 to index
    %swap3A_396 = arith.constant 80 : index
    %swap3A_397 = tpu.vector_load %arg5[%swap3A_395, %swap3A_396] {strides = array<i32>} : memref<5x128xi32, #tpu.memory_space<vmem>>, vector<1x16xi32>,
    %swap3A_398 = vector.shape_cast %swap3A_397 : vector<1x16xi32> to vector<16xi32>
    %swap3A_399 = vector.shape_cast %select_n3A_393 : vector<16xi32> to vector<1x16xi32>
    tpu.vector_store %arg5[%swap3A_395, %swap3A_396], %swap3A_399 {strides = array<i32>} : memref<5x128xi32, #tpu.memory_space<vmem>>, vector<1x16xi32>,
    %get3A_400 = arith.constant 2 : i32
    %get3A_401 = arith.index_cast %get3A_400 : i32 to index
    %get3A_402 = arith.constant 96 : index
    %get3A_403 = tpu.vector_load %arg5[%get3A_401, %get3A_402] {strides = array<i32>} : memref<5x128xi32, #tpu.memory_space<vmem>>, vector<1x16xi32>,
    %get3A_404 = vector.shape_cast %get3A_403 : vector<1x16xi32> to vector<16xi32>
    %lt3A_405 = arith.constant 50000 : i32
    %lt3A_406 = vector.broadcast %lt3A_405 : i32 to vector<16xi32>
    %lt3A_407 = arith.cmpi slt, %get3A_404, %lt3A_406 : vector<16xi32>
    %jit3A_408 = arith.constant 50000 : i32
    %broadcast_in_dim3A_409 = vector.broadcast %jit3A_408 : i32 to vector<16xi32>
    %select_n3A_410 = arith.select %lt3A_407, %get3A_404, %broadcast_in_dim3A_409 : vector<16xi1>, vector<16xi32>
    %swap3A_411 = arith.constant 2 : i32
    %swap3A_412 = arith.index_cast %swap3A_411 : i32 to index
    %swap3A_413 = arith.constant 96 : index
    %swap3A_414 = tpu.vector_load %arg5[%swap3A_412, %swap3A_413] {strides = array<i32>} : memref<5x128xi32, #tpu.memory_space<vmem>>, vector<1x16xi32>,
    %swap3A_415 = vector.shape_cast %swap3A_414 : vector<1x16xi32> to vector<16xi32>
    %swap3A_416 = vector.shape_cast %select_n3A_410 : vector<16xi32> to vector<1x16xi32>
    tpu.vector_store %arg5[%swap3A_412, %swap3A_413], %swap3A_416 {strides = array<i32>} : memref<5x128xi32, #tpu.memory_space<vmem>>, vector<1x16xi32>,
    %get3A_417 = arith.constant 2 : i32
    %get3A_418 = arith.index_cast %get3A_417 : i32 to index
    %get3A_419 = arith.constant 112 : index
    %get3A_420 = tpu.vector_load %arg5[%get3A_418, %get3A_419] {strides = array<i32>} : memref<5x128xi32, #tpu.memory_space<vmem>>, vector<1x16xi32>,
    %get3A_421 = vector.shape_cast %get3A_420 : vector<1x16xi32> to vector<16xi32>
    %lt3A_422 = arith.constant 50000 : i32
    %lt3A_423 = vector.broadcast %lt3A_422 : i32 to vector<16xi32>
    %lt3A_424 = arith.cmpi slt, %get3A_421, %lt3A_423 : vector<16xi32>
    %jit3A_425 = arith.constant 50000 : i32
    %broadcast_in_dim3A_426 = vector.broadcast %jit3A_425 : i32 to vector<16xi32>
    %select_n3A_427 = arith.select %lt3A_424, %get3A_421, %broadcast_in_dim3A_426 : vector<16xi1>, vector<16xi32>
    %swap3A_428 = arith.constant 2 : i32
    %swap3A_429 = arith.index_cast %swap3A_428 : i32 to index
    %swap3A_430 = arith.constant 112 : index
    %swap3A_431 = tpu.vector_load %arg5[%swap3A_429, %swap3A_430] {strides = array<i32>} : memref<5x128xi32, #tpu.memory_space<vmem>>, vector<1x16xi32>,
    %swap3A_432 = vector.shape_cast %swap3A_431 : vector<1x16xi32> to vector<16xi32>
    %swap3A_433 = vector.shape_cast %select_n3A_427 : vector<16xi32> to vector<1x16xi32>
    tpu.vector_store %arg5[%swap3A_429, %swap3A_430], %swap3A_433 {strides = array<i32>} : memref<5x128xi32, #tpu.memory_space<vmem>>, vector<1x16xi32>,
    %dma_start3A_434 = arith.constant 2 : i32
    %dma_start3A_435 = arith.constant 2 : i32
    %dma_start3A_436 = arith.constant 0 : i32
    %dma_start3A_437 = arith.constant 0 : i32
    %dma_start3A_438 = tpu.memref_slice %arg6[%dma_start3A_435, %dma_start3A_436, %dma_start3A_437] : memref<5x128x128xf32, #tpu.memory_space<vmem>> -> memref<1x128x128xf32, #tpu.memory_space<vmem>>
    %dma_start3A_439 = tpu.memref_squeeze %dma_start3A_438 : memref<1x128x128xf32, #tpu.memory_space<vmem>> -> memref<128x128xf32, #tpu.memory_space<vmem>>
    %dma_start3A_440 = arith.constant 0 : i32
    %dma_start3A_441 = tpu.memref_slice %arg5[%dma_start3A_434, %dma_start3A_440] : memref<5x128xi32, #tpu.memory_space<vmem>> -> memref<1x128xi32, #tpu.memory_space<vmem>>
    %dma_start3A_442 = tpu.memref_squeeze %dma_start3A_441 : memref<1x128xi32, #tpu.memory_space<vmem>> -> memref<128xi32, #tpu.memory_space<vmem>>
    %dma_start3A_443 = arith.constant 0 : i32
    %dma_start3A_444 = arith.constant 0 : i32
    %dma_start3A_445 = tpu.memref_slice %arg3[%dma_start3A_443, %dma_start3A_444] : memref<50008x128xf32, #tpu.memory_space<hbm>> -> memref<50008x128xf32, #tpu.memory_space<hbm>>
    tpu.enqueue_indirect_dma source(%dma_start3A_445 : memref<50008x128xf32, #tpu.memory_space<hbm>>) target(%dma_start3A_439 : memref<128x128xf32, #tpu.memory_space<vmem>>) offsets(%dma_start3A_442 : memref<128xi32, #tpu.memory_space<vmem>>) semaphore(%arg9 : memref<!tpu.dma_semaphore, #tpu.memory_space<semaphore_mem>>)
    %add3A_446 = arith.constant 3 : i32
    %add3A_447 = arith.addi %mul3A_2, %add3A_446 : i32
    "tpu.region"() ({
      %run_scoped3A_837 = tpu.sem_alloc : memref<!tpu.dma_semaphore, #tpu.memory_space<semaphore_mem>>
      %dma_start3A_838 = arith.constant 3 : i32
      %dma_start3A_839 = arith.constant 0 : i32
      %dma_start3A_840 = tpu.memref_slice %arg5[%dma_start3A_838, %dma_start3A_839] : memref<5x128xi32, #tpu.memory_space<vmem>> -> memref<1x128xi32, #tpu.memory_space<vmem>>
      %dma_start3A_841 = arith.constant 0 : i32
      %dma_start3A_842 = tpu.memref_slice %arg2[%add3A_447, %dma_start3A_841] : memref<6400x128xi32, #tpu.memory_space<hbm>> -> memref<1x128xi32, #tpu.memory_space<hbm>>
      %dma_start3A_843 = arith.constant 3 : i32
      %dma_start3A_844 = arith.constant 0 : i32
      %dma_start3A_845 = tpu.memref_slice %arg5[%dma_start3A_843, %dma_start3A_844] : memref<5x128xi32, #tpu.memory_space<vmem>> -> memref<1x128xi32, #tpu.memory_space<vmem>>
      %dma_start3A_846 = arith.constant 0 : i32
      %dma_start3A_847 = tpu.memref_slice %arg2[%add3A_447, %dma_start3A_846] : memref<6400x128xi32, #tpu.memory_space<hbm>> -> memref<1x128xi32, #tpu.memory_space<hbm>>
      tpu.enqueue_dma source(%dma_start3A_847 : memref<1x128xi32, #tpu.memory_space<hbm>>) target(%dma_start3A_845 : memref<1x128xi32, #tpu.memory_space<vmem>>) target_semaphore(%run_scoped3A_837 : memref<!tpu.dma_semaphore, #tpu.memory_space<semaphore_mem>>)
      %dma_wait3A_848 = arith.constant 3 : i32
      %dma_wait3A_849 = arith.constant 0 : i32
      %dma_wait3A_850 = tpu.memref_slice %arg5[%dma_wait3A_848, %dma_wait3A_849] : memref<5x128xi32, #tpu.memory_space<vmem>> -> memref<1x128xi32, #tpu.memory_space<vmem>>
      %dma_wait3A_851 = arith.constant 0 : i32
      %dma_wait3A_852 = tpu.memref_slice %arg2[%add3A_447, %dma_wait3A_851] : memref<6400x128xi32, #tpu.memory_space<hbm>> -> memref<1x128xi32, #tpu.memory_space<hbm>>
      %dma_wait3A_853 = arith.constant 3 : i32
      %dma_wait3A_854 = arith.constant 0 : i32
      %dma_wait3A_855 = tpu.memref_slice %arg5[%dma_wait3A_853, %dma_wait3A_854] : memref<5x128xi32, #tpu.memory_space<vmem>> -> memref<1x128xi32, #tpu.memory_space<vmem>>
      %dma_wait3A_856 = arith.constant 0 : i32
      %dma_wait3A_857 = tpu.memref_slice %arg2[%add3A_447, %dma_wait3A_856] : memref<6400x128xi32, #tpu.memory_space<hbm>> -> memref<1x128xi32, #tpu.memory_space<hbm>>
      tpu.wait_dma2 semaphore(%run_scoped3A_837 : memref<!tpu.dma_semaphore, #tpu.memory_space<semaphore_mem>>) src(%dma_wait3A_857 : memref<1x128xi32, #tpu.memory_space<hbm>>) dst(%dma_wait3A_855 : memref<1x128xi32, #tpu.memory_space<vmem>>)
      tpu.yield
    }) : () -> ()
    %get3A_448 = arith.constant 3 : i32
    %get3A_449 = arith.index_cast %get3A_448 : i32 to index
    %get3A_450 = arith.constant 0 : index
    %get3A_451 = tpu.vector_load %arg5[%get3A_449, %get3A_450] {strides = array<i32>} : memref<5x128xi32, #tpu.memory_space<vmem>>, vector<1x16xi32>,
    %get3A_452 = vector.shape_cast %get3A_451 : vector<1x16xi32> to vector<16xi32>
    %lt3A_453 = arith.constant 50000 : i32
    %lt3A_454 = vector.broadcast %lt3A_453 : i32 to vector<16xi32>
    %lt3A_455 = arith.cmpi slt, %get3A_452, %lt3A_454 : vector<16xi32>
    %jit3A_456 = arith.constant 50000 : i32
    %broadcast_in_dim3A_457 = vector.broadcast %jit3A_456 : i32 to vector<16xi32>
    %select_n3A_458 = arith.select %lt3A_455, %get3A_452, %broadcast_in_dim3A_457 : vector<16xi1>, vector<16xi32>
    %swap3A_459 = arith.constant 3 : i32
    %swap3A_460 = arith.index_cast %swap3A_459 : i32 to index
    %swap3A_461 = arith.constant 0 : index
    %swap3A_462 = tpu.vector_load %arg5[%swap3A_460, %swap3A_461] {strides = array<i32>} : memref<5x128xi32, #tpu.memory_space<vmem>>, vector<1x16xi32>,
    %swap3A_463 = vector.shape_cast %swap3A_462 : vector<1x16xi32> to vector<16xi32>
    %swap3A_464 = vector.shape_cast %select_n3A_458 : vector<16xi32> to vector<1x16xi32>
    tpu.vector_store %arg5[%swap3A_460, %swap3A_461], %swap3A_464 {strides = array<i32>} : memref<5x128xi32, #tpu.memory_space<vmem>>, vector<1x16xi32>,
    %get3A_465 = arith.constant 3 : i32
    %get3A_466 = arith.index_cast %get3A_465 : i32 to index
    %get3A_467 = arith.constant 16 : index
    %get3A_468 = tpu.vector_load %arg5[%get3A_466, %get3A_467] {strides = array<i32>} : memref<5x128xi32, #tpu.memory_space<vmem>>, vector<1x16xi32>,
    %get3A_469 = vector.shape_cast %get3A_468 : vector<1x16xi32> to vector<16xi32>
    %lt3A_470 = arith.constant 50000 : i32
    %lt3A_471 = vector.broadcast %lt3A_470 : i32 to vector<16xi32>
    %lt3A_472 = arith.cmpi slt, %get3A_469, %lt3A_471 : vector<16xi32>
    %jit3A_473 = arith.constant 50000 : i32
    %broadcast_in_dim3A_474 = vector.broadcast %jit3A_473 : i32 to vector<16xi32>
    %select_n3A_475 = arith.select %lt3A_472, %get3A_469, %broadcast_in_dim3A_474 : vector<16xi1>, vector<16xi32>
    %swap3A_476 = arith.constant 3 : i32
    %swap3A_477 = arith.index_cast %swap3A_476 : i32 to index
    %swap3A_478 = arith.constant 16 : index
    %swap3A_479 = tpu.vector_load %arg5[%swap3A_477, %swap3A_478] {strides = array<i32>} : memref<5x128xi32, #tpu.memory_space<vmem>>, vector<1x16xi32>,
    %swap3A_480 = vector.shape_cast %swap3A_479 : vector<1x16xi32> to vector<16xi32>
    %swap3A_481 = vector.shape_cast %select_n3A_475 : vector<16xi32> to vector<1x16xi32>
    tpu.vector_store %arg5[%swap3A_477, %swap3A_478], %swap3A_481 {strides = array<i32>} : memref<5x128xi32, #tpu.memory_space<vmem>>, vector<1x16xi32>,
    %get3A_482 = arith.constant 3 : i32
    %get3A_483 = arith.index_cast %get3A_482 : i32 to index
    %get3A_484 = arith.constant 32 : index
    %get3A_485 = tpu.vector_load %arg5[%get3A_483, %get3A_484] {strides = array<i32>} : memref<5x128xi32, #tpu.memory_space<vmem>>, vector<1x16xi32>,
    %get3A_486 = vector.shape_cast %get3A_485 : vector<1x16xi32> to vector<16xi32>
    %lt3A_487 = arith.constant 50000 : i32
    %lt3A_488 = vector.broadcast %lt3A_487 : i32 to vector<16xi32>
    %lt3A_489 = arith.cmpi slt, %get3A_486, %lt3A_488 : vector<16xi32>
    %jit3A_490 = arith.constant 50000 : i32
    %broadcast_in_dim3A_491 = vector.broadcast %jit3A_490 : i32 to vector<16xi32>
    %select_n3A_492 = arith.select %lt3A_489, %get3A_486, %broadcast_in_dim3A_491 : vector<16xi1>, vector<16xi32>
    %swap3A_493 = arith.constant 3 : i32
    %swap3A_494 = arith.index_cast %swap3A_493 : i32 to index
    %swap3A_495 = arith.constant 32 : index
    %swap3A_496 = tpu.vector_load %arg5[%swap3A_494, %swap3A_495] {strides = array<i32>} : memref<5x128xi32, #tpu.memory_space<vmem>>, vector<1x16xi32>,
    %swap3A_497 = vector.shape_cast %swap3A_496 : vector<1x16xi32> to vector<16xi32>
    %swap3A_498 = vector.shape_cast %select_n3A_492 : vector<16xi32> to vector<1x16xi32>
    tpu.vector_store %arg5[%swap3A_494, %swap3A_495], %swap3A_498 {strides = array<i32>} : memref<5x128xi32, #tpu.memory_space<vmem>>, vector<1x16xi32>,
    %get3A_499 = arith.constant 3 : i32
    %get3A_500 = arith.index_cast %get3A_499 : i32 to index
    %get3A_501 = arith.constant 48 : index
    %get3A_502 = tpu.vector_load %arg5[%get3A_500, %get3A_501] {strides = array<i32>} : memref<5x128xi32, #tpu.memory_space<vmem>>, vector<1x16xi32>,
    %get3A_503 = vector.shape_cast %get3A_502 : vector<1x16xi32> to vector<16xi32>
    %lt3A_504 = arith.constant 50000 : i32
    %lt3A_505 = vector.broadcast %lt3A_504 : i32 to vector<16xi32>
    %lt3A_506 = arith.cmpi slt, %get3A_503, %lt3A_505 : vector<16xi32>
    %jit3A_507 = arith.constant 50000 : i32
    %broadcast_in_dim3A_508 = vector.broadcast %jit3A_507 : i32 to vector<16xi32>
    %select_n3A_509 = arith.select %lt3A_506, %get3A_503, %broadcast_in_dim3A_508 : vector<16xi1>, vector<16xi32>
    %swap3A_510 = arith.constant 3 : i32
    %swap3A_511 = arith.index_cast %swap3A_510 : i32 to index
    %swap3A_512 = arith.constant 48 : index
    %swap3A_513 = tpu.vector_load %arg5[%swap3A_511, %swap3A_512] {strides = array<i32>} : memref<5x128xi32, #tpu.memory_space<vmem>>, vector<1x16xi32>,
    %swap3A_514 = vector.shape_cast %swap3A_513 : vector<1x16xi32> to vector<16xi32>
    %swap3A_515 = vector.shape_cast %select_n3A_509 : vector<16xi32> to vector<1x16xi32>
    tpu.vector_store %arg5[%swap3A_511, %swap3A_512], %swap3A_515 {strides = array<i32>} : memref<5x128xi32, #tpu.memory_space<vmem>>, vector<1x16xi32>,
    %get3A_516 = arith.constant 3 : i32
    %get3A_517 = arith.index_cast %get3A_516 : i32 to index
    %get3A_518 = arith.constant 64 : index
    %get3A_519 = tpu.vector_load %arg5[%get3A_517, %get3A_518] {strides = array<i32>} : memref<5x128xi32, #tpu.memory_space<vmem>>, vector<1x16xi32>,
    %get3A_520 = vector.shape_cast %get3A_519 : vector<1x16xi32> to vector<16xi32>
    %lt3A_521 = arith.constant 50000 : i32
    %lt3A_522 = vector.broadcast %lt3A_521 : i32 to vector<16xi32>
    %lt3A_523 = arith.cmpi slt, %get3A_520, %lt3A_522 : vector<16xi32>
    %jit3A_524 = arith.constant 50000 : i32
    %broadcast_in_dim3A_525 = vector.broadcast %jit3A_524 : i32 to vector<16xi32>
    %select_n3A_526 = arith.select %lt3A_523, %get3A_520, %broadcast_in_dim3A_525 : vector<16xi1>, vector<16xi32>
    %swap3A_527 = arith.constant 3 : i32
    %swap3A_528 = arith.index_cast %swap3A_527 : i32 to index
    %swap3A_529 = arith.constant 64 : index
    %swap3A_530 = tpu.vector_load %arg5[%swap3A_528, %swap3A_529] {strides = array<i32>} : memref<5x128xi32, #tpu.memory_space<vmem>>, vector<1x16xi32>,
    %swap3A_531 = vector.shape_cast %swap3A_530 : vector<1x16xi32> to vector<16xi32>
    %swap3A_532 = vector.shape_cast %select_n3A_526 : vector<16xi32> to vector<1x16xi32>
    tpu.vector_store %arg5[%swap3A_528, %swap3A_529], %swap3A_532 {strides = array<i32>} : memref<5x128xi32, #tpu.memory_space<vmem>>, vector<1x16xi32>,
    %get3A_533 = arith.constant 3 : i32
    %get3A_534 = arith.index_cast %get3A_533 : i32 to index
    %get3A_535 = arith.constant 80 : index
    %get3A_536 = tpu.vector_load %arg5[%get3A_534, %get3A_535] {strides = array<i32>} : memref<5x128xi32, #tpu.memory_space<vmem>>, vector<1x16xi32>,
    %get3A_537 = vector.shape_cast %get3A_536 : vector<1x16xi32> to vector<16xi32>
    %lt3A_538 = arith.constant 50000 : i32
    %lt3A_539 = vector.broadcast %lt3A_538 : i32 to vector<16xi32>
    %lt3A_540 = arith.cmpi slt, %get3A_537, %lt3A_539 : vector<16xi32>
    %jit3A_541 = arith.constant 50000 : i32
    %broadcast_in_dim3A_542 = vector.broadcast %jit3A_541 : i32 to vector<16xi32>
    %select_n3A_543 = arith.select %lt3A_540, %get3A_537, %broadcast_in_dim3A_542 : vector<16xi1>, vector<16xi32>
    %swap3A_544 = arith.constant 3 : i32
    %swap3A_545 = arith.index_cast %swap3A_544 : i32 to index
    %swap3A_546 = arith.constant 80 : index
    %swap3A_547 = tpu.vector_load %arg5[%swap3A_545, %swap3A_546] {strides = array<i32>} : memref<5x128xi32, #tpu.memory_space<vmem>>, vector<1x16xi32>,
    %swap3A_548 = vector.shape_cast %swap3A_547 : vector<1x16xi32> to vector<16xi32>
    %swap3A_549 = vector.shape_cast %select_n3A_543 : vector<16xi32> to vector<1x16xi32>
    tpu.vector_store %arg5[%swap3A_545, %swap3A_546], %swap3A_549 {strides = array<i32>} : memref<5x128xi32, #tpu.memory_space<vmem>>, vector<1x16xi32>,
    %get3A_550 = arith.constant 3 : i32
    %get3A_551 = arith.index_cast %get3A_550 : i32 to index
    %get3A_552 = arith.constant 96 : index
    %get3A_553 = tpu.vector_load %arg5[%get3A_551, %get3A_552] {strides = array<i32>} : memref<5x128xi32, #tpu.memory_space<vmem>>, vector<1x16xi32>,
    %get3A_554 = vector.shape_cast %get3A_553 : vector<1x16xi32> to vector<16xi32>
    %lt3A_555 = arith.constant 50000 : i32
    %lt3A_556 = vector.broadcast %lt3A_555 : i32 to vector<16xi32>
    %lt3A_557 = arith.cmpi slt, %get3A_554, %lt3A_556 : vector<16xi32>
    %jit3A_558 = arith.constant 50000 : i32
    %broadcast_in_dim3A_559 = vector.broadcast %jit3A_558 : i32 to vector<16xi32>
    %select_n3A_560 = arith.select %lt3A_557, %get3A_554, %broadcast_in_dim3A_559 : vector<16xi1>, vector<16xi32>
    %swap3A_561 = arith.constant 3 : i32
    %swap3A_562 = arith.index_cast %swap3A_561 : i32 to index
    %swap3A_563 = arith.constant 96 : index
    %swap3A_564 = tpu.vector_load %arg5[%swap3A_562, %swap3A_563] {strides = array<i32>} : memref<5x128xi32, #tpu.memory_space<vmem>>, vector<1x16xi32>,
    %swap3A_565 = vector.shape_cast %swap3A_564 : vector<1x16xi32> to vector<16xi32>
    %swap3A_566 = vector.shape_cast %select_n3A_560 : vector<16xi32> to vector<1x16xi32>
    tpu.vector_store %arg5[%swap3A_562, %swap3A_563], %swap3A_566 {strides = array<i32>} : memref<5x128xi32, #tpu.memory_space<vmem>>, vector<1x16xi32>,
    %get3A_567 = arith.constant 3 : i32
    %get3A_568 = arith.index_cast %get3A_567 : i32 to index
    %get3A_569 = arith.constant 112 : index
    %get3A_570 = tpu.vector_load %arg5[%get3A_568, %get3A_569] {strides = array<i32>} : memref<5x128xi32, #tpu.memory_space<vmem>>, vector<1x16xi32>,
    %get3A_571 = vector.shape_cast %get3A_570 : vector<1x16xi32> to vector<16xi32>
    %lt3A_572 = arith.constant 50000 : i32
    %lt3A_573 = vector.broadcast %lt3A_572 : i32 to vector<16xi32>
    %lt3A_574 = arith.cmpi slt, %get3A_571, %lt3A_573 : vector<16xi32>
    %jit3A_575 = arith.constant 50000 : i32
    %broadcast_in_dim3A_576 = vector.broadcast %jit3A_575 : i32 to vector<16xi32>
    %select_n3A_577 = arith.select %lt3A_574, %get3A_571, %broadcast_in_dim3A_576 : vector<16xi1>, vector<16xi32>
    %swap3A_578 = arith.constant 3 : i32
    %swap3A_579 = arith.index_cast %swap3A_578 : i32 to index
    %swap3A_580 = arith.constant 112 : index
    %swap3A_581 = tpu.vector_load %arg5[%swap3A_579, %swap3A_580] {strides = array<i32>} : memref<5x128xi32, #tpu.memory_space<vmem>>, vector<1x16xi32>,
    %swap3A_582 = vector.shape_cast %swap3A_581 : vector<1x16xi32> to vector<16xi32>
    %swap3A_583 = vector.shape_cast %select_n3A_577 : vector<16xi32> to vector<1x16xi32>
    tpu.vector_store %arg5[%swap3A_579, %swap3A_580], %swap3A_583 {strides = array<i32>} : memref<5x128xi32, #tpu.memory_space<vmem>>, vector<1x16xi32>,
    %dma_start3A_584 = arith.constant 3 : i32
    %dma_start3A_585 = arith.constant 3 : i32
    %dma_start3A_586 = arith.constant 0 : i32
    %dma_start3A_587 = arith.constant 0 : i32
    %dma_start3A_588 = tpu.memref_slice %arg6[%dma_start3A_585, %dma_start3A_586, %dma_start3A_587] : memref<5x128x128xf32, #tpu.memory_space<vmem>> -> memref<1x128x128xf32, #tpu.memory_space<vmem>>
    %dma_start3A_589 = tpu.memref_squeeze %dma_start3A_588 : memref<1x128x128xf32, #tpu.memory_space<vmem>> -> memref<128x128xf32, #tpu.memory_space<vmem>>
    %dma_start3A_590 = arith.constant 0 : i32
    %dma_start3A_591 = tpu.memref_slice %arg5[%dma_start3A_584, %dma_start3A_590] : memref<5x128xi32, #tpu.memory_space<vmem>> -> memref<1x128xi32, #tpu.memory_space<vmem>>
    %dma_start3A_592 = tpu.memref_squeeze %dma_start3A_591 : memref<1x128xi32, #tpu.memory_space<vmem>> -> memref<128xi32, #tpu.memory_space<vmem>>
    %dma_start3A_593 = arith.constant 0 : i32
    %dma_start3A_594 = arith.constant 0 : i32
    %dma_start3A_595 = tpu.memref_slice %arg3[%dma_start3A_593, %dma_start3A_594] : memref<50008x128xf32, #tpu.memory_space<hbm>> -> memref<50008x128xf32, #tpu.memory_space<hbm>>
    tpu.enqueue_indirect_dma source(%dma_start3A_595 : memref<50008x128xf32, #tpu.memory_space<hbm>>) target(%dma_start3A_589 : memref<128x128xf32, #tpu.memory_space<vmem>>) offsets(%dma_start3A_592 : memref<128xi32, #tpu.memory_space<vmem>>) semaphore(%arg10 : memref<!tpu.dma_semaphore, #tpu.memory_space<semaphore_mem>>)
    %add3A_596 = arith.constant 4 : i32
    %add3A_597 = arith.addi %mul3A_2, %add3A_596 : i32
    "tpu.region"() ({
      %run_scoped3A_837 = tpu.sem_alloc : memref<!tpu.dma_semaphore, #tpu.memory_space<semaphore_mem>>
      %dma_start3A_838 = arith.constant 4 : i32
      %dma_start3A_839 = arith.constant 0 : i32
      %dma_start3A_840 = tpu.memref_slice %arg5[%dma_start3A_838, %dma_start3A_839] : memref<5x128xi32, #tpu.memory_space<vmem>> -> memref<1x128xi32, #tpu.memory_space<vmem>>
      %dma_start3A_841 = arith.constant 0 : i32
      %dma_start3A_842 = tpu.memref_slice %arg2[%add3A_597, %dma_start3A_841] : memref<6400x128xi32, #tpu.memory_space<hbm>> -> memref<1x128xi32, #tpu.memory_space<hbm>>
      %dma_start3A_843 = arith.constant 4 : i32
      %dma_start3A_844 = arith.constant 0 : i32
      %dma_start3A_845 = tpu.memref_slice %arg5[%dma_start3A_843, %dma_start3A_844] : memref<5x128xi32, #tpu.memory_space<vmem>> -> memref<1x128xi32, #tpu.memory_space<vmem>>
      %dma_start3A_846 = arith.constant 0 : i32
      %dma_start3A_847 = tpu.memref_slice %arg2[%add3A_597, %dma_start3A_846] : memref<6400x128xi32, #tpu.memory_space<hbm>> -> memref<1x128xi32, #tpu.memory_space<hbm>>
      tpu.enqueue_dma source(%dma_start3A_847 : memref<1x128xi32, #tpu.memory_space<hbm>>) target(%dma_start3A_845 : memref<1x128xi32, #tpu.memory_space<vmem>>) target_semaphore(%run_scoped3A_837 : memref<!tpu.dma_semaphore, #tpu.memory_space<semaphore_mem>>)
      %dma_wait3A_848 = arith.constant 4 : i32
      %dma_wait3A_849 = arith.constant 0 : i32
      %dma_wait3A_850 = tpu.memref_slice %arg5[%dma_wait3A_848, %dma_wait3A_849] : memref<5x128xi32, #tpu.memory_space<vmem>> -> memref<1x128xi32, #tpu.memory_space<vmem>>
      %dma_wait3A_851 = arith.constant 0 : i32
      %dma_wait3A_852 = tpu.memref_slice %arg2[%add3A_597, %dma_wait3A_851] : memref<6400x128xi32, #tpu.memory_space<hbm>> -> memref<1x128xi32, #tpu.memory_space<hbm>>
      %dma_wait3A_853 = arith.constant 4 : i32
      %dma_wait3A_854 = arith.constant 0 : i32
      %dma_wait3A_855 = tpu.memref_slice %arg5[%dma_wait3A_853, %dma_wait3A_854] : memref<5x128xi32, #tpu.memory_space<vmem>> -> memref<1x128xi32, #tpu.memory_space<vmem>>
      %dma_wait3A_856 = arith.constant 0 : i32
      %dma_wait3A_857 = tpu.memref_slice %arg2[%add3A_597, %dma_wait3A_856] : memref<6400x128xi32, #tpu.memory_space<hbm>> -> memref<1x128xi32, #tpu.memory_space<hbm>>
      tpu.wait_dma2 semaphore(%run_scoped3A_837 : memref<!tpu.dma_semaphore, #tpu.memory_space<semaphore_mem>>) src(%dma_wait3A_857 : memref<1x128xi32, #tpu.memory_space<hbm>>) dst(%dma_wait3A_855 : memref<1x128xi32, #tpu.memory_space<vmem>>)
      tpu.yield
    }) : () -> ()
    %get3A_598 = arith.constant 4 : i32
    %get3A_599 = arith.index_cast %get3A_598 : i32 to index
    %get3A_600 = arith.constant 0 : index
    %get3A_601 = tpu.vector_load %arg5[%get3A_599, %get3A_600] {strides = array<i32>} : memref<5x128xi32, #tpu.memory_space<vmem>>, vector<1x16xi32>,
    %get3A_602 = vector.shape_cast %get3A_601 : vector<1x16xi32> to vector<16xi32>
    %lt3A_603 = arith.constant 50000 : i32
    %lt3A_604 = vector.broadcast %lt3A_603 : i32 to vector<16xi32>
    %lt3A_605 = arith.cmpi slt, %get3A_602, %lt3A_604 : vector<16xi32>
    %jit3A_606 = arith.constant 50000 : i32
    %broadcast_in_dim3A_607 = vector.broadcast %jit3A_606 : i32 to vector<16xi32>
    %select_n3A_608 = arith.select %lt3A_605, %get3A_602, %broadcast_in_dim3A_607 : vector<16xi1>, vector<16xi32>
    %swap3A_609 = arith.constant 4 : i32
    %swap3A_610 = arith.index_cast %swap3A_609 : i32 to index
    %swap3A_611 = arith.constant 0 : index
    %swap3A_612 = tpu.vector_load %arg5[%swap3A_610, %swap3A_611] {strides = array<i32>} : memref<5x128xi32, #tpu.memory_space<vmem>>, vector<1x16xi32>,
    %swap3A_613 = vector.shape_cast %swap3A_612 : vector<1x16xi32> to vector<16xi32>
    %swap3A_614 = vector.shape_cast %select_n3A_608 : vector<16xi32> to vector<1x16xi32>
    tpu.vector_store %arg5[%swap3A_610, %swap3A_611], %swap3A_614 {strides = array<i32>} : memref<5x128xi32, #tpu.memory_space<vmem>>, vector<1x16xi32>,
    %get3A_615 = arith.constant 4 : i32
    %get3A_616 = arith.index_cast %get3A_615 : i32 to index
    %get3A_617 = arith.constant 16 : index
    %get3A_618 = tpu.vector_load %arg5[%get3A_616, %get3A_617] {strides = array<i32>} : memref<5x128xi32, #tpu.memory_space<vmem>>, vector<1x16xi32>,
    %get3A_619 = vector.shape_cast %get3A_618 : vector<1x16xi32> to vector<16xi32>
    %lt3A_620 = arith.constant 50000 : i32
    %lt3A_621 = vector.broadcast %lt3A_620 : i32 to vector<16xi32>
    %lt3A_622 = arith.cmpi slt, %get3A_619, %lt3A_621 : vector<16xi32>
    %jit3A_623 = arith.constant 50000 : i32
    %broadcast_in_dim3A_624 = vector.broadcast %jit3A_623 : i32 to vector<16xi32>
    %select_n3A_625 = arith.select %lt3A_622, %get3A_619, %broadcast_in_dim3A_624 : vector<16xi1>, vector<16xi32>
    %swap3A_626 = arith.constant 4 : i32
    %swap3A_627 = arith.index_cast %swap3A_626 : i32 to index
    %swap3A_628 = arith.constant 16 : index
    %swap3A_629 = tpu.vector_load %arg5[%swap3A_627, %swap3A_628] {strides = array<i32>} : memref<5x128xi32, #tpu.memory_space<vmem>>, vector<1x16xi32>,
    %swap3A_630 = vector.shape_cast %swap3A_629 : vector<1x16xi32> to vector<16xi32>
    %swap3A_631 = vector.shape_cast %select_n3A_625 : vector<16xi32> to vector<1x16xi32>
    tpu.vector_store %arg5[%swap3A_627, %swap3A_628], %swap3A_631 {strides = array<i32>} : memref<5x128xi32, #tpu.memory_space<vmem>>, vector<1x16xi32>,
    %get3A_632 = arith.constant 4 : i32
    %get3A_633 = arith.index_cast %get3A_632 : i32 to index
    %get3A_634 = arith.constant 32 : index
    %get3A_635 = tpu.vector_load %arg5[%get3A_633, %get3A_634] {strides = array<i32>} : memref<5x128xi32, #tpu.memory_space<vmem>>, vector<1x16xi32>,
    %get3A_636 = vector.shape_cast %get3A_635 : vector<1x16xi32> to vector<16xi32>
    %lt3A_637 = arith.constant 50000 : i32
    %lt3A_638 = vector.broadcast %lt3A_637 : i32 to vector<16xi32>
    %lt3A_639 = arith.cmpi slt, %get3A_636, %lt3A_638 : vector<16xi32>
    %jit3A_640 = arith.constant 50000 : i32
    %broadcast_in_dim3A_641 = vector.broadcast %jit3A_640 : i32 to vector<16xi32>
    %select_n3A_642 = arith.select %lt3A_639, %get3A_636, %broadcast_in_dim3A_641 : vector<16xi1>, vector<16xi32>
    %swap3A_643 = arith.constant 4 : i32
    %swap3A_644 = arith.index_cast %swap3A_643 : i32 to index
    %swap3A_645 = arith.constant 32 : index
    %swap3A_646 = tpu.vector_load %arg5[%swap3A_644, %swap3A_645] {strides = array<i32>} : memref<5x128xi32, #tpu.memory_space<vmem>>, vector<1x16xi32>,
    %swap3A_647 = vector.shape_cast %swap3A_646 : vector<1x16xi32> to vector<16xi32>
    %swap3A_648 = vector.shape_cast %select_n3A_642 : vector<16xi32> to vector<1x16xi32>
    tpu.vector_store %arg5[%swap3A_644, %swap3A_645], %swap3A_648 {strides = array<i32>} : memref<5x128xi32, #tpu.memory_space<vmem>>, vector<1x16xi32>,
    %get3A_649 = arith.constant 4 : i32
    %get3A_650 = arith.index_cast %get3A_649 : i32 to index
    %get3A_651 = arith.constant 48 : index
    %get3A_652 = tpu.vector_load %arg5[%get3A_650, %get3A_651] {strides = array<i32>} : memref<5x128xi32, #tpu.memory_space<vmem>>, vector<1x16xi32>,
    %get3A_653 = vector.shape_cast %get3A_652 : vector<1x16xi32> to vector<16xi32>
    %lt3A_654 = arith.constant 50000 : i32
    %lt3A_655 = vector.broadcast %lt3A_654 : i32 to vector<16xi32>
    %lt3A_656 = arith.cmpi slt, %get3A_653, %lt3A_655 : vector<16xi32>
    %jit3A_657 = arith.constant 50000 : i32
    %broadcast_in_dim3A_658 = vector.broadcast %jit3A_657 : i32 to vector<16xi32>
    %select_n3A_659 = arith.select %lt3A_656, %get3A_653, %broadcast_in_dim3A_658 : vector<16xi1>, vector<16xi32>
    %swap3A_660 = arith.constant 4 : i32
    %swap3A_661 = arith.index_cast %swap3A_660 : i32 to index
    %swap3A_662 = arith.constant 48 : index
    %swap3A_663 = tpu.vector_load %arg5[%swap3A_661, %swap3A_662] {strides = array<i32>} : memref<5x128xi32, #tpu.memory_space<vmem>>, vector<1x16xi32>,
    %swap3A_664 = vector.shape_cast %swap3A_663 : vector<1x16xi32> to vector<16xi32>
    %swap3A_665 = vector.shape_cast %select_n3A_659 : vector<16xi32> to vector<1x16xi32>
    tpu.vector_store %arg5[%swap3A_661, %swap3A_662], %swap3A_665 {strides = array<i32>} : memref<5x128xi32, #tpu.memory_space<vmem>>, vector<1x16xi32>,
    %get3A_666 = arith.constant 4 : i32
    %get3A_667 = arith.index_cast %get3A_666 : i32 to index
    %get3A_668 = arith.constant 64 : index
    %get3A_669 = tpu.vector_load %arg5[%get3A_667, %get3A_668] {strides = array<i32>} : memref<5x128xi32, #tpu.memory_space<vmem>>, vector<1x16xi32>,
    %get3A_670 = vector.shape_cast %get3A_669 : vector<1x16xi32> to vector<16xi32>
    %lt3A_671 = arith.constant 50000 : i32
    %lt3A_672 = vector.broadcast %lt3A_671 : i32 to vector<16xi32>
    %lt3A_673 = arith.cmpi slt, %get3A_670, %lt3A_672 : vector<16xi32>
    %jit3A_674 = arith.constant 50000 : i32
    %broadcast_in_dim3A_675 = vector.broadcast %jit3A_674 : i32 to vector<16xi32>
    %select_n3A_676 = arith.select %lt3A_673, %get3A_670, %broadcast_in_dim3A_675 : vector<16xi1>, vector<16xi32>
    %swap3A_677 = arith.constant 4 : i32
    %swap3A_678 = arith.index_cast %swap3A_677 : i32 to index
    %swap3A_679 = arith.constant 64 : index
    %swap3A_680 = tpu.vector_load %arg5[%swap3A_678, %swap3A_679] {strides = array<i32>} : memref<5x128xi32, #tpu.memory_space<vmem>>, vector<1x16xi32>,
    %swap3A_681 = vector.shape_cast %swap3A_680 : vector<1x16xi32> to vector<16xi32>
    %swap3A_682 = vector.shape_cast %select_n3A_676 : vector<16xi32> to vector<1x16xi32>
    tpu.vector_store %arg5[%swap3A_678, %swap3A_679], %swap3A_682 {strides = array<i32>} : memref<5x128xi32, #tpu.memory_space<vmem>>, vector<1x16xi32>,
    %get3A_683 = arith.constant 4 : i32
    %get3A_684 = arith.index_cast %get3A_683 : i32 to index
    %get3A_685 = arith.constant 80 : index
    %get3A_686 = tpu.vector_load %arg5[%get3A_684, %get3A_685] {strides = array<i32>} : memref<5x128xi32, #tpu.memory_space<vmem>>, vector<1x16xi32>,
    %get3A_687 = vector.shape_cast %get3A_686 : vector<1x16xi32> to vector<16xi32>
    %lt3A_688 = arith.constant 50000 : i32
    %lt3A_689 = vector.broadcast %lt3A_688 : i32 to vector<16xi32>
    %lt3A_690 = arith.cmpi slt, %get3A_687, %lt3A_689 : vector<16xi32>
    %jit3A_691 = arith.constant 50000 : i32
    %broadcast_in_dim3A_692 = vector.broadcast %jit3A_691 : i32 to vector<16xi32>
    %select_n3A_693 = arith.select %lt3A_690, %get3A_687, %broadcast_in_dim3A_692 : vector<16xi1>, vector<16xi32>
    %swap3A_694 = arith.constant 4 : i32
    %swap3A_695 = arith.index_cast %swap3A_694 : i32 to index
    %swap3A_696 = arith.constant 80 : index
    %swap3A_697 = tpu.vector_load %arg5[%swap3A_695, %swap3A_696] {strides = array<i32>} : memref<5x128xi32, #tpu.memory_space<vmem>>, vector<1x16xi32>,
    %swap3A_698 = vector.shape_cast %swap3A_697 : vector<1x16xi32> to vector<16xi32>
    %swap3A_699 = vector.shape_cast %select_n3A_693 : vector<16xi32> to vector<1x16xi32>
    tpu.vector_store %arg5[%swap3A_695, %swap3A_696], %swap3A_699 {strides = array<i32>} : memref<5x128xi32, #tpu.memory_space<vmem>>, vector<1x16xi32>,
    %get3A_700 = arith.constant 4 : i32
    %get3A_701 = arith.index_cast %get3A_700 : i32 to index
    %get3A_702 = arith.constant 96 : index
    %get3A_703 = tpu.vector_load %arg5[%get3A_701, %get3A_702] {strides = array<i32>} : memref<5x128xi32, #tpu.memory_space<vmem>>, vector<1x16xi32>,
    %get3A_704 = vector.shape_cast %get3A_703 : vector<1x16xi32> to vector<16xi32>
    %lt3A_705 = arith.constant 50000 : i32
    %lt3A_706 = vector.broadcast %lt3A_705 : i32 to vector<16xi32>
    %lt3A_707 = arith.cmpi slt, %get3A_704, %lt3A_706 : vector<16xi32>
    %jit3A_708 = arith.constant 50000 : i32
    %broadcast_in_dim3A_709 = vector.broadcast %jit3A_708 : i32 to vector<16xi32>
    %select_n3A_710 = arith.select %lt3A_707, %get3A_704, %broadcast_in_dim3A_709 : vector<16xi1>, vector<16xi32>
    %swap3A_711 = arith.constant 4 : i32
    %swap3A_712 = arith.index_cast %swap3A_711 : i32 to index
    %swap3A_713 = arith.constant 96 : index
    %swap3A_714 = tpu.vector_load %arg5[%swap3A_712, %swap3A_713] {strides = array<i32>} : memref<5x128xi32, #tpu.memory_space<vmem>>, vector<1x16xi32>,
    %swap3A_715 = vector.shape_cast %swap3A_714 : vector<1x16xi32> to vector<16xi32>
    %swap3A_716 = vector.shape_cast %select_n3A_710 : vector<16xi32> to vector<1x16xi32>
    tpu.vector_store %arg5[%swap3A_712, %swap3A_713], %swap3A_716 {strides = array<i32>} : memref<5x128xi32, #tpu.memory_space<vmem>>, vector<1x16xi32>,
    %get3A_717 = arith.constant 4 : i32
    %get3A_718 = arith.index_cast %get3A_717 : i32 to index
    %get3A_719 = arith.constant 112 : index
    %get3A_720 = tpu.vector_load %arg5[%get3A_718, %get3A_719] {strides = array<i32>} : memref<5x128xi32, #tpu.memory_space<vmem>>, vector<1x16xi32>,
    %get3A_721 = vector.shape_cast %get3A_720 : vector<1x16xi32> to vector<16xi32>
    %lt3A_722 = arith.constant 50000 : i32
    %lt3A_723 = vector.broadcast %lt3A_722 : i32 to vector<16xi32>
    %lt3A_724 = arith.cmpi slt, %get3A_721, %lt3A_723 : vector<16xi32>
    %jit3A_725 = arith.constant 50000 : i32
    %broadcast_in_dim3A_726 = vector.broadcast %jit3A_725 : i32 to vector<16xi32>
    %select_n3A_727 = arith.select %lt3A_724, %get3A_721, %broadcast_in_dim3A_726 : vector<16xi1>, vector<16xi32>
    %swap3A_728 = arith.constant 4 : i32
    %swap3A_729 = arith.index_cast %swap3A_728 : i32 to index
    %swap3A_730 = arith.constant 112 : index
    %swap3A_731 = tpu.vector_load %arg5[%swap3A_729, %swap3A_730] {strides = array<i32>} : memref<5x128xi32, #tpu.memory_space<vmem>>, vector<1x16xi32>,
    %swap3A_732 = vector.shape_cast %swap3A_731 : vector<1x16xi32> to vector<16xi32>
    %swap3A_733 = vector.shape_cast %select_n3A_727 : vector<16xi32> to vector<1x16xi32>
    tpu.vector_store %arg5[%swap3A_729, %swap3A_730], %swap3A_733 {strides = array<i32>} : memref<5x128xi32, #tpu.memory_space<vmem>>, vector<1x16xi32>,
    %dma_start3A_734 = arith.constant 4 : i32
    %dma_start3A_735 = arith.constant 4 : i32
    %dma_start3A_736 = arith.constant 0 : i32
    %dma_start3A_737 = arith.constant 0 : i32
    %dma_start3A_738 = tpu.memref_slice %arg6[%dma_start3A_735, %dma_start3A_736, %dma_start3A_737] : memref<5x128x128xf32, #tpu.memory_space<vmem>> -> memref<1x128x128xf32, #tpu.memory_space<vmem>>
    %dma_start3A_739 = tpu.memref_squeeze %dma_start3A_738 : memref<1x128x128xf32, #tpu.memory_space<vmem>> -> memref<128x128xf32, #tpu.memory_space<vmem>>
    %dma_start3A_740 = arith.constant 0 : i32
    %dma_start3A_741 = tpu.memref_slice %arg5[%dma_start3A_734, %dma_start3A_740] : memref<5x128xi32, #tpu.memory_space<vmem>> -> memref<1x128xi32, #tpu.memory_space<vmem>>
    %dma_start3A_742 = tpu.memref_squeeze %dma_start3A_741 : memref<1x128xi32, #tpu.memory_space<vmem>> -> memref<128xi32, #tpu.memory_space<vmem>>
    %dma_start3A_743 = arith.constant 0 : i32
    %dma_start3A_744 = arith.constant 0 : i32
    %dma_start3A_745 = tpu.memref_slice %arg3[%dma_start3A_743, %dma_start3A_744] : memref<50008x128xf32, #tpu.memory_space<hbm>> -> memref<50008x128xf32, #tpu.memory_space<hbm>>
    tpu.enqueue_indirect_dma source(%dma_start3A_745 : memref<50008x128xf32, #tpu.memory_space<hbm>>) target(%dma_start3A_739 : memref<128x128xf32, #tpu.memory_space<vmem>>) offsets(%dma_start3A_742 : memref<128xi32, #tpu.memory_space<vmem>>) semaphore(%arg11 : memref<!tpu.dma_semaphore, #tpu.memory_space<semaphore_mem>>)
    %scan3A = arith.constant 0 : i32
    %scan3A_746 = arith.constant 0 : i32
    %scan3A_747 = arith.constant 39 : i32
    %scan3A_748 = arith.addi %scan3A_746, %scan3A_747 : i32
    %scan3A_749 = arith.constant 1 : i32
    scf.for %scan3A_837 = %scan3A_746 to %scan3A_748 step %scan3A_749  : i32 {
      %mul3A_838 = arith.constant 5 : i32
      %mul3A_839 = arith.muli %scan3A_837, %mul3A_838 : i32
      %add3A_840 = arith.addi %mul3A_2, %mul3A_839 : i32
      %dma_wait3A_841 = arith.constant 0 : i32
      %dma_wait3A_842 = arith.constant 0 : i32
      %dma_wait3A_843 = arith.constant 0 : i32
      %dma_wait3A_844 = arith.constant 0 : i32
      %dma_wait3A_845 = tpu.memref_slice %arg6[%dma_wait3A_842, %dma_wait3A_843, %dma_wait3A_844] : memref<5x128x128xf32, #tpu.memory_space<vmem>> -> memref<1x128x128xf32, #tpu.memory_space<vmem>>
      %dma_wait3A_846 = tpu.memref_squeeze %dma_wait3A_845 : memref<1x128x128xf32, #tpu.memory_space<vmem>> -> memref<128x128xf32, #tpu.memory_space<vmem>>
      %dma_wait3A_847 = arith.constant 0 : i32
      %dma_wait3A_848 = tpu.memref_slice %arg5[%dma_wait3A_841, %dma_wait3A_847] : memref<5x128xi32, #tpu.memory_space<vmem>> -> memref<1x128xi32, #tpu.memory_space<vmem>>
      %dma_wait3A_849 = tpu.memref_squeeze %dma_wait3A_848 : memref<1x128xi32, #tpu.memory_space<vmem>> -> memref<128xi32, #tpu.memory_space<vmem>>
      %dma_wait3A_850 = arith.constant 0 : i32
      %dma_wait3A_851 = arith.constant 0 : i32
      %dma_wait3A_852 = tpu.memref_slice %arg3[%dma_wait3A_850, %dma_wait3A_851] : memref<50008x128xf32, #tpu.memory_space<hbm>> -> memref<50008x128xf32, #tpu.memory_space<hbm>>
      tpu.wait_indirect_dma semaphore(%arg7 : memref<!tpu.dma_semaphore, #tpu.memory_space<semaphore_mem>>) src(%dma_wait3A_852 : memref<50008x128xf32, #tpu.memory_space<hbm>>) dst(%dma_wait3A_846 : memref<128x128xf32, #tpu.memory_space<vmem>>)
      %add3A_853 = arith.constant 0 : i32
      %add3A_854 = arith.addi %add3A_840, %add3A_853 : i32
      %mul3A_855 = arith.constant 128 : i32
      %mul3A_856 = arith.muli %add3A_854, %mul3A_855 : i32
      %dma_start3A_857 = arith.constant 0 : i32
      %dma_start3A_858 = arith.constant 0 : i32
      %dma_start3A_859 = arith.constant 0 : i32
      %dma_start3A_860 = tpu.memref_slice %arg6[%dma_start3A_857, %dma_start3A_858, %dma_start3A_859] : memref<5x128x128xf32, #tpu.memory_space<vmem>> -> memref<1x128x128xf32, #tpu.memory_space<vmem>>
      %dma_start3A_861 = tpu.memref_squeeze %dma_start3A_860 : memref<1x128x128xf32, #tpu.memory_space<vmem>> -> memref<128x128xf32, #tpu.memory_space<vmem>>
      %dma_start3A_862 = arith.constant 0 : i32
      %dma_start3A_863 = tpu.memref_slice %arg4[%mul3A_856, %dma_start3A_862] : memref<819200x128xf32, #tpu.memory_space<hbm>> -> memref<128x128xf32, #tpu.memory_space<hbm>>
      %dma_start3A_864 = arith.constant 0 : i32
      %dma_start3A_865 = tpu.memref_slice %arg4[%mul3A_856, %dma_start3A_864] : memref<819200x128xf32, #tpu.memory_space<hbm>> -> memref<128x128xf32, #tpu.memory_space<hbm>>
      %dma_start3A_866 = arith.constant 0 : i32
      %dma_start3A_867 = arith.constant 0 : i32
      %dma_start3A_868 = tpu.memref_slice %arg6[%dma_start3A_857, %dma_start3A_866, %dma_start3A_867] : memref<5x128x128xf32, #tpu.memory_space<vmem>> -> memref<1x128x128xf32, #tpu.memory_space<vmem>>
      %dma_start3A_869 = tpu.memref_squeeze %dma_start3A_868 : memref<1x128x128xf32, #tpu.memory_space<vmem>> -> memref<128x128xf32, #tpu.memory_space<vmem>>
      tpu.enqueue_dma source(%dma_start3A_869 : memref<128x128xf32, #tpu.memory_space<vmem>>) target(%dma_start3A_865 : memref<128x128xf32, #tpu.memory_space<hbm>>) target_semaphore(%arg12 : memref<!tpu.dma_semaphore, #tpu.memory_space<semaphore_mem>>)
      %add3A_870 = arith.constant 5 : i32
      %add3A_871 = arith.addi %add3A_840, %add3A_870 : i32
      %add3A_872 = arith.constant 0 : i32
      %add3A_873 = arith.addi %add3A_871, %add3A_872 : i32
      "tpu.region"() ({
        %run_scoped3A_1811 = tpu.sem_alloc : memref<!tpu.dma_semaphore, #tpu.memory_space<semaphore_mem>>
        %dma_start3A_1812 = arith.constant 0 : i32
        %dma_start3A_1813 = arith.constant 0 : i32
        %dma_start3A_1814 = tpu.memref_slice %arg5[%dma_start3A_1812, %dma_start3A_1813] : memref<5x128xi32, #tpu.memory_space<vmem>> -> memref<1x128xi32, #tpu.memory_space<vmem>>
        %dma_start3A_1815 = arith.constant 0 : i32
        %dma_start3A_1816 = tpu.memref_slice %arg2[%add3A_873, %dma_start3A_1815] : memref<6400x128xi32, #tpu.memory_space<hbm>> -> memref<1x128xi32, #tpu.memory_space<hbm>>
        %dma_start3A_1817 = arith.constant 0 : i32
        %dma_start3A_1818 = arith.constant 0 : i32
        %dma_start3A_1819 = tpu.memref_slice %arg5[%dma_start3A_1817, %dma_start3A_1818] : memref<5x128xi32, #tpu.memory_space<vmem>> -> memref<1x128xi32, #tpu.memory_space<vmem>>
        %dma_start3A_1820 = arith.constant 0 : i32
        %dma_start3A_1821 = tpu.memref_slice %arg2[%add3A_873, %dma_start3A_1820] : memref<6400x128xi32, #tpu.memory_space<hbm>> -> memref<1x128xi32, #tpu.memory_space<hbm>>
        tpu.enqueue_dma source(%dma_start3A_1821 : memref<1x128xi32, #tpu.memory_space<hbm>>) target(%dma_start3A_1819 : memref<1x128xi32, #tpu.memory_space<vmem>>) target_semaphore(%run_scoped3A_1811 : memref<!tpu.dma_semaphore, #tpu.memory_space<semaphore_mem>>)
        %dma_wait3A_1822 = arith.constant 0 : i32
        %dma_wait3A_1823 = arith.constant 0 : i32
        %dma_wait3A_1824 = tpu.memref_slice %arg5[%dma_wait3A_1822, %dma_wait3A_1823] : memref<5x128xi32, #tpu.memory_space<vmem>> -> memref<1x128xi32, #tpu.memory_space<vmem>>
        %dma_wait3A_1825 = arith.constant 0 : i32
        %dma_wait3A_1826 = tpu.memref_slice %arg2[%add3A_873, %dma_wait3A_1825] : memref<6400x128xi32, #tpu.memory_space<hbm>> -> memref<1x128xi32, #tpu.memory_space<hbm>>
        %dma_wait3A_1827 = arith.constant 0 : i32
        %dma_wait3A_1828 = arith.constant 0 : i32
        %dma_wait3A_1829 = tpu.memref_slice %arg5[%dma_wait3A_1827, %dma_wait3A_1828] : memref<5x128xi32, #tpu.memory_space<vmem>> -> memref<1x128xi32, #tpu.memory_space<vmem>>
        %dma_wait3A_1830 = arith.constant 0 : i32
        %dma_wait3A_1831 = tpu.memref_slice %arg2[%add3A_873, %dma_wait3A_1830] : memref<6400x128xi32, #tpu.memory_space<hbm>> -> memref<1x128xi32, #tpu.memory_space<hbm>>
        tpu.wait_dma2 semaphore(%run_scoped3A_1811 : memref<!tpu.dma_semaphore, #tpu.memory_space<semaphore_mem>>) src(%dma_wait3A_1831 : memref<1x128xi32, #tpu.memory_space<hbm>>) dst(%dma_wait3A_1829 : memref<1x128xi32, #tpu.memory_space<vmem>>)
        tpu.yield
      }) : () -> ()
      %get3A_874 = arith.constant 0 : i32
      %get3A_875 = arith.index_cast %get3A_874 : i32 to index
      %get3A_876 = arith.constant 0 : index
      %get3A_877 = tpu.vector_load %arg5[%get3A_875, %get3A_876] {strides = array<i32>} : memref<5x128xi32, #tpu.memory_space<vmem>>, vector<1x16xi32>,
      %get3A_878 = vector.shape_cast %get3A_877 : vector<1x16xi32> to vector<16xi32>
      %lt3A_879 = arith.constant 50000 : i32
      %lt3A_880 = vector.broadcast %lt3A_879 : i32 to vector<16xi32>
      %lt3A_881 = arith.cmpi slt, %get3A_878, %lt3A_880 : vector<16xi32>
      %jit3A_882 = arith.constant 50000 : i32
      %broadcast_in_dim3A_883 = vector.broadcast %jit3A_882 : i32 to vector<16xi32>
      %select_n3A_884 = arith.select %lt3A_881, %get3A_878, %broadcast_in_dim3A_883 : vector<16xi1>, vector<16xi32>
      %swap3A_885 = arith.constant 0 : i32
      %swap3A_886 = arith.index_cast %swap3A_885 : i32 to index
      %swap3A_887 = arith.constant 0 : index
      %swap3A_888 = tpu.vector_load %arg5[%swap3A_886, %swap3A_887] {strides = array<i32>} : memref<5x128xi32, #tpu.memory_space<vmem>>, vector<1x16xi32>,
      %swap3A_889 = vector.shape_cast %swap3A_888 : vector<1x16xi32> to vector<16xi32>
      %swap3A_890 = vector.shape_cast %select_n3A_884 : vector<16xi32> to vector<1x16xi32>
      tpu.vector_store %arg5[%swap3A_886, %swap3A_887], %swap3A_890 {strides = array<i32>} : memref<5x128xi32, #tpu.memory_space<vmem>>, vector<1x16xi32>,
      %get3A_891 = arith.constant 0 : i32
      %get3A_892 = arith.index_cast %get3A_891 : i32 to index
      %get3A_893 = arith.constant 16 : index
      %get3A_894 = tpu.vector_load %arg5[%get3A_892, %get3A_893] {strides = array<i32>} : memref<5x128xi32, #tpu.memory_space<vmem>>, vector<1x16xi32>,
      %get3A_895 = vector.shape_cast %get3A_894 : vector<1x16xi32> to vector<16xi32>
      %lt3A_896 = arith.constant 50000 : i32
      %lt3A_897 = vector.broadcast %lt3A_896 : i32 to vector<16xi32>
      %lt3A_898 = arith.cmpi slt, %get3A_895, %lt3A_897 : vector<16xi32>
      %jit3A_899 = arith.constant 50000 : i32
      %broadcast_in_dim3A_900 = vector.broadcast %jit3A_899 : i32 to vector<16xi32>
      %select_n3A_901 = arith.select %lt3A_898, %get3A_895, %broadcast_in_dim3A_900 : vector<16xi1>, vector<16xi32>
      %swap3A_902 = arith.constant 0 : i32
      %swap3A_903 = arith.index_cast %swap3A_902 : i32 to index
      %swap3A_904 = arith.constant 16 : index
      %swap3A_905 = tpu.vector_load %arg5[%swap3A_903, %swap3A_904] {strides = array<i32>} : memref<5x128xi32, #tpu.memory_space<vmem>>, vector<1x16xi32>,
      %swap3A_906 = vector.shape_cast %swap3A_905 : vector<1x16xi32> to vector<16xi32>
      %swap3A_907 = vector.shape_cast %select_n3A_901 : vector<16xi32> to vector<1x16xi32>
      tpu.vector_store %arg5[%swap3A_903, %swap3A_904], %swap3A_907 {strides = array<i32>} : memref<5x128xi32, #tpu.memory_space<vmem>>, vector<1x16xi32>,
      %get3A_908 = arith.constant 0 : i32
      %get3A_909 = arith.index_cast %get3A_908 : i32 to index
      %get3A_910 = arith.constant 32 : index
      %get3A_911 = tpu.vector_load %arg5[%get3A_909, %get3A_910] {strides = array<i32>} : memref<5x128xi32, #tpu.memory_space<vmem>>, vector<1x16xi32>,
      %get3A_912 = vector.shape_cast %get3A_911 : vector<1x16xi32> to vector<16xi32>
      %lt3A_913 = arith.constant 50000 : i32
      %lt3A_914 = vector.broadcast %lt3A_913 : i32 to vector<16xi32>
      %lt3A_915 = arith.cmpi slt, %get3A_912, %lt3A_914 : vector<16xi32>
      %jit3A_916 = arith.constant 50000 : i32
      %broadcast_in_dim3A_917 = vector.broadcast %jit3A_916 : i32 to vector<16xi32>
      %select_n3A_918 = arith.select %lt3A_915, %get3A_912, %broadcast_in_dim3A_917 : vector<16xi1>, vector<16xi32>
      %swap3A_919 = arith.constant 0 : i32
      %swap3A_920 = arith.index_cast %swap3A_919 : i32 to index
      %swap3A_921 = arith.constant 32 : index
      %swap3A_922 = tpu.vector_load %arg5[%swap3A_920, %swap3A_921] {strides = array<i32>} : memref<5x128xi32, #tpu.memory_space<vmem>>, vector<1x16xi32>,
      %swap3A_923 = vector.shape_cast %swap3A_922 : vector<1x16xi32> to vector<16xi32>
      %swap3A_924 = vector.shape_cast %select_n3A_918 : vector<16xi32> to vector<1x16xi32>
      tpu.vector_store %arg5[%swap3A_920, %swap3A_921], %swap3A_924 {strides = array<i32>} : memref<5x128xi32, #tpu.memory_space<vmem>>, vector<1x16xi32>,
      %get3A_925 = arith.constant 0 : i32
      %get3A_926 = arith.index_cast %get3A_925 : i32 to index
      %get3A_927 = arith.constant 48 : index
      %get3A_928 = tpu.vector_load %arg5[%get3A_926, %get3A_927] {strides = array<i32>} : memref<5x128xi32, #tpu.memory_space<vmem>>, vector<1x16xi32>,
      %get3A_929 = vector.shape_cast %get3A_928 : vector<1x16xi32> to vector<16xi32>
      %lt3A_930 = arith.constant 50000 : i32
      %lt3A_931 = vector.broadcast %lt3A_930 : i32 to vector<16xi32>
      %lt3A_932 = arith.cmpi slt, %get3A_929, %lt3A_931 : vector<16xi32>
      %jit3A_933 = arith.constant 50000 : i32
      %broadcast_in_dim3A_934 = vector.broadcast %jit3A_933 : i32 to vector<16xi32>
      %select_n3A_935 = arith.select %lt3A_932, %get3A_929, %broadcast_in_dim3A_934 : vector<16xi1>, vector<16xi32>
      %swap3A_936 = arith.constant 0 : i32
      %swap3A_937 = arith.index_cast %swap3A_936 : i32 to index
      %swap3A_938 = arith.constant 48 : index
      %swap3A_939 = tpu.vector_load %arg5[%swap3A_937, %swap3A_938] {strides = array<i32>} : memref<5x128xi32, #tpu.memory_space<vmem>>, vector<1x16xi32>,
      %swap3A_940 = vector.shape_cast %swap3A_939 : vector<1x16xi32> to vector<16xi32>
      %swap3A_941 = vector.shape_cast %select_n3A_935 : vector<16xi32> to vector<1x16xi32>
      tpu.vector_store %arg5[%swap3A_937, %swap3A_938], %swap3A_941 {strides = array<i32>} : memref<5x128xi32, #tpu.memory_space<vmem>>, vector<1x16xi32>,
      %get3A_942 = arith.constant 0 : i32
      %get3A_943 = arith.index_cast %get3A_942 : i32 to index
      %get3A_944 = arith.constant 64 : index
      %get3A_945 = tpu.vector_load %arg5[%get3A_943, %get3A_944] {strides = array<i32>} : memref<5x128xi32, #tpu.memory_space<vmem>>, vector<1x16xi32>,
      %get3A_946 = vector.shape_cast %get3A_945 : vector<1x16xi32> to vector<16xi32>
      %lt3A_947 = arith.constant 50000 : i32
      %lt3A_948 = vector.broadcast %lt3A_947 : i32 to vector<16xi32>
      %lt3A_949 = arith.cmpi slt, %get3A_946, %lt3A_948 : vector<16xi32>
      %jit3A_950 = arith.constant 50000 : i32
      %broadcast_in_dim3A_951 = vector.broadcast %jit3A_950 : i32 to vector<16xi32>
      %select_n3A_952 = arith.select %lt3A_949, %get3A_946, %broadcast_in_dim3A_951 : vector<16xi1>, vector<16xi32>
      %swap3A_953 = arith.constant 0 : i32
      %swap3A_954 = arith.index_cast %swap3A_953 : i32 to index
      %swap3A_955 = arith.constant 64 : index
      %swap3A_956 = tpu.vector_load %arg5[%swap3A_954, %swap3A_955] {strides = array<i32>} : memref<5x128xi32, #tpu.memory_space<vmem>>, vector<1x16xi32>,
      %swap3A_957 = vector.shape_cast %swap3A_956 : vector<1x16xi32> to vector<16xi32>
      %swap3A_958 = vector.shape_cast %select_n3A_952 : vector<16xi32> to vector<1x16xi32>
      tpu.vector_store %arg5[%swap3A_954, %swap3A_955], %swap3A_958 {strides = array<i32>} : memref<5x128xi32, #tpu.memory_space<vmem>>, vector<1x16xi32>,
      %get3A_959 = arith.constant 0 : i32
      %get3A_960 = arith.index_cast %get3A_959 : i32 to index
      %get3A_961 = arith.constant 80 : index
      %get3A_962 = tpu.vector_load %arg5[%get3A_960, %get3A_961] {strides = array<i32>} : memref<5x128xi32, #tpu.memory_space<vmem>>, vector<1x16xi32>,
      %get3A_963 = vector.shape_cast %get3A_962 : vector<1x16xi32> to vector<16xi32>
      %lt3A_964 = arith.constant 50000 : i32
      %lt3A_965 = vector.broadcast %lt3A_964 : i32 to vector<16xi32>
      %lt3A_966 = arith.cmpi slt, %get3A_963, %lt3A_965 : vector<16xi32>
      %jit3A_967 = arith.constant 50000 : i32
      %broadcast_in_dim3A_968 = vector.broadcast %jit3A_967 : i32 to vector<16xi32>
      %select_n3A_969 = arith.select %lt3A_966, %get3A_963, %broadcast_in_dim3A_968 : vector<16xi1>, vector<16xi32>
      %swap3A_970 = arith.constant 0 : i32
      %swap3A_971 = arith.index_cast %swap3A_970 : i32 to index
      %swap3A_972 = arith.constant 80 : index
      %swap3A_973 = tpu.vector_load %arg5[%swap3A_971, %swap3A_972] {strides = array<i32>} : memref<5x128xi32, #tpu.memory_space<vmem>>, vector<1x16xi32>,
      %swap3A_974 = vector.shape_cast %swap3A_973 : vector<1x16xi32> to vector<16xi32>
      %swap3A_975 = vector.shape_cast %select_n3A_969 : vector<16xi32> to vector<1x16xi32>
      tpu.vector_store %arg5[%swap3A_971, %swap3A_972], %swap3A_975 {strides = array<i32>} : memref<5x128xi32, #tpu.memory_space<vmem>>, vector<1x16xi32>,
      %get3A_976 = arith.constant 0 : i32
      %get3A_977 = arith.index_cast %get3A_976 : i32 to index
      %get3A_978 = arith.constant 96 : index
      %get3A_979 = tpu.vector_load %arg5[%get3A_977, %get3A_978] {strides = array<i32>} : memref<5x128xi32, #tpu.memory_space<vmem>>, vector<1x16xi32>,
      %get3A_980 = vector.shape_cast %get3A_979 : vector<1x16xi32> to vector<16xi32>
      %lt3A_981 = arith.constant 50000 : i32
      %lt3A_982 = vector.broadcast %lt3A_981 : i32 to vector<16xi32>
      %lt3A_983 = arith.cmpi slt, %get3A_980, %lt3A_982 : vector<16xi32>
      %jit3A_984 = arith.constant 50000 : i32
      %broadcast_in_dim3A_985 = vector.broadcast %jit3A_984 : i32 to vector<16xi32>
      %select_n3A_986 = arith.select %lt3A_983, %get3A_980, %broadcast_in_dim3A_985 : vector<16xi1>, vector<16xi32>
      %swap3A_987 = arith.constant 0 : i32
      %swap3A_988 = arith.index_cast %swap3A_987 : i32 to index
      %swap3A_989 = arith.constant 96 : index
      %swap3A_990 = tpu.vector_load %arg5[%swap3A_988, %swap3A_989] {strides = array<i32>} : memref<5x128xi32, #tpu.memory_space<vmem>>, vector<1x16xi32>,
      %swap3A_991 = vector.shape_cast %swap3A_990 : vector<1x16xi32> to vector<16xi32>
      %swap3A_992 = vector.shape_cast %select_n3A_986 : vector<16xi32> to vector<1x16xi32>
      tpu.vector_store %arg5[%swap3A_988, %swap3A_989], %swap3A_992 {strides = array<i32>} : memref<5x128xi32, #tpu.memory_space<vmem>>, vector<1x16xi32>,
      %get3A_993 = arith.constant 0 : i32
      %get3A_994 = arith.index_cast %get3A_993 : i32 to index
      %get3A_995 = arith.constant 112 : index
      %get3A_996 = tpu.vector_load %arg5[%get3A_994, %get3A_995] {strides = array<i32>} : memref<5x128xi32, #tpu.memory_space<vmem>>, vector<1x16xi32>,
      %get3A_997 = vector.shape_cast %get3A_996 : vector<1x16xi32> to vector<16xi32>
      %lt3A_998 = arith.constant 50000 : i32
      %lt3A_999 = vector.broadcast %lt3A_998 : i32 to vector<16xi32>
      %lt3A_1000 = arith.cmpi slt, %get3A_997, %lt3A_999 : vector<16xi32>
      %jit3A_1001 = arith.constant 50000 : i32
      %broadcast_in_dim3A_1002 = vector.broadcast %jit3A_1001 : i32 to vector<16xi32>
      %select_n3A_1003 = arith.select %lt3A_1000, %get3A_997, %broadcast_in_dim3A_1002 : vector<16xi1>, vector<16xi32>
      %swap3A_1004 = arith.constant 0 : i32
      %swap3A_1005 = arith.index_cast %swap3A_1004 : i32 to index
      %swap3A_1006 = arith.constant 112 : index
      %swap3A_1007 = tpu.vector_load %arg5[%swap3A_1005, %swap3A_1006] {strides = array<i32>} : memref<5x128xi32, #tpu.memory_space<vmem>>, vector<1x16xi32>,
      %swap3A_1008 = vector.shape_cast %swap3A_1007 : vector<1x16xi32> to vector<16xi32>
      %swap3A_1009 = vector.shape_cast %select_n3A_1003 : vector<16xi32> to vector<1x16xi32>
      tpu.vector_store %arg5[%swap3A_1005, %swap3A_1006], %swap3A_1009 {strides = array<i32>} : memref<5x128xi32, #tpu.memory_space<vmem>>, vector<1x16xi32>,
      %dma_wait3A_1010 = arith.constant 0 : i32
      %dma_wait3A_1011 = arith.constant 0 : i32
      %dma_wait3A_1012 = arith.constant 0 : i32
      %dma_wait3A_1013 = tpu.memref_slice %arg6[%dma_wait3A_1010, %dma_wait3A_1011, %dma_wait3A_1012] : memref<5x128x128xf32, #tpu.memory_space<vmem>> -> memref<1x128x128xf32, #tpu.memory_space<vmem>>
      %dma_wait3A_1014 = tpu.memref_squeeze %dma_wait3A_1013 : memref<1x128x128xf32, #tpu.memory_space<vmem>> -> memref<128x128xf32, #tpu.memory_space<vmem>>
      %dma_wait3A_1015 = arith.constant 0 : i32
      %dma_wait3A_1016 = tpu.memref_slice %arg4[%mul3A_856, %dma_wait3A_1015] : memref<819200x128xf32, #tpu.memory_space<hbm>> -> memref<128x128xf32, #tpu.memory_space<hbm>>
      %dma_wait3A_1017 = arith.constant 0 : i32
      %dma_wait3A_1018 = tpu.memref_slice %arg4[%mul3A_856, %dma_wait3A_1017] : memref<819200x128xf32, #tpu.memory_space<hbm>> -> memref<128x128xf32, #tpu.memory_space<hbm>>
      %dma_wait3A_1019 = arith.constant 0 : i32
      %dma_wait3A_1020 = arith.constant 0 : i32
      %dma_wait3A_1021 = tpu.memref_slice %arg6[%dma_wait3A_1010, %dma_wait3A_1019, %dma_wait3A_1020] : memref<5x128x128xf32, #tpu.memory_space<vmem>> -> memref<1x128x128xf32, #tpu.memory_space<vmem>>
      %dma_wait3A_1022 = tpu.memref_squeeze %dma_wait3A_1021 : memref<1x128x128xf32, #tpu.memory_space<vmem>> -> memref<128x128xf32, #tpu.memory_space<vmem>>
      tpu.wait_dma2 semaphore(%arg12 : memref<!tpu.dma_semaphore, #tpu.memory_space<semaphore_mem>>) src(%dma_wait3A_1022 : memref<128x128xf32, #tpu.memory_space<vmem>>) dst(%dma_wait3A_1018 : memref<128x128xf32, #tpu.memory_space<hbm>>)
      %dma_start3A_1023 = arith.constant 0 : i32
      %dma_start3A_1024 = arith.constant 0 : i32
      %dma_start3A_1025 = arith.constant 0 : i32
      %dma_start3A_1026 = arith.constant 0 : i32
      %dma_start3A_1027 = tpu.memref_slice %arg6[%dma_start3A_1024, %dma_start3A_1025, %dma_start3A_1026] : memref<5x128x128xf32, #tpu.memory_space<vmem>> -> memref<1x128x128xf32, #tpu.memory_space<vmem>>
      %dma_start3A_1028 = tpu.memref_squeeze %dma_start3A_1027 : memref<1x128x128xf32, #tpu.memory_space<vmem>> -> memref<128x128xf32, #tpu.memory_space<vmem>>
      %dma_start3A_1029 = arith.constant 0 : i32
      %dma_start3A_1030 = tpu.memref_slice %arg5[%dma_start3A_1023, %dma_start3A_1029] : memref<5x128xi32, #tpu.memory_space<vmem>> -> memref<1x128xi32, #tpu.memory_space<vmem>>
      %dma_start3A_1031 = tpu.memref_squeeze %dma_start3A_1030 : memref<1x128xi32, #tpu.memory_space<vmem>> -> memref<128xi32, #tpu.memory_space<vmem>>
      %dma_start3A_1032 = arith.constant 0 : i32
      %dma_start3A_1033 = arith.constant 0 : i32
      %dma_start3A_1034 = tpu.memref_slice %arg3[%dma_start3A_1032, %dma_start3A_1033] : memref<50008x128xf32, #tpu.memory_space<hbm>> -> memref<50008x128xf32, #tpu.memory_space<hbm>>
      tpu.enqueue_indirect_dma source(%dma_start3A_1034 : memref<50008x128xf32, #tpu.memory_space<hbm>>) target(%dma_start3A_1028 : memref<128x128xf32, #tpu.memory_space<vmem>>) offsets(%dma_start3A_1031 : memref<128xi32, #tpu.memory_space<vmem>>) semaphore(%arg7 : memref<!tpu.dma_semaphore, #tpu.memory_space<semaphore_mem>>)
      %dma_wait3A_1035 = arith.constant 1 : i32
      %dma_wait3A_1036 = arith.constant 1 : i32
      %dma_wait3A_1037 = arith.constant 0 : i32
      %dma_wait3A_1038 = arith.constant 0 : i32
      %dma_wait3A_1039 = tpu.memref_slice %arg6[%dma_wait3A_1036, %dma_wait3A_1037, %dma_wait3A_1038] : memref<5x128x128xf32, #tpu.memory_space<vmem>> -> memref<1x128x128xf32, #tpu.memory_space<vmem>>
      %dma_wait3A_1040 = tpu.memref_squeeze %dma_wait3A_1039 : memref<1x128x128xf32, #tpu.memory_space<vmem>> -> memref<128x128xf32, #tpu.memory_space<vmem>>
      %dma_wait3A_1041 = arith.constant 0 : i32
      %dma_wait3A_1042 = tpu.memref_slice %arg5[%dma_wait3A_1035, %dma_wait3A_1041] : memref<5x128xi32, #tpu.memory_space<vmem>> -> memref<1x128xi32, #tpu.memory_space<vmem>>
      %dma_wait3A_1043 = tpu.memref_squeeze %dma_wait3A_1042 : memref<1x128xi32, #tpu.memory_space<vmem>> -> memref<128xi32, #tpu.memory_space<vmem>>
      %dma_wait3A_1044 = arith.constant 0 : i32
      %dma_wait3A_1045 = arith.constant 0 : i32
      %dma_wait3A_1046 = tpu.memref_slice %arg3[%dma_wait3A_1044, %dma_wait3A_1045] : memref<50008x128xf32, #tpu.memory_space<hbm>> -> memref<50008x128xf32, #tpu.memory_space<hbm>>
      tpu.wait_indirect_dma semaphore(%arg8 : memref<!tpu.dma_semaphore, #tpu.memory_space<semaphore_mem>>) src(%dma_wait3A_1046 : memref<50008x128xf32, #tpu.memory_space<hbm>>) dst(%dma_wait3A_1040 : memref<128x128xf32, #tpu.memory_space<vmem>>)
      %add3A_1047 = arith.constant 1 : i32
      %add3A_1048 = arith.addi %add3A_840, %add3A_1047 : i32
      %mul3A_1049 = arith.constant 128 : i32
      %mul3A_1050 = arith.muli %add3A_1048, %mul3A_1049 : i32
      %dma_start3A_1051 = arith.constant 1 : i32
      %dma_start3A_1052 = arith.constant 0 : i32
      %dma_start3A_1053 = arith.constant 0 : i32
      %dma_start3A_1054 = tpu.memref_slice %arg6[%dma_start3A_1051, %dma_start3A_1052, %dma_start3A_1053] : memref<5x128x128xf32, #tpu.memory_space<vmem>> -> memref<1x128x128xf32, #tpu.memory_space<vmem>>
      %dma_start3A_1055 = tpu.memref_squeeze %dma_start3A_1054 : memref<1x128x128xf32, #tpu.memory_space<vmem>> -> memref<128x128xf32, #tpu.memory_space<vmem>>
      %dma_start3A_1056 = arith.constant 0 : i32
      %dma_start3A_1057 = tpu.memref_slice %arg4[%mul3A_1050, %dma_start3A_1056] : memref<819200x128xf32, #tpu.memory_space<hbm>> -> memref<128x128xf32, #tpu.memory_space<hbm>>
      %dma_start3A_1058 = arith.constant 0 : i32
      %dma_start3A_1059 = tpu.memref_slice %arg4[%mul3A_1050, %dma_start3A_1058] : memref<819200x128xf32, #tpu.memory_space<hbm>> -> memref<128x128xf32, #tpu.memory_space<hbm>>
      %dma_start3A_1060 = arith.constant 0 : i32
      %dma_start3A_1061 = arith.constant 0 : i32
      %dma_start3A_1062 = tpu.memref_slice %arg6[%dma_start3A_1051, %dma_start3A_1060, %dma_start3A_1061] : memref<5x128x128xf32, #tpu.memory_space<vmem>> -> memref<1x128x128xf32, #tpu.memory_space<vmem>>
      %dma_start3A_1063 = tpu.memref_squeeze %dma_start3A_1062 : memref<1x128x128xf32, #tpu.memory_space<vmem>> -> memref<128x128xf32, #tpu.memory_space<vmem>>
      tpu.enqueue_dma source(%dma_start3A_1063 : memref<128x128xf32, #tpu.memory_space<vmem>>) target(%dma_start3A_1059 : memref<128x128xf32, #tpu.memory_space<hbm>>) target_semaphore(%arg13 : memref<!tpu.dma_semaphore, #tpu.memory_space<semaphore_mem>>)
      %add3A_1064 = arith.constant 5 : i32
      %add3A_1065 = arith.addi %add3A_840, %add3A_1064 : i32
      %add3A_1066 = arith.constant 1 : i32
      %add3A_1067 = arith.addi %add3A_1065, %add3A_1066 : i32
      "tpu.region"() ({
        %run_scoped3A_1811 = tpu.sem_alloc : memref<!tpu.dma_semaphore, #tpu.memory_space<semaphore_mem>>
        %dma_start3A_1812 = arith.constant 1 : i32
        %dma_start3A_1813 = arith.constant 0 : i32
        %dma_start3A_1814 = tpu.memref_slice %arg5[%dma_start3A_1812, %dma_start3A_1813] : memref<5x128xi32, #tpu.memory_space<vmem>> -> memref<1x128xi32, #tpu.memory_space<vmem>>
        %dma_start3A_1815 = arith.constant 0 : i32
        %dma_start3A_1816 = tpu.memref_slice %arg2[%add3A_1067, %dma_start3A_1815] : memref<6400x128xi32, #tpu.memory_space<hbm>> -> memref<1x128xi32, #tpu.memory_space<hbm>>
        %dma_start3A_1817 = arith.constant 1 : i32
        %dma_start3A_1818 = arith.constant 0 : i32
        %dma_start3A_1819 = tpu.memref_slice %arg5[%dma_start3A_1817, %dma_start3A_1818] : memref<5x128xi32, #tpu.memory_space<vmem>> -> memref<1x128xi32, #tpu.memory_space<vmem>>
        %dma_start3A_1820 = arith.constant 0 : i32
        %dma_start3A_1821 = tpu.memref_slice %arg2[%add3A_1067, %dma_start3A_1820] : memref<6400x128xi32, #tpu.memory_space<hbm>> -> memref<1x128xi32, #tpu.memory_space<hbm>>
        tpu.enqueue_dma source(%dma_start3A_1821 : memref<1x128xi32, #tpu.memory_space<hbm>>) target(%dma_start3A_1819 : memref<1x128xi32, #tpu.memory_space<vmem>>) target_semaphore(%run_scoped3A_1811 : memref<!tpu.dma_semaphore, #tpu.memory_space<semaphore_mem>>)
        %dma_wait3A_1822 = arith.constant 1 : i32
        %dma_wait3A_1823 = arith.constant 0 : i32
        %dma_wait3A_1824 = tpu.memref_slice %arg5[%dma_wait3A_1822, %dma_wait3A_1823] : memref<5x128xi32, #tpu.memory_space<vmem>> -> memref<1x128xi32, #tpu.memory_space<vmem>>
        %dma_wait3A_1825 = arith.constant 0 : i32
        %dma_wait3A_1826 = tpu.memref_slice %arg2[%add3A_1067, %dma_wait3A_1825] : memref<6400x128xi32, #tpu.memory_space<hbm>> -> memref<1x128xi32, #tpu.memory_space<hbm>>
        %dma_wait3A_1827 = arith.constant 1 : i32
        %dma_wait3A_1828 = arith.constant 0 : i32
        %dma_wait3A_1829 = tpu.memref_slice %arg5[%dma_wait3A_1827, %dma_wait3A_1828] : memref<5x128xi32, #tpu.memory_space<vmem>> -> memref<1x128xi32, #tpu.memory_space<vmem>>
        %dma_wait3A_1830 = arith.constant 0 : i32
        %dma_wait3A_1831 = tpu.memref_slice %arg2[%add3A_1067, %dma_wait3A_1830] : memref<6400x128xi32, #tpu.memory_space<hbm>> -> memref<1x128xi32, #tpu.memory_space<hbm>>
        tpu.wait_dma2 semaphore(%run_scoped3A_1811 : memref<!tpu.dma_semaphore, #tpu.memory_space<semaphore_mem>>) src(%dma_wait3A_1831 : memref<1x128xi32, #tpu.memory_space<hbm>>) dst(%dma_wait3A_1829 : memref<1x128xi32, #tpu.memory_space<vmem>>)
        tpu.yield
      }) : () -> ()
      %get3A_1068 = arith.constant 1 : i32
      %get3A_1069 = arith.index_cast %get3A_1068 : i32 to index
      %get3A_1070 = arith.constant 0 : index
      %get3A_1071 = tpu.vector_load %arg5[%get3A_1069, %get3A_1070] {strides = array<i32>} : memref<5x128xi32, #tpu.memory_space<vmem>>, vector<1x16xi32>,
      %get3A_1072 = vector.shape_cast %get3A_1071 : vector<1x16xi32> to vector<16xi32>
      %lt3A_1073 = arith.constant 50000 : i32
      %lt3A_1074 = vector.broadcast %lt3A_1073 : i32 to vector<16xi32>
      %lt3A_1075 = arith.cmpi slt, %get3A_1072, %lt3A_1074 : vector<16xi32>
      %jit3A_1076 = arith.constant 50000 : i32
      %broadcast_in_dim3A_1077 = vector.broadcast %jit3A_1076 : i32 to vector<16xi32>
      %select_n3A_1078 = arith.select %lt3A_1075, %get3A_1072, %broadcast_in_dim3A_1077 : vector<16xi1>, vector<16xi32>
      %swap3A_1079 = arith.constant 1 : i32
      %swap3A_1080 = arith.index_cast %swap3A_1079 : i32 to index
      %swap3A_1081 = arith.constant 0 : index
      %swap3A_1082 = tpu.vector_load %arg5[%swap3A_1080, %swap3A_1081] {strides = array<i32>} : memref<5x128xi32, #tpu.memory_space<vmem>>, vector<1x16xi32>,
      %swap3A_1083 = vector.shape_cast %swap3A_1082 : vector<1x16xi32> to vector<16xi32>
      %swap3A_1084 = vector.shape_cast %select_n3A_1078 : vector<16xi32> to vector<1x16xi32>
      tpu.vector_store %arg5[%swap3A_1080, %swap3A_1081], %swap3A_1084 {strides = array<i32>} : memref<5x128xi32, #tpu.memory_space<vmem>>, vector<1x16xi32>,
      %get3A_1085 = arith.constant 1 : i32
      %get3A_1086 = arith.index_cast %get3A_1085 : i32 to index
      %get3A_1087 = arith.constant 16 : index
      %get3A_1088 = tpu.vector_load %arg5[%get3A_1086, %get3A_1087] {strides = array<i32>} : memref<5x128xi32, #tpu.memory_space<vmem>>, vector<1x16xi32>,
      %get3A_1089 = vector.shape_cast %get3A_1088 : vector<1x16xi32> to vector<16xi32>
      %lt3A_1090 = arith.constant 50000 : i32
      %lt3A_1091 = vector.broadcast %lt3A_1090 : i32 to vector<16xi32>
      %lt3A_1092 = arith.cmpi slt, %get3A_1089, %lt3A_1091 : vector<16xi32>
      %jit3A_1093 = arith.constant 50000 : i32
      %broadcast_in_dim3A_1094 = vector.broadcast %jit3A_1093 : i32 to vector<16xi32>
      %select_n3A_1095 = arith.select %lt3A_1092, %get3A_1089, %broadcast_in_dim3A_1094 : vector<16xi1>, vector<16xi32>
      %swap3A_1096 = arith.constant 1 : i32
      %swap3A_1097 = arith.index_cast %swap3A_1096 : i32 to index
      %swap3A_1098 = arith.constant 16 : index
      %swap3A_1099 = tpu.vector_load %arg5[%swap3A_1097, %swap3A_1098] {strides = array<i32>} : memref<5x128xi32, #tpu.memory_space<vmem>>, vector<1x16xi32>,
      %swap3A_1100 = vector.shape_cast %swap3A_1099 : vector<1x16xi32> to vector<16xi32>
      %swap3A_1101 = vector.shape_cast %select_n3A_1095 : vector<16xi32> to vector<1x16xi32>
      tpu.vector_store %arg5[%swap3A_1097, %swap3A_1098], %swap3A_1101 {strides = array<i32>} : memref<5x128xi32, #tpu.memory_space<vmem>>, vector<1x16xi32>,
      %get3A_1102 = arith.constant 1 : i32
      %get3A_1103 = arith.index_cast %get3A_1102 : i32 to index
      %get3A_1104 = arith.constant 32 : index
      %get3A_1105 = tpu.vector_load %arg5[%get3A_1103, %get3A_1104] {strides = array<i32>} : memref<5x128xi32, #tpu.memory_space<vmem>>, vector<1x16xi32>,
      %get3A_1106 = vector.shape_cast %get3A_1105 : vector<1x16xi32> to vector<16xi32>
      %lt3A_1107 = arith.constant 50000 : i32
      %lt3A_1108 = vector.broadcast %lt3A_1107 : i32 to vector<16xi32>
      %lt3A_1109 = arith.cmpi slt, %get3A_1106, %lt3A_1108 : vector<16xi32>
      %jit3A_1110 = arith.constant 50000 : i32
      %broadcast_in_dim3A_1111 = vector.broadcast %jit3A_1110 : i32 to vector<16xi32>
      %select_n3A_1112 = arith.select %lt3A_1109, %get3A_1106, %broadcast_in_dim3A_1111 : vector<16xi1>, vector<16xi32>
      %swap3A_1113 = arith.constant 1 : i32
      %swap3A_1114 = arith.index_cast %swap3A_1113 : i32 to index
      %swap3A_1115 = arith.constant 32 : index
      %swap3A_1116 = tpu.vector_load %arg5[%swap3A_1114, %swap3A_1115] {strides = array<i32>} : memref<5x128xi32, #tpu.memory_space<vmem>>, vector<1x16xi32>,
      %swap3A_1117 = vector.shape_cast %swap3A_1116 : vector<1x16xi32> to vector<16xi32>
      %swap3A_1118 = vector.shape_cast %select_n3A_1112 : vector<16xi32> to vector<1x16xi32>
      tpu.vector_store %arg5[%swap3A_1114, %swap3A_1115], %swap3A_1118 {strides = array<i32>} : memref<5x128xi32, #tpu.memory_space<vmem>>, vector<1x16xi32>,
      %get3A_1119 = arith.constant 1 : i32
      %get3A_1120 = arith.index_cast %get3A_1119 : i32 to index
      %get3A_1121 = arith.constant 48 : index
      %get3A_1122 = tpu.vector_load %arg5[%get3A_1120, %get3A_1121] {strides = array<i32>} : memref<5x128xi32, #tpu.memory_space<vmem>>, vector<1x16xi32>,
      %get3A_1123 = vector.shape_cast %get3A_1122 : vector<1x16xi32> to vector<16xi32>
      %lt3A_1124 = arith.constant 50000 : i32
      %lt3A_1125 = vector.broadcast %lt3A_1124 : i32 to vector<16xi32>
      %lt3A_1126 = arith.cmpi slt, %get3A_1123, %lt3A_1125 : vector<16xi32>
      %jit3A_1127 = arith.constant 50000 : i32
      %broadcast_in_dim3A_1128 = vector.broadcast %jit3A_1127 : i32 to vector<16xi32>
      %select_n3A_1129 = arith.select %lt3A_1126, %get3A_1123, %broadcast_in_dim3A_1128 : vector<16xi1>, vector<16xi32>
      %swap3A_1130 = arith.constant 1 : i32
      %swap3A_1131 = arith.index_cast %swap3A_1130 : i32 to index
      %swap3A_1132 = arith.constant 48 : index
      %swap3A_1133 = tpu.vector_load %arg5[%swap3A_1131, %swap3A_1132] {strides = array<i32>} : memref<5x128xi32, #tpu.memory_space<vmem>>, vector<1x16xi32>,
      %swap3A_1134 = vector.shape_cast %swap3A_1133 : vector<1x16xi32> to vector<16xi32>
      %swap3A_1135 = vector.shape_cast %select_n3A_1129 : vector<16xi32> to vector<1x16xi32>
      tpu.vector_store %arg5[%swap3A_1131, %swap3A_1132], %swap3A_1135 {strides = array<i32>} : memref<5x128xi32, #tpu.memory_space<vmem>>, vector<1x16xi32>,
      %get3A_1136 = arith.constant 1 : i32
      %get3A_1137 = arith.index_cast %get3A_1136 : i32 to index
      %get3A_1138 = arith.constant 64 : index
      %get3A_1139 = tpu.vector_load %arg5[%get3A_1137, %get3A_1138] {strides = array<i32>} : memref<5x128xi32, #tpu.memory_space<vmem>>, vector<1x16xi32>,
      %get3A_1140 = vector.shape_cast %get3A_1139 : vector<1x16xi32> to vector<16xi32>
      %lt3A_1141 = arith.constant 50000 : i32
      %lt3A_1142 = vector.broadcast %lt3A_1141 : i32 to vector<16xi32>
      %lt3A_1143 = arith.cmpi slt, %get3A_1140, %lt3A_1142 : vector<16xi32>
      %jit3A_1144 = arith.constant 50000 : i32
      %broadcast_in_dim3A_1145 = vector.broadcast %jit3A_1144 : i32 to vector<16xi32>
      %select_n3A_1146 = arith.select %lt3A_1143, %get3A_1140, %broadcast_in_dim3A_1145 : vector<16xi1>, vector<16xi32>
      %swap3A_1147 = arith.constant 1 : i32
      %swap3A_1148 = arith.index_cast %swap3A_1147 : i32 to index
      %swap3A_1149 = arith.constant 64 : index
      %swap3A_1150 = tpu.vector_load %arg5[%swap3A_1148, %swap3A_1149] {strides = array<i32>} : memref<5x128xi32, #tpu.memory_space<vmem>>, vector<1x16xi32>,
      %swap3A_1151 = vector.shape_cast %swap3A_1150 : vector<1x16xi32> to vector<16xi32>
      %swap3A_1152 = vector.shape_cast %select_n3A_1146 : vector<16xi32> to vector<1x16xi32>
      tpu.vector_store %arg5[%swap3A_1148, %swap3A_1149], %swap3A_1152 {strides = array<i32>} : memref<5x128xi32, #tpu.memory_space<vmem>>, vector<1x16xi32>,
      %get3A_1153 = arith.constant 1 : i32
      %get3A_1154 = arith.index_cast %get3A_1153 : i32 to index
      %get3A_1155 = arith.constant 80 : index
      %get3A_1156 = tpu.vector_load %arg5[%get3A_1154, %get3A_1155] {strides = array<i32>} : memref<5x128xi32, #tpu.memory_space<vmem>>, vector<1x16xi32>,
      %get3A_1157 = vector.shape_cast %get3A_1156 : vector<1x16xi32> to vector<16xi32>
      %lt3A_1158 = arith.constant 50000 : i32
      %lt3A_1159 = vector.broadcast %lt3A_1158 : i32 to vector<16xi32>
      %lt3A_1160 = arith.cmpi slt, %get3A_1157, %lt3A_1159 : vector<16xi32>
      %jit3A_1161 = arith.constant 50000 : i32
      %broadcast_in_dim3A_1162 = vector.broadcast %jit3A_1161 : i32 to vector<16xi32>
      %select_n3A_1163 = arith.select %lt3A_1160, %get3A_1157, %broadcast_in_dim3A_1162 : vector<16xi1>, vector<16xi32>
      %swap3A_1164 = arith.constant 1 : i32
      %swap3A_1165 = arith.index_cast %swap3A_1164 : i32 to index
      %swap3A_1166 = arith.constant 80 : index
      %swap3A_1167 = tpu.vector_load %arg5[%swap3A_1165, %swap3A_1166] {strides = array<i32>} : memref<5x128xi32, #tpu.memory_space<vmem>>, vector<1x16xi32>,
      %swap3A_1168 = vector.shape_cast %swap3A_1167 : vector<1x16xi32> to vector<16xi32>
      %swap3A_1169 = vector.shape_cast %select_n3A_1163 : vector<16xi32> to vector<1x16xi32>
      tpu.vector_store %arg5[%swap3A_1165, %swap3A_1166], %swap3A_1169 {strides = array<i32>} : memref<5x128xi32, #tpu.memory_space<vmem>>, vector<1x16xi32>,
      %get3A_1170 = arith.constant 1 : i32
      %get3A_1171 = arith.index_cast %get3A_1170 : i32 to index
      %get3A_1172 = arith.constant 96 : index
      %get3A_1173 = tpu.vector_load %arg5[%get3A_1171, %get3A_1172] {strides = array<i32>} : memref<5x128xi32, #tpu.memory_space<vmem>>, vector<1x16xi32>,
      %get3A_1174 = vector.shape_cast %get3A_1173 : vector<1x16xi32> to vector<16xi32>
      %lt3A_1175 = arith.constant 50000 : i32
      %lt3A_1176 = vector.broadcast %lt3A_1175 : i32 to vector<16xi32>
      %lt3A_1177 = arith.cmpi slt, %get3A_1174, %lt3A_1176 : vector<16xi32>
      %jit3A_1178 = arith.constant 50000 : i32
      %broadcast_in_dim3A_1179 = vector.broadcast %jit3A_1178 : i32 to vector<16xi32>
      %select_n3A_1180 = arith.select %lt3A_1177, %get3A_1174, %broadcast_in_dim3A_1179 : vector<16xi1>, vector<16xi32>
      %swap3A_1181 = arith.constant 1 : i32
      %swap3A_1182 = arith.index_cast %swap3A_1181 : i32 to index
      %swap3A_1183 = arith.constant 96 : index
      %swap3A_1184 = tpu.vector_load %arg5[%swap3A_1182, %swap3A_1183] {strides = array<i32>} : memref<5x128xi32, #tpu.memory_space<vmem>>, vector<1x16xi32>,
      %swap3A_1185 = vector.shape_cast %swap3A_1184 : vector<1x16xi32> to vector<16xi32>
      %swap3A_1186 = vector.shape_cast %select_n3A_1180 : vector<16xi32> to vector<1x16xi32>
      tpu.vector_store %arg5[%swap3A_1182, %swap3A_1183], %swap3A_1186 {strides = array<i32>} : memref<5x128xi32, #tpu.memory_space<vmem>>, vector<1x16xi32>,
      %get3A_1187 = arith.constant 1 : i32
      %get3A_1188 = arith.index_cast %get3A_1187 : i32 to index
      %get3A_1189 = arith.constant 112 : index
      %get3A_1190 = tpu.vector_load %arg5[%get3A_1188, %get3A_1189] {strides = array<i32>} : memref<5x128xi32, #tpu.memory_space<vmem>>, vector<1x16xi32>,
      %get3A_1191 = vector.shape_cast %get3A_1190 : vector<1x16xi32> to vector<16xi32>
      %lt3A_1192 = arith.constant 50000 : i32
      %lt3A_1193 = vector.broadcast %lt3A_1192 : i32 to vector<16xi32>
      %lt3A_1194 = arith.cmpi slt, %get3A_1191, %lt3A_1193 : vector<16xi32>
      %jit3A_1195 = arith.constant 50000 : i32
      %broadcast_in_dim3A_1196 = vector.broadcast %jit3A_1195 : i32 to vector<16xi32>
      %select_n3A_1197 = arith.select %lt3A_1194, %get3A_1191, %broadcast_in_dim3A_1196 : vector<16xi1>, vector<16xi32>
      %swap3A_1198 = arith.constant 1 : i32
      %swap3A_1199 = arith.index_cast %swap3A_1198 : i32 to index
      %swap3A_1200 = arith.constant 112 : index
      %swap3A_1201 = tpu.vector_load %arg5[%swap3A_1199, %swap3A_1200] {strides = array<i32>} : memref<5x128xi32, #tpu.memory_space<vmem>>, vector<1x16xi32>,
      %swap3A_1202 = vector.shape_cast %swap3A_1201 : vector<1x16xi32> to vector<16xi32>
      %swap3A_1203 = vector.shape_cast %select_n3A_1197 : vector<16xi32> to vector<1x16xi32>
      tpu.vector_store %arg5[%swap3A_1199, %swap3A_1200], %swap3A_1203 {strides = array<i32>} : memref<5x128xi32, #tpu.memory_space<vmem>>, vector<1x16xi32>,
      %dma_wait3A_1204 = arith.constant 1 : i32
      %dma_wait3A_1205 = arith.constant 0 : i32
      %dma_wait3A_1206 = arith.constant 0 : i32
      %dma_wait3A_1207 = tpu.memref_slice %arg6[%dma_wait3A_1204, %dma_wait3A_1205, %dma_wait3A_1206] : memref<5x128x128xf32, #tpu.memory_space<vmem>> -> memref<1x128x128xf32, #tpu.memory_space<vmem>>
      %dma_wait3A_1208 = tpu.memref_squeeze %dma_wait3A_1207 : memref<1x128x128xf32, #tpu.memory_space<vmem>> -> memref<128x128xf32, #tpu.memory_space<vmem>>
      %dma_wait3A_1209 = arith.constant 0 : i32
      %dma_wait3A_1210 = tpu.memref_slice %arg4[%mul3A_1050, %dma_wait3A_1209] : memref<819200x128xf32, #tpu.memory_space<hbm>> -> memref<128x128xf32, #tpu.memory_space<hbm>>
      %dma_wait3A_1211 = arith.constant 0 : i32
      %dma_wait3A_1212 = tpu.memref_slice %arg4[%mul3A_1050, %dma_wait3A_1211] : memref<819200x128xf32, #tpu.memory_space<hbm>> -> memref<128x128xf32, #tpu.memory_space<hbm>>
      %dma_wait3A_1213 = arith.constant 0 : i32
      %dma_wait3A_1214 = arith.constant 0 : i32
      %dma_wait3A_1215 = tpu.memref_slice %arg6[%dma_wait3A_1204, %dma_wait3A_1213, %dma_wait3A_1214] : memref<5x128x128xf32, #tpu.memory_space<vmem>> -> memref<1x128x128xf32, #tpu.memory_space<vmem>>
      %dma_wait3A_1216 = tpu.memref_squeeze %dma_wait3A_1215 : memref<1x128x128xf32, #tpu.memory_space<vmem>> -> memref<128x128xf32, #tpu.memory_space<vmem>>
      tpu.wait_dma2 semaphore(%arg13 : memref<!tpu.dma_semaphore, #tpu.memory_space<semaphore_mem>>) src(%dma_wait3A_1216 : memref<128x128xf32, #tpu.memory_space<vmem>>) dst(%dma_wait3A_1212 : memref<128x128xf32, #tpu.memory_space<hbm>>)
      %dma_start3A_1217 = arith.constant 1 : i32
      %dma_start3A_1218 = arith.constant 1 : i32
      %dma_start3A_1219 = arith.constant 0 : i32
      %dma_start3A_1220 = arith.constant 0 : i32
      %dma_start3A_1221 = tpu.memref_slice %arg6[%dma_start3A_1218, %dma_start3A_1219, %dma_start3A_1220] : memref<5x128x128xf32, #tpu.memory_space<vmem>> -> memref<1x128x128xf32, #tpu.memory_space<vmem>>
      %dma_start3A_1222 = tpu.memref_squeeze %dma_start3A_1221 : memref<1x128x128xf32, #tpu.memory_space<vmem>> -> memref<128x128xf32, #tpu.memory_space<vmem>>
      %dma_start3A_1223 = arith.constant 0 : i32
      %dma_start3A_1224 = tpu.memref_slice %arg5[%dma_start3A_1217, %dma_start3A_1223] : memref<5x128xi32, #tpu.memory_space<vmem>> -> memref<1x128xi32, #tpu.memory_space<vmem>>
      %dma_start3A_1225 = tpu.memref_squeeze %dma_start3A_1224 : memref<1x128xi32, #tpu.memory_space<vmem>> -> memref<128xi32, #tpu.memory_space<vmem>>
      %dma_start3A_1226 = arith.constant 0 : i32
      %dma_start3A_1227 = arith.constant 0 : i32
      %dma_start3A_1228 = tpu.memref_slice %arg3[%dma_start3A_1226, %dma_start3A_1227] : memref<50008x128xf32, #tpu.memory_space<hbm>> -> memref<50008x128xf32, #tpu.memory_space<hbm>>
      tpu.enqueue_indirect_dma source(%dma_start3A_1228 : memref<50008x128xf32, #tpu.memory_space<hbm>>) target(%dma_start3A_1222 : memref<128x128xf32, #tpu.memory_space<vmem>>) offsets(%dma_start3A_1225 : memref<128xi32, #tpu.memory_space<vmem>>) semaphore(%arg8 : memref<!tpu.dma_semaphore, #tpu.memory_space<semaphore_mem>>)
      %dma_wait3A_1229 = arith.constant 2 : i32
      %dma_wait3A_1230 = arith.constant 2 : i32
      %dma_wait3A_1231 = arith.constant 0 : i32
      %dma_wait3A_1232 = arith.constant 0 : i32
      %dma_wait3A_1233 = tpu.memref_slice %arg6[%dma_wait3A_1230, %dma_wait3A_1231, %dma_wait3A_1232] : memref<5x128x128xf32, #tpu.memory_space<vmem>> -> memref<1x128x128xf32, #tpu.memory_space<vmem>>
      %dma_wait3A_1234 = tpu.memref_squeeze %dma_wait3A_1233 : memref<1x128x128xf32, #tpu.memory_space<vmem>> -> memref<128x128xf32, #tpu.memory_space<vmem>>
      %dma_wait3A_1235 = arith.constant 0 : i32
      %dma_wait3A_1236 = tpu.memref_slice %arg5[%dma_wait3A_1229, %dma_wait3A_1235] : memref<5x128xi32, #tpu.memory_space<vmem>> -> memref<1x128xi32, #tpu.memory_space<vmem>>
      %dma_wait3A_1237 = tpu.memref_squeeze %dma_wait3A_1236 : memref<1x128xi32, #tpu.memory_space<vmem>> -> memref<128xi32, #tpu.memory_space<vmem>>
      %dma_wait3A_1238 = arith.constant 0 : i32
      %dma_wait3A_1239 = arith.constant 0 : i32
      %dma_wait3A_1240 = tpu.memref_slice %arg3[%dma_wait3A_1238, %dma_wait3A_1239] : memref<50008x128xf32, #tpu.memory_space<hbm>> -> memref<50008x128xf32, #tpu.memory_space<hbm>>
      tpu.wait_indirect_dma semaphore(%arg9 : memref<!tpu.dma_semaphore, #tpu.memory_space<semaphore_mem>>) src(%dma_wait3A_1240 : memref<50008x128xf32, #tpu.memory_space<hbm>>) dst(%dma_wait3A_1234 : memref<128x128xf32, #tpu.memory_space<vmem>>)
      %add3A_1241 = arith.constant 2 : i32
      %add3A_1242 = arith.addi %add3A_840, %add3A_1241 : i32
      %mul3A_1243 = arith.constant 128 : i32
      %mul3A_1244 = arith.muli %add3A_1242, %mul3A_1243 : i32
      %dma_start3A_1245 = arith.constant 2 : i32
      %dma_start3A_1246 = arith.constant 0 : i32
      %dma_start3A_1247 = arith.constant 0 : i32
      %dma_start3A_1248 = tpu.memref_slice %arg6[%dma_start3A_1245, %dma_start3A_1246, %dma_start3A_1247] : memref<5x128x128xf32, #tpu.memory_space<vmem>> -> memref<1x128x128xf32, #tpu.memory_space<vmem>>
      %dma_start3A_1249 = tpu.memref_squeeze %dma_start3A_1248 : memref<1x128x128xf32, #tpu.memory_space<vmem>> -> memref<128x128xf32, #tpu.memory_space<vmem>>
      %dma_start3A_1250 = arith.constant 0 : i32
      %dma_start3A_1251 = tpu.memref_slice %arg4[%mul3A_1244, %dma_start3A_1250] : memref<819200x128xf32, #tpu.memory_space<hbm>> -> memref<128x128xf32, #tpu.memory_space<hbm>>
      %dma_start3A_1252 = arith.constant 0 : i32
      %dma_start3A_1253 = tpu.memref_slice %arg4[%mul3A_1244, %dma_start3A_1252] : memref<819200x128xf32, #tpu.memory_space<hbm>> -> memref<128x128xf32, #tpu.memory_space<hbm>>
      %dma_start3A_1254 = arith.constant 0 : i32
      %dma_start3A_1255 = arith.constant 0 : i32
      %dma_start3A_1256 = tpu.memref_slice %arg6[%dma_start3A_1245, %dma_start3A_1254, %dma_start3A_1255] : memref<5x128x128xf32, #tpu.memory_space<vmem>> -> memref<1x128x128xf32, #tpu.memory_space<vmem>>
      %dma_start3A_1257 = tpu.memref_squeeze %dma_start3A_1256 : memref<1x128x128xf32, #tpu.memory_space<vmem>> -> memref<128x128xf32, #tpu.memory_space<vmem>>
      tpu.enqueue_dma source(%dma_start3A_1257 : memref<128x128xf32, #tpu.memory_space<vmem>>) target(%dma_start3A_1253 : memref<128x128xf32, #tpu.memory_space<hbm>>) target_semaphore(%arg14 : memref<!tpu.dma_semaphore, #tpu.memory_space<semaphore_mem>>)
      %add3A_1258 = arith.constant 5 : i32
      %add3A_1259 = arith.addi %add3A_840, %add3A_1258 : i32
      %add3A_1260 = arith.constant 2 : i32
      %add3A_1261 = arith.addi %add3A_1259, %add3A_1260 : i32
      "tpu.region"() ({
        %run_scoped3A_1811 = tpu.sem_alloc : memref<!tpu.dma_semaphore, #tpu.memory_space<semaphore_mem>>
        %dma_start3A_1812 = arith.constant 2 : i32
        %dma_start3A_1813 = arith.constant 0 : i32
        %dma_start3A_1814 = tpu.memref_slice %arg5[%dma_start3A_1812, %dma_start3A_1813] : memref<5x128xi32, #tpu.memory_space<vmem>> -> memref<1x128xi32, #tpu.memory_space<vmem>>
        %dma_start3A_1815 = arith.constant 0 : i32
        %dma_start3A_1816 = tpu.memref_slice %arg2[%add3A_1261, %dma_start3A_1815] : memref<6400x128xi32, #tpu.memory_space<hbm>> -> memref<1x128xi32, #tpu.memory_space<hbm>>
        %dma_start3A_1817 = arith.constant 2 : i32
        %dma_start3A_1818 = arith.constant 0 : i32
        %dma_start3A_1819 = tpu.memref_slice %arg5[%dma_start3A_1817, %dma_start3A_1818] : memref<5x128xi32, #tpu.memory_space<vmem>> -> memref<1x128xi32, #tpu.memory_space<vmem>>
        %dma_start3A_1820 = arith.constant 0 : i32
        %dma_start3A_1821 = tpu.memref_slice %arg2[%add3A_1261, %dma_start3A_1820] : memref<6400x128xi32, #tpu.memory_space<hbm>> -> memref<1x128xi32, #tpu.memory_space<hbm>>
        tpu.enqueue_dma source(%dma_start3A_1821 : memref<1x128xi32, #tpu.memory_space<hbm>>) target(%dma_start3A_1819 : memref<1x128xi32, #tpu.memory_space<vmem>>) target_semaphore(%run_scoped3A_1811 : memref<!tpu.dma_semaphore, #tpu.memory_space<semaphore_mem>>)
        %dma_wait3A_1822 = arith.constant 2 : i32
        %dma_wait3A_1823 = arith.constant 0 : i32
        %dma_wait3A_1824 = tpu.memref_slice %arg5[%dma_wait3A_1822, %dma_wait3A_1823] : memref<5x128xi32, #tpu.memory_space<vmem>> -> memref<1x128xi32, #tpu.memory_space<vmem>>
        %dma_wait3A_1825 = arith.constant 0 : i32
        %dma_wait3A_1826 = tpu.memref_slice %arg2[%add3A_1261, %dma_wait3A_1825] : memref<6400x128xi32, #tpu.memory_space<hbm>> -> memref<1x128xi32, #tpu.memory_space<hbm>>
        %dma_wait3A_1827 = arith.constant 2 : i32
        %dma_wait3A_1828 = arith.constant 0 : i32
        %dma_wait3A_1829 = tpu.memref_slice %arg5[%dma_wait3A_1827, %dma_wait3A_1828] : memref<5x128xi32, #tpu.memory_space<vmem>> -> memref<1x128xi32, #tpu.memory_space<vmem>>
        %dma_wait3A_1830 = arith.constant 0 : i32
        %dma_wait3A_1831 = tpu.memref_slice %arg2[%add3A_1261, %dma_wait3A_1830] : memref<6400x128xi32, #tpu.memory_space<hbm>> -> memref<1x128xi32, #tpu.memory_space<hbm>>
        tpu.wait_dma2 semaphore(%run_scoped3A_1811 : memref<!tpu.dma_semaphore, #tpu.memory_space<semaphore_mem>>) src(%dma_wait3A_1831 : memref<1x128xi32, #tpu.memory_space<hbm>>) dst(%dma_wait3A_1829 : memref<1x128xi32, #tpu.memory_space<vmem>>)
        tpu.yield
      }) : () -> ()
      %get3A_1262 = arith.constant 2 : i32
      %get3A_1263 = arith.index_cast %get3A_1262 : i32 to index
      %get3A_1264 = arith.constant 0 : index
      %get3A_1265 = tpu.vector_load %arg5[%get3A_1263, %get3A_1264] {strides = array<i32>} : memref<5x128xi32, #tpu.memory_space<vmem>>, vector<1x16xi32>,
      %get3A_1266 = vector.shape_cast %get3A_1265 : vector<1x16xi32> to vector<16xi32>
      %lt3A_1267 = arith.constant 50000 : i32
      %lt3A_1268 = vector.broadcast %lt3A_1267 : i32 to vector<16xi32>
      %lt3A_1269 = arith.cmpi slt, %get3A_1266, %lt3A_1268 : vector<16xi32>
      %jit3A_1270 = arith.constant 50000 : i32
      %broadcast_in_dim3A_1271 = vector.broadcast %jit3A_1270 : i32 to vector<16xi32>
      %select_n3A_1272 = arith.select %lt3A_1269, %get3A_1266, %broadcast_in_dim3A_1271 : vector<16xi1>, vector<16xi32>
      %swap3A_1273 = arith.constant 2 : i32
      %swap3A_1274 = arith.index_cast %swap3A_1273 : i32 to index
      %swap3A_1275 = arith.constant 0 : index
      %swap3A_1276 = tpu.vector_load %arg5[%swap3A_1274, %swap3A_1275] {strides = array<i32>} : memref<5x128xi32, #tpu.memory_space<vmem>>, vector<1x16xi32>,
      %swap3A_1277 = vector.shape_cast %swap3A_1276 : vector<1x16xi32> to vector<16xi32>
      %swap3A_1278 = vector.shape_cast %select_n3A_1272 : vector<16xi32> to vector<1x16xi32>
      tpu.vector_store %arg5[%swap3A_1274, %swap3A_1275], %swap3A_1278 {strides = array<i32>} : memref<5x128xi32, #tpu.memory_space<vmem>>, vector<1x16xi32>,
      %get3A_1279 = arith.constant 2 : i32
      %get3A_1280 = arith.index_cast %get3A_1279 : i32 to index
      %get3A_1281 = arith.constant 16 : index
      %get3A_1282 = tpu.vector_load %arg5[%get3A_1280, %get3A_1281] {strides = array<i32>} : memref<5x128xi32, #tpu.memory_space<vmem>>, vector<1x16xi32>,
      %get3A_1283 = vector.shape_cast %get3A_1282 : vector<1x16xi32> to vector<16xi32>
      %lt3A_1284 = arith.constant 50000 : i32
      %lt3A_1285 = vector.broadcast %lt3A_1284 : i32 to vector<16xi32>
      %lt3A_1286 = arith.cmpi slt, %get3A_1283, %lt3A_1285 : vector<16xi32>
      %jit3A_1287 = arith.constant 50000 : i32
      %broadcast_in_dim3A_1288 = vector.broadcast %jit3A_1287 : i32 to vector<16xi32>
      %select_n3A_1289 = arith.select %lt3A_1286, %get3A_1283, %broadcast_in_dim3A_1288 : vector<16xi1>, vector<16xi32>
      %swap3A_1290 = arith.constant 2 : i32
      %swap3A_1291 = arith.index_cast %swap3A_1290 : i32 to index
      %swap3A_1292 = arith.constant 16 : index
      %swap3A_1293 = tpu.vector_load %arg5[%swap3A_1291, %swap3A_1292] {strides = array<i32>} : memref<5x128xi32, #tpu.memory_space<vmem>>, vector<1x16xi32>,
      %swap3A_1294 = vector.shape_cast %swap3A_1293 : vector<1x16xi32> to vector<16xi32>
      %swap3A_1295 = vector.shape_cast %select_n3A_1289 : vector<16xi32> to vector<1x16xi32>
      tpu.vector_store %arg5[%swap3A_1291, %swap3A_1292], %swap3A_1295 {strides = array<i32>} : memref<5x128xi32, #tpu.memory_space<vmem>>, vector<1x16xi32>,
      %get3A_1296 = arith.constant 2 : i32
      %get3A_1297 = arith.index_cast %get3A_1296 : i32 to index
      %get3A_1298 = arith.constant 32 : index
      %get3A_1299 = tpu.vector_load %arg5[%get3A_1297, %get3A_1298] {strides = array<i32>} : memref<5x128xi32, #tpu.memory_space<vmem>>, vector<1x16xi32>,
      %get3A_1300 = vector.shape_cast %get3A_1299 : vector<1x16xi32> to vector<16xi32>
      %lt3A_1301 = arith.constant 50000 : i32
      %lt3A_1302 = vector.broadcast %lt3A_1301 : i32 to vector<16xi32>
      %lt3A_1303 = arith.cmpi slt, %get3A_1300, %lt3A_1302 : vector<16xi32>
      %jit3A_1304 = arith.constant 50000 : i32
      %broadcast_in_dim3A_1305 = vector.broadcast %jit3A_1304 : i32 to vector<16xi32>
      %select_n3A_1306 = arith.select %lt3A_1303, %get3A_1300, %broadcast_in_dim3A_1305 : vector<16xi1>, vector<16xi32>
      %swap3A_1307 = arith.constant 2 : i32
      %swap3A_1308 = arith.index_cast %swap3A_1307 : i32 to index
      %swap3A_1309 = arith.constant 32 : index
      %swap3A_1310 = tpu.vector_load %arg5[%swap3A_1308, %swap3A_1309] {strides = array<i32>} : memref<5x128xi32, #tpu.memory_space<vmem>>, vector<1x16xi32>,
      %swap3A_1311 = vector.shape_cast %swap3A_1310 : vector<1x16xi32> to vector<16xi32>
      %swap3A_1312 = vector.shape_cast %select_n3A_1306 : vector<16xi32> to vector<1x16xi32>
      tpu.vector_store %arg5[%swap3A_1308, %swap3A_1309], %swap3A_1312 {strides = array<i32>} : memref<5x128xi32, #tpu.memory_space<vmem>>, vector<1x16xi32>,
      %get3A_1313 = arith.constant 2 : i32
      %get3A_1314 = arith.index_cast %get3A_1313 : i32 to index
      %get3A_1315 = arith.constant 48 : index
      %get3A_1316 = tpu.vector_load %arg5[%get3A_1314, %get3A_1315] {strides = array<i32>} : memref<5x128xi32, #tpu.memory_space<vmem>>, vector<1x16xi32>,
      %get3A_1317 = vector.shape_cast %get3A_1316 : vector<1x16xi32> to vector<16xi32>
      %lt3A_1318 = arith.constant 50000 : i32
      %lt3A_1319 = vector.broadcast %lt3A_1318 : i32 to vector<16xi32>
      %lt3A_1320 = arith.cmpi slt, %get3A_1317, %lt3A_1319 : vector<16xi32>
      %jit3A_1321 = arith.constant 50000 : i32
      %broadcast_in_dim3A_1322 = vector.broadcast %jit3A_1321 : i32 to vector<16xi32>
      %select_n3A_1323 = arith.select %lt3A_1320, %get3A_1317, %broadcast_in_dim3A_1322 : vector<16xi1>, vector<16xi32>
      %swap3A_1324 = arith.constant 2 : i32
      %swap3A_1325 = arith.index_cast %swap3A_1324 : i32 to index
      %swap3A_1326 = arith.constant 48 : index
      %swap3A_1327 = tpu.vector_load %arg5[%swap3A_1325, %swap3A_1326] {strides = array<i32>} : memref<5x128xi32, #tpu.memory_space<vmem>>, vector<1x16xi32>,
      %swap3A_1328 = vector.shape_cast %swap3A_1327 : vector<1x16xi32> to vector<16xi32>
      %swap3A_1329 = vector.shape_cast %select_n3A_1323 : vector<16xi32> to vector<1x16xi32>
      tpu.vector_store %arg5[%swap3A_1325, %swap3A_1326], %swap3A_1329 {strides = array<i32>} : memref<5x128xi32, #tpu.memory_space<vmem>>, vector<1x16xi32>,
      %get3A_1330 = arith.constant 2 : i32
      %get3A_1331 = arith.index_cast %get3A_1330 : i32 to index
      %get3A_1332 = arith.constant 64 : index
      %get3A_1333 = tpu.vector_load %arg5[%get3A_1331, %get3A_1332] {strides = array<i32>} : memref<5x128xi32, #tpu.memory_space<vmem>>, vector<1x16xi32>,
      %get3A_1334 = vector.shape_cast %get3A_1333 : vector<1x16xi32> to vector<16xi32>
      %lt3A_1335 = arith.constant 50000 : i32
      %lt3A_1336 = vector.broadcast %lt3A_1335 : i32 to vector<16xi32>
      %lt3A_1337 = arith.cmpi slt, %get3A_1334, %lt3A_1336 : vector<16xi32>
      %jit3A_1338 = arith.constant 50000 : i32
      %broadcast_in_dim3A_1339 = vector.broadcast %jit3A_1338 : i32 to vector<16xi32>
      %select_n3A_1340 = arith.select %lt3A_1337, %get3A_1334, %broadcast_in_dim3A_1339 : vector<16xi1>, vector<16xi32>
      %swap3A_1341 = arith.constant 2 : i32
      %swap3A_1342 = arith.index_cast %swap3A_1341 : i32 to index
      %swap3A_1343 = arith.constant 64 : index
      %swap3A_1344 = tpu.vector_load %arg5[%swap3A_1342, %swap3A_1343] {strides = array<i32>} : memref<5x128xi32, #tpu.memory_space<vmem>>, vector<1x16xi32>,
      %swap3A_1345 = vector.shape_cast %swap3A_1344 : vector<1x16xi32> to vector<16xi32>
      %swap3A_1346 = vector.shape_cast %select_n3A_1340 : vector<16xi32> to vector<1x16xi32>
      tpu.vector_store %arg5[%swap3A_1342, %swap3A_1343], %swap3A_1346 {strides = array<i32>} : memref<5x128xi32, #tpu.memory_space<vmem>>, vector<1x16xi32>,
      %get3A_1347 = arith.constant 2 : i32
      %get3A_1348 = arith.index_cast %get3A_1347 : i32 to index
      %get3A_1349 = arith.constant 80 : index
      %get3A_1350 = tpu.vector_load %arg5[%get3A_1348, %get3A_1349] {strides = array<i32>} : memref<5x128xi32, #tpu.memory_space<vmem>>, vector<1x16xi32>,
      %get3A_1351 = vector.shape_cast %get3A_1350 : vector<1x16xi32> to vector<16xi32>
      %lt3A_1352 = arith.constant 50000 : i32
      %lt3A_1353 = vector.broadcast %lt3A_1352 : i32 to vector<16xi32>
      %lt3A_1354 = arith.cmpi slt, %get3A_1351, %lt3A_1353 : vector<16xi32>
      %jit3A_1355 = arith.constant 50000 : i32
      %broadcast_in_dim3A_1356 = vector.broadcast %jit3A_1355 : i32 to vector<16xi32>
      %select_n3A_1357 = arith.select %lt3A_1354, %get3A_1351, %broadcast_in_dim3A_1356 : vector<16xi1>, vector<16xi32>
      %swap3A_1358 = arith.constant 2 : i32
      %swap3A_1359 = arith.index_cast %swap3A_1358 : i32 to index
      %swap3A_1360 = arith.constant 80 : index
      %swap3A_1361 = tpu.vector_load %arg5[%swap3A_1359, %swap3A_1360] {strides = array<i32>} : memref<5x128xi32, #tpu.memory_space<vmem>>, vector<1x16xi32>,
      %swap3A_1362 = vector.shape_cast %swap3A_1361 : vector<1x16xi32> to vector<16xi32>
      %swap3A_1363 = vector.shape_cast %select_n3A_1357 : vector<16xi32> to vector<1x16xi32>
      tpu.vector_store %arg5[%swap3A_1359, %swap3A_1360], %swap3A_1363 {strides = array<i32>} : memref<5x128xi32, #tpu.memory_space<vmem>>, vector<1x16xi32>,
      %get3A_1364 = arith.constant 2 : i32
      %get3A_1365 = arith.index_cast %get3A_1364 : i32 to index
      %get3A_1366 = arith.constant 96 : index
      %get3A_1367 = tpu.vector_load %arg5[%get3A_1365, %get3A_1366] {strides = array<i32>} : memref<5x128xi32, #tpu.memory_space<vmem>>, vector<1x16xi32>,
      %get3A_1368 = vector.shape_cast %get3A_1367 : vector<1x16xi32> to vector<16xi32>
      %lt3A_1369 = arith.constant 50000 : i32
      %lt3A_1370 = vector.broadcast %lt3A_1369 : i32 to vector<16xi32>
      %lt3A_1371 = arith.cmpi slt, %get3A_1368, %lt3A_1370 : vector<16xi32>
      %jit3A_1372 = arith.constant 50000 : i32
      %broadcast_in_dim3A_1373 = vector.broadcast %jit3A_1372 : i32 to vector<16xi32>
      %select_n3A_1374 = arith.select %lt3A_1371, %get3A_1368, %broadcast_in_dim3A_1373 : vector<16xi1>, vector<16xi32>
      %swap3A_1375 = arith.constant 2 : i32
      %swap3A_1376 = arith.index_cast %swap3A_1375 : i32 to index
      %swap3A_1377 = arith.constant 96 : index
      %swap3A_1378 = tpu.vector_load %arg5[%swap3A_1376, %swap3A_1377] {strides = array<i32>} : memref<5x128xi32, #tpu.memory_space<vmem>>, vector<1x16xi32>,
      %swap3A_1379 = vector.shape_cast %swap3A_1378 : vector<1x16xi32> to vector<16xi32>
      %swap3A_1380 = vector.shape_cast %select_n3A_1374 : vector<16xi32> to vector<1x16xi32>
      tpu.vector_store %arg5[%swap3A_1376, %swap3A_1377], %swap3A_1380 {strides = array<i32>} : memref<5x128xi32, #tpu.memory_space<vmem>>, vector<1x16xi32>,
      %get3A_1381 = arith.constant 2 : i32
      %get3A_1382 = arith.index_cast %get3A_1381 : i32 to index
      %get3A_1383 = arith.constant 112 : index
      %get3A_1384 = tpu.vector_load %arg5[%get3A_1382, %get3A_1383] {strides = array<i32>} : memref<5x128xi32, #tpu.memory_space<vmem>>, vector<1x16xi32>,
      %get3A_1385 = vector.shape_cast %get3A_1384 : vector<1x16xi32> to vector<16xi32>
      %lt3A_1386 = arith.constant 50000 : i32
      %lt3A_1387 = vector.broadcast %lt3A_1386 : i32 to vector<16xi32>
      %lt3A_1388 = arith.cmpi slt, %get3A_1385, %lt3A_1387 : vector<16xi32>
      %jit3A_1389 = arith.constant 50000 : i32
      %broadcast_in_dim3A_1390 = vector.broadcast %jit3A_1389 : i32 to vector<16xi32>
      %select_n3A_1391 = arith.select %lt3A_1388, %get3A_1385, %broadcast_in_dim3A_1390 : vector<16xi1>, vector<16xi32>
      %swap3A_1392 = arith.constant 2 : i32
      %swap3A_1393 = arith.index_cast %swap3A_1392 : i32 to index
      %swap3A_1394 = arith.constant 112 : index
      %swap3A_1395 = tpu.vector_load %arg5[%swap3A_1393, %swap3A_1394] {strides = array<i32>} : memref<5x128xi32, #tpu.memory_space<vmem>>, vector<1x16xi32>,
      %swap3A_1396 = vector.shape_cast %swap3A_1395 : vector<1x16xi32> to vector<16xi32>
      %swap3A_1397 = vector.shape_cast %select_n3A_1391 : vector<16xi32> to vector<1x16xi32>
      tpu.vector_store %arg5[%swap3A_1393, %swap3A_1394], %swap3A_1397 {strides = array<i32>} : memref<5x128xi32, #tpu.memory_space<vmem>>, vector<1x16xi32>,
      %dma_wait3A_1398 = arith.constant 2 : i32
      %dma_wait3A_1399 = arith.constant 0 : i32
      %dma_wait3A_1400 = arith.constant 0 : i32
      %dma_wait3A_1401 = tpu.memref_slice %arg6[%dma_wait3A_1398, %dma_wait3A_1399, %dma_wait3A_1400] : memref<5x128x128xf32, #tpu.memory_space<vmem>> -> memref<1x128x128xf32, #tpu.memory_space<vmem>>
      %dma_wait3A_1402 = tpu.memref_squeeze %dma_wait3A_1401 : memref<1x128x128xf32, #tpu.memory_space<vmem>> -> memref<128x128xf32, #tpu.memory_space<vmem>>
      %dma_wait3A_1403 = arith.constant 0 : i32
      %dma_wait3A_1404 = tpu.memref_slice %arg4[%mul3A_1244, %dma_wait3A_1403] : memref<819200x128xf32, #tpu.memory_space<hbm>> -> memref<128x128xf32, #tpu.memory_space<hbm>>
      %dma_wait3A_1405 = arith.constant 0 : i32
      %dma_wait3A_1406 = tpu.memref_slice %arg4[%mul3A_1244, %dma_wait3A_1405] : memref<819200x128xf32, #tpu.memory_space<hbm>> -> memref<128x128xf32, #tpu.memory_space<hbm>>
      %dma_wait3A_1407 = arith.constant 0 : i32
      %dma_wait3A_1408 = arith.constant 0 : i32
      %dma_wait3A_1409 = tpu.memref_slice %arg6[%dma_wait3A_1398, %dma_wait3A_1407, %dma_wait3A_1408] : memref<5x128x128xf32, #tpu.memory_space<vmem>> -> memref<1x128x128xf32, #tpu.memory_space<vmem>>
      %dma_wait3A_1410 = tpu.memref_squeeze %dma_wait3A_1409 : memref<1x128x128xf32, #tpu.memory_space<vmem>> -> memref<128x128xf32, #tpu.memory_space<vmem>>
      tpu.wait_dma2 semaphore(%arg14 : memref<!tpu.dma_semaphore, #tpu.memory_space<semaphore_mem>>) src(%dma_wait3A_1410 : memref<128x128xf32, #tpu.memory_space<vmem>>) dst(%dma_wait3A_1406 : memref<128x128xf32, #tpu.memory_space<hbm>>)
      %dma_start3A_1411 = arith.constant 2 : i32
      %dma_start3A_1412 = arith.constant 2 : i32
      %dma_start3A_1413 = arith.constant 0 : i32
      %dma_start3A_1414 = arith.constant 0 : i32
      %dma_start3A_1415 = tpu.memref_slice %arg6[%dma_start3A_1412, %dma_start3A_1413, %dma_start3A_1414] : memref<5x128x128xf32, #tpu.memory_space<vmem>> -> memref<1x128x128xf32, #tpu.memory_space<vmem>>
      %dma_start3A_1416 = tpu.memref_squeeze %dma_start3A_1415 : memref<1x128x128xf32, #tpu.memory_space<vmem>> -> memref<128x128xf32, #tpu.memory_space<vmem>>
      %dma_start3A_1417 = arith.constant 0 : i32
      %dma_start3A_1418 = tpu.memref_slice %arg5[%dma_start3A_1411, %dma_start3A_1417] : memref<5x128xi32, #tpu.memory_space<vmem>> -> memref<1x128xi32, #tpu.memory_space<vmem>>
      %dma_start3A_1419 = tpu.memref_squeeze %dma_start3A_1418 : memref<1x128xi32, #tpu.memory_space<vmem>> -> memref<128xi32, #tpu.memory_space<vmem>>
      %dma_start3A_1420 = arith.constant 0 : i32
      %dma_start3A_1421 = arith.constant 0 : i32
      %dma_start3A_1422 = tpu.memref_slice %arg3[%dma_start3A_1420, %dma_start3A_1421] : memref<50008x128xf32, #tpu.memory_space<hbm>> -> memref<50008x128xf32, #tpu.memory_space<hbm>>
      tpu.enqueue_indirect_dma source(%dma_start3A_1422 : memref<50008x128xf32, #tpu.memory_space<hbm>>) target(%dma_start3A_1416 : memref<128x128xf32, #tpu.memory_space<vmem>>) offsets(%dma_start3A_1419 : memref<128xi32, #tpu.memory_space<vmem>>) semaphore(%arg9 : memref<!tpu.dma_semaphore, #tpu.memory_space<semaphore_mem>>)
      %dma_wait3A_1423 = arith.constant 3 : i32
      %dma_wait3A_1424 = arith.constant 3 : i32
      %dma_wait3A_1425 = arith.constant 0 : i32
      %dma_wait3A_1426 = arith.constant 0 : i32
      %dma_wait3A_1427 = tpu.memref_slice %arg6[%dma_wait3A_1424, %dma_wait3A_1425, %dma_wait3A_1426] : memref<5x128x128xf32, #tpu.memory_space<vmem>> -> memref<1x128x128xf32, #tpu.memory_space<vmem>>
      %dma_wait3A_1428 = tpu.memref_squeeze %dma_wait3A_1427 : memref<1x128x128xf32, #tpu.memory_space<vmem>> -> memref<128x128xf32, #tpu.memory_space<vmem>>
      %dma_wait3A_1429 = arith.constant 0 : i32
      %dma_wait3A_1430 = tpu.memref_slice %arg5[%dma_wait3A_1423, %dma_wait3A_1429] : memref<5x128xi32, #tpu.memory_space<vmem>> -> memref<1x128xi32, #tpu.memory_space<vmem>>
      %dma_wait3A_1431 = tpu.memref_squeeze %dma_wait3A_1430 : memref<1x128xi32, #tpu.memory_space<vmem>> -> memref<128xi32, #tpu.memory_space<vmem>>
      %dma_wait3A_1432 = arith.constant 0 : i32
      %dma_wait3A_1433 = arith.constant 0 : i32
      %dma_wait3A_1434 = tpu.memref_slice %arg3[%dma_wait3A_1432, %dma_wait3A_1433] : memref<50008x128xf32, #tpu.memory_space<hbm>> -> memref<50008x128xf32, #tpu.memory_space<hbm>>
      tpu.wait_indirect_dma semaphore(%arg10 : memref<!tpu.dma_semaphore, #tpu.memory_space<semaphore_mem>>) src(%dma_wait3A_1434 : memref<50008x128xf32, #tpu.memory_space<hbm>>) dst(%dma_wait3A_1428 : memref<128x128xf32, #tpu.memory_space<vmem>>)
      %add3A_1435 = arith.constant 3 : i32
      %add3A_1436 = arith.addi %add3A_840, %add3A_1435 : i32
      %mul3A_1437 = arith.constant 128 : i32
      %mul3A_1438 = arith.muli %add3A_1436, %mul3A_1437 : i32
      %dma_start3A_1439 = arith.constant 3 : i32
      %dma_start3A_1440 = arith.constant 0 : i32
      %dma_start3A_1441 = arith.constant 0 : i32
      %dma_start3A_1442 = tpu.memref_slice %arg6[%dma_start3A_1439, %dma_start3A_1440, %dma_start3A_1441] : memref<5x128x128xf32, #tpu.memory_space<vmem>> -> memref<1x128x128xf32, #tpu.memory_space<vmem>>
      %dma_start3A_1443 = tpu.memref_squeeze %dma_start3A_1442 : memref<1x128x128xf32, #tpu.memory_space<vmem>> -> memref<128x128xf32, #tpu.memory_space<vmem>>
      %dma_start3A_1444 = arith.constant 0 : i32
      %dma_start3A_1445 = tpu.memref_slice %arg4[%mul3A_1438, %dma_start3A_1444] : memref<819200x128xf32, #tpu.memory_space<hbm>> -> memref<128x128xf32, #tpu.memory_space<hbm>>
      %dma_start3A_1446 = arith.constant 0 : i32
      %dma_start3A_1447 = tpu.memref_slice %arg4[%mul3A_1438, %dma_start3A_1446] : memref<819200x128xf32, #tpu.memory_space<hbm>> -> memref<128x128xf32, #tpu.memory_space<hbm>>
      %dma_start3A_1448 = arith.constant 0 : i32
      %dma_start3A_1449 = arith.constant 0 : i32
      %dma_start3A_1450 = tpu.memref_slice %arg6[%dma_start3A_1439, %dma_start3A_1448, %dma_start3A_1449] : memref<5x128x128xf32, #tpu.memory_space<vmem>> -> memref<1x128x128xf32, #tpu.memory_space<vmem>>
      %dma_start3A_1451 = tpu.memref_squeeze %dma_start3A_1450 : memref<1x128x128xf32, #tpu.memory_space<vmem>> -> memref<128x128xf32, #tpu.memory_space<vmem>>
      tpu.enqueue_dma source(%dma_start3A_1451 : memref<128x128xf32, #tpu.memory_space<vmem>>) target(%dma_start3A_1447 : memref<128x128xf32, #tpu.memory_space<hbm>>) target_semaphore(%arg15 : memref<!tpu.dma_semaphore, #tpu.memory_space<semaphore_mem>>)
      %add3A_1452 = arith.constant 5 : i32
      %add3A_1453 = arith.addi %add3A_840, %add3A_1452 : i32
      %add3A_1454 = arith.constant 3 : i32
      %add3A_1455 = arith.addi %add3A_1453, %add3A_1454 : i32
      "tpu.region"() ({
        %run_scoped3A_1811 = tpu.sem_alloc : memref<!tpu.dma_semaphore, #tpu.memory_space<semaphore_mem>>
        %dma_start3A_1812 = arith.constant 3 : i32
        %dma_start3A_1813 = arith.constant 0 : i32
        %dma_start3A_1814 = tpu.memref_slice %arg5[%dma_start3A_1812, %dma_start3A_1813] : memref<5x128xi32, #tpu.memory_space<vmem>> -> memref<1x128xi32, #tpu.memory_space<vmem>>
        %dma_start3A_1815 = arith.constant 0 : i32
        %dma_start3A_1816 = tpu.memref_slice %arg2[%add3A_1455, %dma_start3A_1815] : memref<6400x128xi32, #tpu.memory_space<hbm>> -> memref<1x128xi32, #tpu.memory_space<hbm>>
        %dma_start3A_1817 = arith.constant 3 : i32
        %dma_start3A_1818 = arith.constant 0 : i32
        %dma_start3A_1819 = tpu.memref_slice %arg5[%dma_start3A_1817, %dma_start3A_1818] : memref<5x128xi32, #tpu.memory_space<vmem>> -> memref<1x128xi32, #tpu.memory_space<vmem>>
        %dma_start3A_1820 = arith.constant 0 : i32
        %dma_start3A_1821 = tpu.memref_slice %arg2[%add3A_1455, %dma_start3A_1820] : memref<6400x128xi32, #tpu.memory_space<hbm>> -> memref<1x128xi32, #tpu.memory_space<hbm>>
        tpu.enqueue_dma source(%dma_start3A_1821 : memref<1x128xi32, #tpu.memory_space<hbm>>) target(%dma_start3A_1819 : memref<1x128xi32, #tpu.memory_space<vmem>>) target_semaphore(%run_scoped3A_1811 : memref<!tpu.dma_semaphore, #tpu.memory_space<semaphore_mem>>)
        %dma_wait3A_1822 = arith.constant 3 : i32
        %dma_wait3A_1823 = arith.constant 0 : i32
        %dma_wait3A_1824 = tpu.memref_slice %arg5[%dma_wait3A_1822, %dma_wait3A_1823] : memref<5x128xi32, #tpu.memory_space<vmem>> -> memref<1x128xi32, #tpu.memory_space<vmem>>
        %dma_wait3A_1825 = arith.constant 0 : i32
        %dma_wait3A_1826 = tpu.memref_slice %arg2[%add3A_1455, %dma_wait3A_1825] : memref<6400x128xi32, #tpu.memory_space<hbm>> -> memref<1x128xi32, #tpu.memory_space<hbm>>
        %dma_wait3A_1827 = arith.constant 3 : i32
        %dma_wait3A_1828 = arith.constant 0 : i32
        %dma_wait3A_1829 = tpu.memref_slice %arg5[%dma_wait3A_1827, %dma_wait3A_1828] : memref<5x128xi32, #tpu.memory_space<vmem>> -> memref<1x128xi32, #tpu.memory_space<vmem>>
        %dma_wait3A_1830 = arith.constant 0 : i32
        %dma_wait3A_1831 = tpu.memref_slice %arg2[%add3A_1455, %dma_wait3A_1830] : memref<6400x128xi32, #tpu.memory_space<hbm>> -> memref<1x128xi32, #tpu.memory_space<hbm>>
        tpu.wait_dma2 semaphore(%run_scoped3A_1811 : memref<!tpu.dma_semaphore, #tpu.memory_space<semaphore_mem>>) src(%dma_wait3A_1831 : memref<1x128xi32, #tpu.memory_space<hbm>>) dst(%dma_wait3A_1829 : memref<1x128xi32, #tpu.memory_space<vmem>>)
        tpu.yield
      }) : () -> ()
      %get3A_1456 = arith.constant 3 : i32
      %get3A_1457 = arith.index_cast %get3A_1456 : i32 to index
      %get3A_1458 = arith.constant 0 : index
      %get3A_1459 = tpu.vector_load %arg5[%get3A_1457, %get3A_1458] {strides = array<i32>} : memref<5x128xi32, #tpu.memory_space<vmem>>, vector<1x16xi32>,
      %get3A_1460 = vector.shape_cast %get3A_1459 : vector<1x16xi32> to vector<16xi32>
      %lt3A_1461 = arith.constant 50000 : i32
      %lt3A_1462 = vector.broadcast %lt3A_1461 : i32 to vector<16xi32>
      %lt3A_1463 = arith.cmpi slt, %get3A_1460, %lt3A_1462 : vector<16xi32>
      %jit3A_1464 = arith.constant 50000 : i32
      %broadcast_in_dim3A_1465 = vector.broadcast %jit3A_1464 : i32 to vector<16xi32>
      %select_n3A_1466 = arith.select %lt3A_1463, %get3A_1460, %broadcast_in_dim3A_1465 : vector<16xi1>, vector<16xi32>
      %swap3A_1467 = arith.constant 3 : i32
      %swap3A_1468 = arith.index_cast %swap3A_1467 : i32 to index
      %swap3A_1469 = arith.constant 0 : index
      %swap3A_1470 = tpu.vector_load %arg5[%swap3A_1468, %swap3A_1469] {strides = array<i32>} : memref<5x128xi32, #tpu.memory_space<vmem>>, vector<1x16xi32>,
      %swap3A_1471 = vector.shape_cast %swap3A_1470 : vector<1x16xi32> to vector<16xi32>
      %swap3A_1472 = vector.shape_cast %select_n3A_1466 : vector<16xi32> to vector<1x16xi32>
      tpu.vector_store %arg5[%swap3A_1468, %swap3A_1469], %swap3A_1472 {strides = array<i32>} : memref<5x128xi32, #tpu.memory_space<vmem>>, vector<1x16xi32>,
      %get3A_1473 = arith.constant 3 : i32
      %get3A_1474 = arith.index_cast %get3A_1473 : i32 to index
      %get3A_1475 = arith.constant 16 : index
      %get3A_1476 = tpu.vector_load %arg5[%get3A_1474, %get3A_1475] {strides = array<i32>} : memref<5x128xi32, #tpu.memory_space<vmem>>, vector<1x16xi32>,
      %get3A_1477 = vector.shape_cast %get3A_1476 : vector<1x16xi32> to vector<16xi32>
      %lt3A_1478 = arith.constant 50000 : i32
      %lt3A_1479 = vector.broadcast %lt3A_1478 : i32 to vector<16xi32>
      %lt3A_1480 = arith.cmpi slt, %get3A_1477, %lt3A_1479 : vector<16xi32>
      %jit3A_1481 = arith.constant 50000 : i32
      %broadcast_in_dim3A_1482 = vector.broadcast %jit3A_1481 : i32 to vector<16xi32>
      %select_n3A_1483 = arith.select %lt3A_1480, %get3A_1477, %broadcast_in_dim3A_1482 : vector<16xi1>, vector<16xi32>
      %swap3A_1484 = arith.constant 3 : i32
      %swap3A_1485 = arith.index_cast %swap3A_1484 : i32 to index
      %swap3A_1486 = arith.constant 16 : index
      %swap3A_1487 = tpu.vector_load %arg5[%swap3A_1485, %swap3A_1486] {strides = array<i32>} : memref<5x128xi32, #tpu.memory_space<vmem>>, vector<1x16xi32>,
      %swap3A_1488 = vector.shape_cast %swap3A_1487 : vector<1x16xi32> to vector<16xi32>
      %swap3A_1489 = vector.shape_cast %select_n3A_1483 : vector<16xi32> to vector<1x16xi32>
      tpu.vector_store %arg5[%swap3A_1485, %swap3A_1486], %swap3A_1489 {strides = array<i32>} : memref<5x128xi32, #tpu.memory_space<vmem>>, vector<1x16xi32>,
      %get3A_1490 = arith.constant 3 : i32
      %get3A_1491 = arith.index_cast %get3A_1490 : i32 to index
      %get3A_1492 = arith.constant 32 : index
      %get3A_1493 = tpu.vector_load %arg5[%get3A_1491, %get3A_1492] {strides = array<i32>} : memref<5x128xi32, #tpu.memory_space<vmem>>, vector<1x16xi32>,
      %get3A_1494 = vector.shape_cast %get3A_1493 : vector<1x16xi32> to vector<16xi32>
      %lt3A_1495 = arith.constant 50000 : i32
      %lt3A_1496 = vector.broadcast %lt3A_1495 : i32 to vector<16xi32>
      %lt3A_1497 = arith.cmpi slt, %get3A_1494, %lt3A_1496 : vector<16xi32>
      %jit3A_1498 = arith.constant 50000 : i32
      %broadcast_in_dim3A_1499 = vector.broadcast %jit3A_1498 : i32 to vector<16xi32>
      %select_n3A_1500 = arith.select %lt3A_1497, %get3A_1494, %broadcast_in_dim3A_1499 : vector<16xi1>, vector<16xi32>
      %swap3A_1501 = arith.constant 3 : i32
      %swap3A_1502 = arith.index_cast %swap3A_1501 : i32 to index
      %swap3A_1503 = arith.constant 32 : index
      %swap3A_1504 = tpu.vector_load %arg5[%swap3A_1502, %swap3A_1503] {strides = array<i32>} : memref<5x128xi32, #tpu.memory_space<vmem>>, vector<1x16xi32>,
      %swap3A_1505 = vector.shape_cast %swap3A_1504 : vector<1x16xi32> to vector<16xi32>
      %swap3A_1506 = vector.shape_cast %select_n3A_1500 : vector<16xi32> to vector<1x16xi32>
      tpu.vector_store %arg5[%swap3A_1502, %swap3A_1503], %swap3A_1506 {strides = array<i32>} : memref<5x128xi32, #tpu.memory_space<vmem>>, vector<1x16xi32>,
      %get3A_1507 = arith.constant 3 : i32
      %get3A_1508 = arith.index_cast %get3A_1507 : i32 to index
      %get3A_1509 = arith.constant 48 : index
      %get3A_1510 = tpu.vector_load %arg5[%get3A_1508, %get3A_1509] {strides = array<i32>} : memref<5x128xi32, #tpu.memory_space<vmem>>, vector<1x16xi32>,
      %get3A_1511 = vector.shape_cast %get3A_1510 : vector<1x16xi32> to vector<16xi32>
      %lt3A_1512 = arith.constant 50000 : i32
      %lt3A_1513 = vector.broadcast %lt3A_1512 : i32 to vector<16xi32>
      %lt3A_1514 = arith.cmpi slt, %get3A_1511, %lt3A_1513 : vector<16xi32>
      %jit3A_1515 = arith.constant 50000 : i32
      %broadcast_in_dim3A_1516 = vector.broadcast %jit3A_1515 : i32 to vector<16xi32>
      %select_n3A_1517 = arith.select %lt3A_1514, %get3A_1511, %broadcast_in_dim3A_1516 : vector<16xi1>, vector<16xi32>
      %swap3A_1518 = arith.constant 3 : i32
      %swap3A_1519 = arith.index_cast %swap3A_1518 : i32 to index
      %swap3A_1520 = arith.constant 48 : index
      %swap3A_1521 = tpu.vector_load %arg5[%swap3A_1519, %swap3A_1520] {strides = array<i32>} : memref<5x128xi32, #tpu.memory_space<vmem>>, vector<1x16xi32>,
      %swap3A_1522 = vector.shape_cast %swap3A_1521 : vector<1x16xi32> to vector<16xi32>
      %swap3A_1523 = vector.shape_cast %select_n3A_1517 : vector<16xi32> to vector<1x16xi32>
      tpu.vector_store %arg5[%swap3A_1519, %swap3A_1520], %swap3A_1523 {strides = array<i32>} : memref<5x128xi32, #tpu.memory_space<vmem>>, vector<1x16xi32>,
      %get3A_1524 = arith.constant 3 : i32
      %get3A_1525 = arith.index_cast %get3A_1524 : i32 to index
      %get3A_1526 = arith.constant 64 : index
      %get3A_1527 = tpu.vector_load %arg5[%get3A_1525, %get3A_1526] {strides = array<i32>} : memref<5x128xi32, #tpu.memory_space<vmem>>, vector<1x16xi32>,
      %get3A_1528 = vector.shape_cast %get3A_1527 : vector<1x16xi32> to vector<16xi32>
      %lt3A_1529 = arith.constant 50000 : i32
      %lt3A_1530 = vector.broadcast %lt3A_1529 : i32 to vector<16xi32>
      %lt3A_1531 = arith.cmpi slt, %get3A_1528, %lt3A_1530 : vector<16xi32>
      %jit3A_1532 = arith.constant 50000 : i32
      %broadcast_in_dim3A_1533 = vector.broadcast %jit3A_1532 : i32 to vector<16xi32>
      %select_n3A_1534 = arith.select %lt3A_1531, %get3A_1528, %broadcast_in_dim3A_1533 : vector<16xi1>, vector<16xi32>
      %swap3A_1535 = arith.constant 3 : i32
      %swap3A_1536 = arith.index_cast %swap3A_1535 : i32 to index
      %swap3A_1537 = arith.constant 64 : index
      %swap3A_1538 = tpu.vector_load %arg5[%swap3A_1536, %swap3A_1537] {strides = array<i32>} : memref<5x128xi32, #tpu.memory_space<vmem>>, vector<1x16xi32>,
      %swap3A_1539 = vector.shape_cast %swap3A_1538 : vector<1x16xi32> to vector<16xi32>
      %swap3A_1540 = vector.shape_cast %select_n3A_1534 : vector<16xi32> to vector<1x16xi32>
      tpu.vector_store %arg5[%swap3A_1536, %swap3A_1537], %swap3A_1540 {strides = array<i32>} : memref<5x128xi32, #tpu.memory_space<vmem>>, vector<1x16xi32>,
      %get3A_1541 = arith.constant 3 : i32
      %get3A_1542 = arith.index_cast %get3A_1541 : i32 to index
      %get3A_1543 = arith.constant 80 : index
      %get3A_1544 = tpu.vector_load %arg5[%get3A_1542, %get3A_1543] {strides = array<i32>} : memref<5x128xi32, #tpu.memory_space<vmem>>, vector<1x16xi32>,
      %get3A_1545 = vector.shape_cast %get3A_1544 : vector<1x16xi32> to vector<16xi32>
      %lt3A_1546 = arith.constant 50000 : i32
      %lt3A_1547 = vector.broadcast %lt3A_1546 : i32 to vector<16xi32>
      %lt3A_1548 = arith.cmpi slt, %get3A_1545, %lt3A_1547 : vector<16xi32>
      %jit3A_1549 = arith.constant 50000 : i32
      %broadcast_in_dim3A_1550 = vector.broadcast %jit3A_1549 : i32 to vector<16xi32>
      %select_n3A_1551 = arith.select %lt3A_1548, %get3A_1545, %broadcast_in_dim3A_1550 : vector<16xi1>, vector<16xi32>
      %swap3A_1552 = arith.constant 3 : i32
      %swap3A_1553 = arith.index_cast %swap3A_1552 : i32 to index
      %swap3A_1554 = arith.constant 80 : index
      %swap3A_1555 = tpu.vector_load %arg5[%swap3A_1553, %swap3A_1554] {strides = array<i32>} : memref<5x128xi32, #tpu.memory_space<vmem>>, vector<1x16xi32>,
      %swap3A_1556 = vector.shape_cast %swap3A_1555 : vector<1x16xi32> to vector<16xi32>
      %swap3A_1557 = vector.shape_cast %select_n3A_1551 : vector<16xi32> to vector<1x16xi32>
      tpu.vector_store %arg5[%swap3A_1553, %swap3A_1554], %swap3A_1557 {strides = array<i32>} : memref<5x128xi32, #tpu.memory_space<vmem>>, vector<1x16xi32>,
      %get3A_1558 = arith.constant 3 : i32
      %get3A_1559 = arith.index_cast %get3A_1558 : i32 to index
      %get3A_1560 = arith.constant 96 : index
      %get3A_1561 = tpu.vector_load %arg5[%get3A_1559, %get3A_1560] {strides = array<i32>} : memref<5x128xi32, #tpu.memory_space<vmem>>, vector<1x16xi32>,
      %get3A_1562 = vector.shape_cast %get3A_1561 : vector<1x16xi32> to vector<16xi32>
      %lt3A_1563 = arith.constant 50000 : i32
      %lt3A_1564 = vector.broadcast %lt3A_1563 : i32 to vector<16xi32>
      %lt3A_1565 = arith.cmpi slt, %get3A_1562, %lt3A_1564 : vector<16xi32>
      %jit3A_1566 = arith.constant 50000 : i32
      %broadcast_in_dim3A_1567 = vector.broadcast %jit3A_1566 : i32 to vector<16xi32>
      %select_n3A_1568 = arith.select %lt3A_1565, %get3A_1562, %broadcast_in_dim3A_1567 : vector<16xi1>, vector<16xi32>
      %swap3A_1569 = arith.constant 3 : i32
      %swap3A_1570 = arith.index_cast %swap3A_1569 : i32 to index
      %swap3A_1571 = arith.constant 96 : index
      %swap3A_1572 = tpu.vector_load %arg5[%swap3A_1570, %swap3A_1571] {strides = array<i32>} : memref<5x128xi32, #tpu.memory_space<vmem>>, vector<1x16xi32>,
      %swap3A_1573 = vector.shape_cast %swap3A_1572 : vector<1x16xi32> to vector<16xi32>
      %swap3A_1574 = vector.shape_cast %select_n3A_1568 : vector<16xi32> to vector<1x16xi32>
      tpu.vector_store %arg5[%swap3A_1570, %swap3A_1571], %swap3A_1574 {strides = array<i32>} : memref<5x128xi32, #tpu.memory_space<vmem>>, vector<1x16xi32>,
      %get3A_1575 = arith.constant 3 : i32
      %get3A_1576 = arith.index_cast %get3A_1575 : i32 to index
      %get3A_1577 = arith.constant 112 : index
      %get3A_1578 = tpu.vector_load %arg5[%get3A_1576, %get3A_1577] {strides = array<i32>} : memref<5x128xi32, #tpu.memory_space<vmem>>, vector<1x16xi32>,
      %get3A_1579 = vector.shape_cast %get3A_1578 : vector<1x16xi32> to vector<16xi32>
      %lt3A_1580 = arith.constant 50000 : i32
      %lt3A_1581 = vector.broadcast %lt3A_1580 : i32 to vector<16xi32>
      %lt3A_1582 = arith.cmpi slt, %get3A_1579, %lt3A_1581 : vector<16xi32>
      %jit3A_1583 = arith.constant 50000 : i32
      %broadcast_in_dim3A_1584 = vector.broadcast %jit3A_1583 : i32 to vector<16xi32>
      %select_n3A_1585 = arith.select %lt3A_1582, %get3A_1579, %broadcast_in_dim3A_1584 : vector<16xi1>, vector<16xi32>
      %swap3A_1586 = arith.constant 3 : i32
      %swap3A_1587 = arith.index_cast %swap3A_1586 : i32 to index
      %swap3A_1588 = arith.constant 112 : index
      %swap3A_1589 = tpu.vector_load %arg5[%swap3A_1587, %swap3A_1588] {strides = array<i32>} : memref<5x128xi32, #tpu.memory_space<vmem>>, vector<1x16xi32>,
      %swap3A_1590 = vector.shape_cast %swap3A_1589 : vector<1x16xi32> to vector<16xi32>
      %swap3A_1591 = vector.shape_cast %select_n3A_1585 : vector<16xi32> to vector<1x16xi32>
      tpu.vector_store %arg5[%swap3A_1587, %swap3A_1588], %swap3A_1591 {strides = array<i32>} : memref<5x128xi32, #tpu.memory_space<vmem>>, vector<1x16xi32>,
      %dma_wait3A_1592 = arith.constant 3 : i32
      %dma_wait3A_1593 = arith.constant 0 : i32
      %dma_wait3A_1594 = arith.constant 0 : i32
      %dma_wait3A_1595 = tpu.memref_slice %arg6[%dma_wait3A_1592, %dma_wait3A_1593, %dma_wait3A_1594] : memref<5x128x128xf32, #tpu.memory_space<vmem>> -> memref<1x128x128xf32, #tpu.memory_space<vmem>>
      %dma_wait3A_1596 = tpu.memref_squeeze %dma_wait3A_1595 : memref<1x128x128xf32, #tpu.memory_space<vmem>> -> memref<128x128xf32, #tpu.memory_space<vmem>>
      %dma_wait3A_1597 = arith.constant 0 : i32
      %dma_wait3A_1598 = tpu.memref_slice %arg4[%mul3A_1438, %dma_wait3A_1597] : memref<819200x128xf32, #tpu.memory_space<hbm>> -> memref<128x128xf32, #tpu.memory_space<hbm>>
      %dma_wait3A_1599 = arith.constant 0 : i32
      %dma_wait3A_1600 = tpu.memref_slice %arg4[%mul3A_1438, %dma_wait3A_1599] : memref<819200x128xf32, #tpu.memory_space<hbm>> -> memref<128x128xf32, #tpu.memory_space<hbm>>
      %dma_wait3A_1601 = arith.constant 0 : i32
      %dma_wait3A_1602 = arith.constant 0 : i32
      %dma_wait3A_1603 = tpu.memref_slice %arg6[%dma_wait3A_1592, %dma_wait3A_1601, %dma_wait3A_1602] : memref<5x128x128xf32, #tpu.memory_space<vmem>> -> memref<1x128x128xf32, #tpu.memory_space<vmem>>
      %dma_wait3A_1604 = tpu.memref_squeeze %dma_wait3A_1603 : memref<1x128x128xf32, #tpu.memory_space<vmem>> -> memref<128x128xf32, #tpu.memory_space<vmem>>
      tpu.wait_dma2 semaphore(%arg15 : memref<!tpu.dma_semaphore, #tpu.memory_space<semaphore_mem>>) src(%dma_wait3A_1604 : memref<128x128xf32, #tpu.memory_space<vmem>>) dst(%dma_wait3A_1600 : memref<128x128xf32, #tpu.memory_space<hbm>>)
      %dma_start3A_1605 = arith.constant 3 : i32
      %dma_start3A_1606 = arith.constant 3 : i32
      %dma_start3A_1607 = arith.constant 0 : i32
      %dma_start3A_1608 = arith.constant 0 : i32
      %dma_start3A_1609 = tpu.memref_slice %arg6[%dma_start3A_1606, %dma_start3A_1607, %dma_start3A_1608] : memref<5x128x128xf32, #tpu.memory_space<vmem>> -> memref<1x128x128xf32, #tpu.memory_space<vmem>>
      %dma_start3A_1610 = tpu.memref_squeeze %dma_start3A_1609 : memref<1x128x128xf32, #tpu.memory_space<vmem>> -> memref<128x128xf32, #tpu.memory_space<vmem>>
      %dma_start3A_1611 = arith.constant 0 : i32
      %dma_start3A_1612 = tpu.memref_slice %arg5[%dma_start3A_1605, %dma_start3A_1611] : memref<5x128xi32, #tpu.memory_space<vmem>> -> memref<1x128xi32, #tpu.memory_space<vmem>>
      %dma_start3A_1613 = tpu.memref_squeeze %dma_start3A_1612 : memref<1x128xi32, #tpu.memory_space<vmem>> -> memref<128xi32, #tpu.memory_space<vmem>>
      %dma_start3A_1614 = arith.constant 0 : i32
      %dma_start3A_1615 = arith.constant 0 : i32
      %dma_start3A_1616 = tpu.memref_slice %arg3[%dma_start3A_1614, %dma_start3A_1615] : memref<50008x128xf32, #tpu.memory_space<hbm>> -> memref<50008x128xf32, #tpu.memory_space<hbm>>
      tpu.enqueue_indirect_dma source(%dma_start3A_1616 : memref<50008x128xf32, #tpu.memory_space<hbm>>) target(%dma_start3A_1610 : memref<128x128xf32, #tpu.memory_space<vmem>>) offsets(%dma_start3A_1613 : memref<128xi32, #tpu.memory_space<vmem>>) semaphore(%arg10 : memref<!tpu.dma_semaphore, #tpu.memory_space<semaphore_mem>>)
      %dma_wait3A_1617 = arith.constant 4 : i32
      %dma_wait3A_1618 = arith.constant 4 : i32
      %dma_wait3A_1619 = arith.constant 0 : i32
      %dma_wait3A_1620 = arith.constant 0 : i32
      %dma_wait3A_1621 = tpu.memref_slice %arg6[%dma_wait3A_1618, %dma_wait3A_1619, %dma_wait3A_1620] : memref<5x128x128xf32, #tpu.memory_space<vmem>> -> memref<1x128x128xf32, #tpu.memory_space<vmem>>
      %dma_wait3A_1622 = tpu.memref_squeeze %dma_wait3A_1621 : memref<1x128x128xf32, #tpu.memory_space<vmem>> -> memref<128x128xf32, #tpu.memory_space<vmem>>
      %dma_wait3A_1623 = arith.constant 0 : i32
      %dma_wait3A_1624 = tpu.memref_slice %arg5[%dma_wait3A_1617, %dma_wait3A_1623] : memref<5x128xi32, #tpu.memory_space<vmem>> -> memref<1x128xi32, #tpu.memory_space<vmem>>
      %dma_wait3A_1625 = tpu.memref_squeeze %dma_wait3A_1624 : memref<1x128xi32, #tpu.memory_space<vmem>> -> memref<128xi32, #tpu.memory_space<vmem>>
      %dma_wait3A_1626 = arith.constant 0 : i32
      %dma_wait3A_1627 = arith.constant 0 : i32
      %dma_wait3A_1628 = tpu.memref_slice %arg3[%dma_wait3A_1626, %dma_wait3A_1627] : memref<50008x128xf32, #tpu.memory_space<hbm>> -> memref<50008x128xf32, #tpu.memory_space<hbm>>
      tpu.wait_indirect_dma semaphore(%arg11 : memref<!tpu.dma_semaphore, #tpu.memory_space<semaphore_mem>>) src(%dma_wait3A_1628 : memref<50008x128xf32, #tpu.memory_space<hbm>>) dst(%dma_wait3A_1622 : memref<128x128xf32, #tpu.memory_space<vmem>>)
      %add3A_1629 = arith.constant 4 : i32
      %add3A_1630 = arith.addi %add3A_840, %add3A_1629 : i32
      %mul3A_1631 = arith.constant 128 : i32
      %mul3A_1632 = arith.muli %add3A_1630, %mul3A_1631 : i32
      %dma_start3A_1633 = arith.constant 4 : i32
      %dma_start3A_1634 = arith.constant 0 : i32
      %dma_start3A_1635 = arith.constant 0 : i32
      %dma_start3A_1636 = tpu.memref_slice %arg6[%dma_start3A_1633, %dma_start3A_1634, %dma_start3A_1635] : memref<5x128x128xf32, #tpu.memory_space<vmem>> -> memref<1x128x128xf32, #tpu.memory_space<vmem>>
      %dma_start3A_1637 = tpu.memref_squeeze %dma_start3A_1636 : memref<1x128x128xf32, #tpu.memory_space<vmem>> -> memref<128x128xf32, #tpu.memory_space<vmem>>
      %dma_start3A_1638 = arith.constant 0 : i32
      %dma_start3A_1639 = tpu.memref_slice %arg4[%mul3A_1632, %dma_start3A_1638] : memref<819200x128xf32, #tpu.memory_space<hbm>> -> memref<128x128xf32, #tpu.memory_space<hbm>>
      %dma_start3A_1640 = arith.constant 0 : i32
      %dma_start3A_1641 = tpu.memref_slice %arg4[%mul3A_1632, %dma_start3A_1640] : memref<819200x128xf32, #tpu.memory_space<hbm>> -> memref<128x128xf32, #tpu.memory_space<hbm>>
      %dma_start3A_1642 = arith.constant 0 : i32
      %dma_start3A_1643 = arith.constant 0 : i32
      %dma_start3A_1644 = tpu.memref_slice %arg6[%dma_start3A_1633, %dma_start3A_1642, %dma_start3A_1643] : memref<5x128x128xf32, #tpu.memory_space<vmem>> -> memref<1x128x128xf32, #tpu.memory_space<vmem>>
      %dma_start3A_1645 = tpu.memref_squeeze %dma_start3A_1644 : memref<1x128x128xf32, #tpu.memory_space<vmem>> -> memref<128x128xf32, #tpu.memory_space<vmem>>
      tpu.enqueue_dma source(%dma_start3A_1645 : memref<128x128xf32, #tpu.memory_space<vmem>>) target(%dma_start3A_1641 : memref<128x128xf32, #tpu.memory_space<hbm>>) target_semaphore(%arg16 : memref<!tpu.dma_semaphore, #tpu.memory_space<semaphore_mem>>)
      %add3A_1646 = arith.constant 5 : i32
      %add3A_1647 = arith.addi %add3A_840, %add3A_1646 : i32
      %add3A_1648 = arith.constant 4 : i32
      %add3A_1649 = arith.addi %add3A_1647, %add3A_1648 : i32
      "tpu.region"() ({
        %run_scoped3A_1811 = tpu.sem_alloc : memref<!tpu.dma_semaphore, #tpu.memory_space<semaphore_mem>>
        %dma_start3A_1812 = arith.constant 4 : i32
        %dma_start3A_1813 = arith.constant 0 : i32
        %dma_start3A_1814 = tpu.memref_slice %arg5[%dma_start3A_1812, %dma_start3A_1813] : memref<5x128xi32, #tpu.memory_space<vmem>> -> memref<1x128xi32, #tpu.memory_space<vmem>>
        %dma_start3A_1815 = arith.constant 0 : i32
        %dma_start3A_1816 = tpu.memref_slice %arg2[%add3A_1649, %dma_start3A_1815] : memref<6400x128xi32, #tpu.memory_space<hbm>> -> memref<1x128xi32, #tpu.memory_space<hbm>>
        %dma_start3A_1817 = arith.constant 4 : i32
        %dma_start3A_1818 = arith.constant 0 : i32
        %dma_start3A_1819 = tpu.memref_slice %arg5[%dma_start3A_1817, %dma_start3A_1818] : memref<5x128xi32, #tpu.memory_space<vmem>> -> memref<1x128xi32, #tpu.memory_space<vmem>>
        %dma_start3A_1820 = arith.constant 0 : i32
        %dma_start3A_1821 = tpu.memref_slice %arg2[%add3A_1649, %dma_start3A_1820] : memref<6400x128xi32, #tpu.memory_space<hbm>> -> memref<1x128xi32, #tpu.memory_space<hbm>>
        tpu.enqueue_dma source(%dma_start3A_1821 : memref<1x128xi32, #tpu.memory_space<hbm>>) target(%dma_start3A_1819 : memref<1x128xi32, #tpu.memory_space<vmem>>) target_semaphore(%run_scoped3A_1811 : memref<!tpu.dma_semaphore, #tpu.memory_space<semaphore_mem>>)
        %dma_wait3A_1822 = arith.constant 4 : i32
        %dma_wait3A_1823 = arith.constant 0 : i32
        %dma_wait3A_1824 = tpu.memref_slice %arg5[%dma_wait3A_1822, %dma_wait3A_1823] : memref<5x128xi32, #tpu.memory_space<vmem>> -> memref<1x128xi32, #tpu.memory_space<vmem>>
        %dma_wait3A_1825 = arith.constant 0 : i32
        %dma_wait3A_1826 = tpu.memref_slice %arg2[%add3A_1649, %dma_wait3A_1825] : memref<6400x128xi32, #tpu.memory_space<hbm>> -> memref<1x128xi32, #tpu.memory_space<hbm>>
        %dma_wait3A_1827 = arith.constant 4 : i32
        %dma_wait3A_1828 = arith.constant 0 : i32
        %dma_wait3A_1829 = tpu.memref_slice %arg5[%dma_wait3A_1827, %dma_wait3A_1828] : memref<5x128xi32, #tpu.memory_space<vmem>> -> memref<1x128xi32, #tpu.memory_space<vmem>>
        %dma_wait3A_1830 = arith.constant 0 : i32
        %dma_wait3A_1831 = tpu.memref_slice %arg2[%add3A_1649, %dma_wait3A_1830] : memref<6400x128xi32, #tpu.memory_space<hbm>> -> memref<1x128xi32, #tpu.memory_space<hbm>>
        tpu.wait_dma2 semaphore(%run_scoped3A_1811 : memref<!tpu.dma_semaphore, #tpu.memory_space<semaphore_mem>>) src(%dma_wait3A_1831 : memref<1x128xi32, #tpu.memory_space<hbm>>) dst(%dma_wait3A_1829 : memref<1x128xi32, #tpu.memory_space<vmem>>)
        tpu.yield
      }) : () -> ()
      %get3A_1650 = arith.constant 4 : i32
      %get3A_1651 = arith.index_cast %get3A_1650 : i32 to index
      %get3A_1652 = arith.constant 0 : index
      %get3A_1653 = tpu.vector_load %arg5[%get3A_1651, %get3A_1652] {strides = array<i32>} : memref<5x128xi32, #tpu.memory_space<vmem>>, vector<1x16xi32>,
      %get3A_1654 = vector.shape_cast %get3A_1653 : vector<1x16xi32> to vector<16xi32>
      %lt3A_1655 = arith.constant 50000 : i32
      %lt3A_1656 = vector.broadcast %lt3A_1655 : i32 to vector<16xi32>
      %lt3A_1657 = arith.cmpi slt, %get3A_1654, %lt3A_1656 : vector<16xi32>
      %jit3A_1658 = arith.constant 50000 : i32
      %broadcast_in_dim3A_1659 = vector.broadcast %jit3A_1658 : i32 to vector<16xi32>
      %select_n3A_1660 = arith.select %lt3A_1657, %get3A_1654, %broadcast_in_dim3A_1659 : vector<16xi1>, vector<16xi32>
      %swap3A_1661 = arith.constant 4 : i32
      %swap3A_1662 = arith.index_cast %swap3A_1661 : i32 to index
      %swap3A_1663 = arith.constant 0 : index
      %swap3A_1664 = tpu.vector_load %arg5[%swap3A_1662, %swap3A_1663] {strides = array<i32>} : memref<5x128xi32, #tpu.memory_space<vmem>>, vector<1x16xi32>,
      %swap3A_1665 = vector.shape_cast %swap3A_1664 : vector<1x16xi32> to vector<16xi32>
      %swap3A_1666 = vector.shape_cast %select_n3A_1660 : vector<16xi32> to vector<1x16xi32>
      tpu.vector_store %arg5[%swap3A_1662, %swap3A_1663], %swap3A_1666 {strides = array<i32>} : memref<5x128xi32, #tpu.memory_space<vmem>>, vector<1x16xi32>,
      %get3A_1667 = arith.constant 4 : i32
      %get3A_1668 = arith.index_cast %get3A_1667 : i32 to index
      %get3A_1669 = arith.constant 16 : index
      %get3A_1670 = tpu.vector_load %arg5[%get3A_1668, %get3A_1669] {strides = array<i32>} : memref<5x128xi32, #tpu.memory_space<vmem>>, vector<1x16xi32>,
      %get3A_1671 = vector.shape_cast %get3A_1670 : vector<1x16xi32> to vector<16xi32>
      %lt3A_1672 = arith.constant 50000 : i32
      %lt3A_1673 = vector.broadcast %lt3A_1672 : i32 to vector<16xi32>
      %lt3A_1674 = arith.cmpi slt, %get3A_1671, %lt3A_1673 : vector<16xi32>
      %jit3A_1675 = arith.constant 50000 : i32
      %broadcast_in_dim3A_1676 = vector.broadcast %jit3A_1675 : i32 to vector<16xi32>
      %select_n3A_1677 = arith.select %lt3A_1674, %get3A_1671, %broadcast_in_dim3A_1676 : vector<16xi1>, vector<16xi32>
      %swap3A_1678 = arith.constant 4 : i32
      %swap3A_1679 = arith.index_cast %swap3A_1678 : i32 to index
      %swap3A_1680 = arith.constant 16 : index
      %swap3A_1681 = tpu.vector_load %arg5[%swap3A_1679, %swap3A_1680] {strides = array<i32>} : memref<5x128xi32, #tpu.memory_space<vmem>>, vector<1x16xi32>,
      %swap3A_1682 = vector.shape_cast %swap3A_1681 : vector<1x16xi32> to vector<16xi32>
      %swap3A_1683 = vector.shape_cast %select_n3A_1677 : vector<16xi32> to vector<1x16xi32>
      tpu.vector_store %arg5[%swap3A_1679, %swap3A_1680], %swap3A_1683 {strides = array<i32>} : memref<5x128xi32, #tpu.memory_space<vmem>>, vector<1x16xi32>,
      %get3A_1684 = arith.constant 4 : i32
      %get3A_1685 = arith.index_cast %get3A_1684 : i32 to index
      %get3A_1686 = arith.constant 32 : index
      %get3A_1687 = tpu.vector_load %arg5[%get3A_1685, %get3A_1686] {strides = array<i32>} : memref<5x128xi32, #tpu.memory_space<vmem>>, vector<1x16xi32>,
      %get3A_1688 = vector.shape_cast %get3A_1687 : vector<1x16xi32> to vector<16xi32>
      %lt3A_1689 = arith.constant 50000 : i32
      %lt3A_1690 = vector.broadcast %lt3A_1689 : i32 to vector<16xi32>
      %lt3A_1691 = arith.cmpi slt, %get3A_1688, %lt3A_1690 : vector<16xi32>
      %jit3A_1692 = arith.constant 50000 : i32
      %broadcast_in_dim3A_1693 = vector.broadcast %jit3A_1692 : i32 to vector<16xi32>
      %select_n3A_1694 = arith.select %lt3A_1691, %get3A_1688, %broadcast_in_dim3A_1693 : vector<16xi1>, vector<16xi32>
      %swap3A_1695 = arith.constant 4 : i32
      %swap3A_1696 = arith.index_cast %swap3A_1695 : i32 to index
      %swap3A_1697 = arith.constant 32 : index
      %swap3A_1698 = tpu.vector_load %arg5[%swap3A_1696, %swap3A_1697] {strides = array<i32>} : memref<5x128xi32, #tpu.memory_space<vmem>>, vector<1x16xi32>,
      %swap3A_1699 = vector.shape_cast %swap3A_1698 : vector<1x16xi32> to vector<16xi32>
      %swap3A_1700 = vector.shape_cast %select_n3A_1694 : vector<16xi32> to vector<1x16xi32>
      tpu.vector_store %arg5[%swap3A_1696, %swap3A_1697], %swap3A_1700 {strides = array<i32>} : memref<5x128xi32, #tpu.memory_space<vmem>>, vector<1x16xi32>,
      %get3A_1701 = arith.constant 4 : i32
      %get3A_1702 = arith.index_cast %get3A_1701 : i32 to index
      %get3A_1703 = arith.constant 48 : index
      %get3A_1704 = tpu.vector_load %arg5[%get3A_1702, %get3A_1703] {strides = array<i32>} : memref<5x128xi32, #tpu.memory_space<vmem>>, vector<1x16xi32>,
      %get3A_1705 = vector.shape_cast %get3A_1704 : vector<1x16xi32> to vector<16xi32>
      %lt3A_1706 = arith.constant 50000 : i32
      %lt3A_1707 = vector.broadcast %lt3A_1706 : i32 to vector<16xi32>
      %lt3A_1708 = arith.cmpi slt, %get3A_1705, %lt3A_1707 : vector<16xi32>
      %jit3A_1709 = arith.constant 50000 : i32
      %broadcast_in_dim3A_1710 = vector.broadcast %jit3A_1709 : i32 to vector<16xi32>
      %select_n3A_1711 = arith.select %lt3A_1708, %get3A_1705, %broadcast_in_dim3A_1710 : vector<16xi1>, vector<16xi32>
      %swap3A_1712 = arith.constant 4 : i32
      %swap3A_1713 = arith.index_cast %swap3A_1712 : i32 to index
      %swap3A_1714 = arith.constant 48 : index
      %swap3A_1715 = tpu.vector_load %arg5[%swap3A_1713, %swap3A_1714] {strides = array<i32>} : memref<5x128xi32, #tpu.memory_space<vmem>>, vector<1x16xi32>,
      %swap3A_1716 = vector.shape_cast %swap3A_1715 : vector<1x16xi32> to vector<16xi32>
      %swap3A_1717 = vector.shape_cast %select_n3A_1711 : vector<16xi32> to vector<1x16xi32>
      tpu.vector_store %arg5[%swap3A_1713, %swap3A_1714], %swap3A_1717 {strides = array<i32>} : memref<5x128xi32, #tpu.memory_space<vmem>>, vector<1x16xi32>,
      %get3A_1718 = arith.constant 4 : i32
      %get3A_1719 = arith.index_cast %get3A_1718 : i32 to index
      %get3A_1720 = arith.constant 64 : index
      %get3A_1721 = tpu.vector_load %arg5[%get3A_1719, %get3A_1720] {strides = array<i32>} : memref<5x128xi32, #tpu.memory_space<vmem>>, vector<1x16xi32>,
      %get3A_1722 = vector.shape_cast %get3A_1721 : vector<1x16xi32> to vector<16xi32>
      %lt3A_1723 = arith.constant 50000 : i32
      %lt3A_1724 = vector.broadcast %lt3A_1723 : i32 to vector<16xi32>
      %lt3A_1725 = arith.cmpi slt, %get3A_1722, %lt3A_1724 : vector<16xi32>
      %jit3A_1726 = arith.constant 50000 : i32
      %broadcast_in_dim3A_1727 = vector.broadcast %jit3A_1726 : i32 to vector<16xi32>
      %select_n3A_1728 = arith.select %lt3A_1725, %get3A_1722, %broadcast_in_dim3A_1727 : vector<16xi1>, vector<16xi32>
      %swap3A_1729 = arith.constant 4 : i32
      %swap3A_1730 = arith.index_cast %swap3A_1729 : i32 to index
      %swap3A_1731 = arith.constant 64 : index
      %swap3A_1732 = tpu.vector_load %arg5[%swap3A_1730, %swap3A_1731] {strides = array<i32>} : memref<5x128xi32, #tpu.memory_space<vmem>>, vector<1x16xi32>,
      %swap3A_1733 = vector.shape_cast %swap3A_1732 : vector<1x16xi32> to vector<16xi32>
      %swap3A_1734 = vector.shape_cast %select_n3A_1728 : vector<16xi32> to vector<1x16xi32>
      tpu.vector_store %arg5[%swap3A_1730, %swap3A_1731], %swap3A_1734 {strides = array<i32>} : memref<5x128xi32, #tpu.memory_space<vmem>>, vector<1x16xi32>,
      %get3A_1735 = arith.constant 4 : i32
      %get3A_1736 = arith.index_cast %get3A_1735 : i32 to index
      %get3A_1737 = arith.constant 80 : index
      %get3A_1738 = tpu.vector_load %arg5[%get3A_1736, %get3A_1737] {strides = array<i32>} : memref<5x128xi32, #tpu.memory_space<vmem>>, vector<1x16xi32>,
      %get3A_1739 = vector.shape_cast %get3A_1738 : vector<1x16xi32> to vector<16xi32>
      %lt3A_1740 = arith.constant 50000 : i32
      %lt3A_1741 = vector.broadcast %lt3A_1740 : i32 to vector<16xi32>
      %lt3A_1742 = arith.cmpi slt, %get3A_1739, %lt3A_1741 : vector<16xi32>
      %jit3A_1743 = arith.constant 50000 : i32
      %broadcast_in_dim3A_1744 = vector.broadcast %jit3A_1743 : i32 to vector<16xi32>
      %select_n3A_1745 = arith.select %lt3A_1742, %get3A_1739, %broadcast_in_dim3A_1744 : vector<16xi1>, vector<16xi32>
      %swap3A_1746 = arith.constant 4 : i32
      %swap3A_1747 = arith.index_cast %swap3A_1746 : i32 to index
      %swap3A_1748 = arith.constant 80 : index
      %swap3A_1749 = tpu.vector_load %arg5[%swap3A_1747, %swap3A_1748] {strides = array<i32>} : memref<5x128xi32, #tpu.memory_space<vmem>>, vector<1x16xi32>,
      %swap3A_1750 = vector.shape_cast %swap3A_1749 : vector<1x16xi32> to vector<16xi32>
      %swap3A_1751 = vector.shape_cast %select_n3A_1745 : vector<16xi32> to vector<1x16xi32>
      tpu.vector_store %arg5[%swap3A_1747, %swap3A_1748], %swap3A_1751 {strides = array<i32>} : memref<5x128xi32, #tpu.memory_space<vmem>>, vector<1x16xi32>,
      %get3A_1752 = arith.constant 4 : i32
      %get3A_1753 = arith.index_cast %get3A_1752 : i32 to index
      %get3A_1754 = arith.constant 96 : index
      %get3A_1755 = tpu.vector_load %arg5[%get3A_1753, %get3A_1754] {strides = array<i32>} : memref<5x128xi32, #tpu.memory_space<vmem>>, vector<1x16xi32>,
      %get3A_1756 = vector.shape_cast %get3A_1755 : vector<1x16xi32> to vector<16xi32>
      %lt3A_1757 = arith.constant 50000 : i32
      %lt3A_1758 = vector.broadcast %lt3A_1757 : i32 to vector<16xi32>
      %lt3A_1759 = arith.cmpi slt, %get3A_1756, %lt3A_1758 : vector<16xi32>
      %jit3A_1760 = arith.constant 50000 : i32
      %broadcast_in_dim3A_1761 = vector.broadcast %jit3A_1760 : i32 to vector<16xi32>
      %select_n3A_1762 = arith.select %lt3A_1759, %get3A_1756, %broadcast_in_dim3A_1761 : vector<16xi1>, vector<16xi32>
      %swap3A_1763 = arith.constant 4 : i32
      %swap3A_1764 = arith.index_cast %swap3A_1763 : i32 to index
      %swap3A_1765 = arith.constant 96 : index
      %swap3A_1766 = tpu.vector_load %arg5[%swap3A_1764, %swap3A_1765] {strides = array<i32>} : memref<5x128xi32, #tpu.memory_space<vmem>>, vector<1x16xi32>,
      %swap3A_1767 = vector.shape_cast %swap3A_1766 : vector<1x16xi32> to vector<16xi32>
      %swap3A_1768 = vector.shape_cast %select_n3A_1762 : vector<16xi32> to vector<1x16xi32>
      tpu.vector_store %arg5[%swap3A_1764, %swap3A_1765], %swap3A_1768 {strides = array<i32>} : memref<5x128xi32, #tpu.memory_space<vmem>>, vector<1x16xi32>,
      %get3A_1769 = arith.constant 4 : i32
      %get3A_1770 = arith.index_cast %get3A_1769 : i32 to index
      %get3A_1771 = arith.constant 112 : index
      %get3A_1772 = tpu.vector_load %arg5[%get3A_1770, %get3A_1771] {strides = array<i32>} : memref<5x128xi32, #tpu.memory_space<vmem>>, vector<1x16xi32>,
      %get3A_1773 = vector.shape_cast %get3A_1772 : vector<1x16xi32> to vector<16xi32>
      %lt3A_1774 = arith.constant 50000 : i32
      %lt3A_1775 = vector.broadcast %lt3A_1774 : i32 to vector<16xi32>
      %lt3A_1776 = arith.cmpi slt, %get3A_1773, %lt3A_1775 : vector<16xi32>
      %jit3A_1777 = arith.constant 50000 : i32
      %broadcast_in_dim3A_1778 = vector.broadcast %jit3A_1777 : i32 to vector<16xi32>
      %select_n3A_1779 = arith.select %lt3A_1776, %get3A_1773, %broadcast_in_dim3A_1778 : vector<16xi1>, vector<16xi32>
      %swap3A_1780 = arith.constant 4 : i32
      %swap3A_1781 = arith.index_cast %swap3A_1780 : i32 to index
      %swap3A_1782 = arith.constant 112 : index
      %swap3A_1783 = tpu.vector_load %arg5[%swap3A_1781, %swap3A_1782] {strides = array<i32>} : memref<5x128xi32, #tpu.memory_space<vmem>>, vector<1x16xi32>,
      %swap3A_1784 = vector.shape_cast %swap3A_1783 : vector<1x16xi32> to vector<16xi32>
      %swap3A_1785 = vector.shape_cast %select_n3A_1779 : vector<16xi32> to vector<1x16xi32>
      tpu.vector_store %arg5[%swap3A_1781, %swap3A_1782], %swap3A_1785 {strides = array<i32>} : memref<5x128xi32, #tpu.memory_space<vmem>>, vector<1x16xi32>,
      %dma_wait3A_1786 = arith.constant 4 : i32
      %dma_wait3A_1787 = arith.constant 0 : i32
      %dma_wait3A_1788 = arith.constant 0 : i32
      %dma_wait3A_1789 = tpu.memref_slice %arg6[%dma_wait3A_1786, %dma_wait3A_1787, %dma_wait3A_1788] : memref<5x128x128xf32, #tpu.memory_space<vmem>> -> memref<1x128x128xf32, #tpu.memory_space<vmem>>
      %dma_wait3A_1790 = tpu.memref_squeeze %dma_wait3A_1789 : memref<1x128x128xf32, #tpu.memory_space<vmem>> -> memref<128x128xf32, #tpu.memory_space<vmem>>
      %dma_wait3A_1791 = arith.constant 0 : i32
      %dma_wait3A_1792 = tpu.memref_slice %arg4[%mul3A_1632, %dma_wait3A_1791] : memref<819200x128xf32, #tpu.memory_space<hbm>> -> memref<128x128xf32, #tpu.memory_space<hbm>>
      %dma_wait3A_1793 = arith.constant 0 : i32
      %dma_wait3A_1794 = tpu.memref_slice %arg4[%mul3A_1632, %dma_wait3A_1793] : memref<819200x128xf32, #tpu.memory_space<hbm>> -> memref<128x128xf32, #tpu.memory_space<hbm>>
      %dma_wait3A_1795 = arith.constant 0 : i32
      %dma_wait3A_1796 = arith.constant 0 : i32
      %dma_wait3A_1797 = tpu.memref_slice %arg6[%dma_wait3A_1786, %dma_wait3A_1795, %dma_wait3A_1796] : memref<5x128x128xf32, #tpu.memory_space<vmem>> -> memref<1x128x128xf32, #tpu.memory_space<vmem>>
      %dma_wait3A_1798 = tpu.memref_squeeze %dma_wait3A_1797 : memref<1x128x128xf32, #tpu.memory_space<vmem>> -> memref<128x128xf32, #tpu.memory_space<vmem>>
      tpu.wait_dma2 semaphore(%arg16 : memref<!tpu.dma_semaphore, #tpu.memory_space<semaphore_mem>>) src(%dma_wait3A_1798 : memref<128x128xf32, #tpu.memory_space<vmem>>) dst(%dma_wait3A_1794 : memref<128x128xf32, #tpu.memory_space<hbm>>)
      %dma_start3A_1799 = arith.constant 4 : i32
      %dma_start3A_1800 = arith.constant 4 : i32
      %dma_start3A_1801 = arith.constant 0 : i32
      %dma_start3A_1802 = arith.constant 0 : i32
      %dma_start3A_1803 = tpu.memref_slice %arg6[%dma_start3A_1800, %dma_start3A_1801, %dma_start3A_1802] : memref<5x128x128xf32, #tpu.memory_space<vmem>> -> memref<1x128x128xf32, #tpu.memory_space<vmem>>
      %dma_start3A_1804 = tpu.memref_squeeze %dma_start3A_1803 : memref<1x128x128xf32, #tpu.memory_space<vmem>> -> memref<128x128xf32, #tpu.memory_space<vmem>>
      %dma_start3A_1805 = arith.constant 0 : i32
      %dma_start3A_1806 = tpu.memref_slice %arg5[%dma_start3A_1799, %dma_start3A_1805] : memref<5x128xi32, #tpu.memory_space<vmem>> -> memref<1x128xi32, #tpu.memory_space<vmem>>
      %dma_start3A_1807 = tpu.memref_squeeze %dma_start3A_1806 : memref<1x128xi32, #tpu.memory_space<vmem>> -> memref<128xi32, #tpu.memory_space<vmem>>
      %dma_start3A_1808 = arith.constant 0 : i32
      %dma_start3A_1809 = arith.constant 0 : i32
      %dma_start3A_1810 = tpu.memref_slice %arg3[%dma_start3A_1808, %dma_start3A_1809] : memref<50008x128xf32, #tpu.memory_space<hbm>> -> memref<50008x128xf32, #tpu.memory_space<hbm>>
      tpu.enqueue_indirect_dma source(%dma_start3A_1810 : memref<50008x128xf32, #tpu.memory_space<hbm>>) target(%dma_start3A_1804 : memref<128x128xf32, #tpu.memory_space<vmem>>) offsets(%dma_start3A_1807 : memref<128xi32, #tpu.memory_space<vmem>>) semaphore(%arg11 : memref<!tpu.dma_semaphore, #tpu.memory_space<semaphore_mem>>)
    }
    %scan3A_750 = arith.constant 39 : i32
    %add3A_751 = arith.constant 200 : i32
    %add3A_752 = arith.addi %mul3A_2, %add3A_751 : i32
    %sub3A = arith.constant 5 : i32
    %sub3A_753 = arith.subi %add3A_752, %sub3A : i32
    %dma_wait3A = arith.constant 0 : i32
    %dma_wait3A_754 = arith.constant 0 : i32
    %dma_wait3A_755 = arith.constant 0 : i32
    %dma_wait3A_756 = arith.constant 0 : i32
    %dma_wait3A_757 = tpu.memref_slice %arg6[%dma_wait3A_754, %dma_wait3A_755, %dma_wait3A_756] : memref<5x128x128xf32, #tpu.memory_space<vmem>> -> memref<1x128x128xf32, #tpu.memory_space<vmem>>
    %dma_wait3A_758 = tpu.memref_squeeze %dma_wait3A_757 : memref<1x128x128xf32, #tpu.memory_space<vmem>> -> memref<128x128xf32, #tpu.memory_space<vmem>>
    %dma_wait3A_759 = arith.constant 0 : i32
    %dma_wait3A_760 = tpu.memref_slice %arg5[%dma_wait3A, %dma_wait3A_759] : memref<5x128xi32, #tpu.memory_space<vmem>> -> memref<1x128xi32, #tpu.memory_space<vmem>>
    %dma_wait3A_761 = tpu.memref_squeeze %dma_wait3A_760 : memref<1x128xi32, #tpu.memory_space<vmem>> -> memref<128xi32, #tpu.memory_space<vmem>>
    %dma_wait3A_762 = arith.constant 0 : i32
    %dma_wait3A_763 = arith.constant 0 : i32
    %dma_wait3A_764 = tpu.memref_slice %arg3[%dma_wait3A_762, %dma_wait3A_763] : memref<50008x128xf32, #tpu.memory_space<hbm>> -> memref<50008x128xf32, #tpu.memory_space<hbm>>
    tpu.wait_indirect_dma semaphore(%arg7 : memref<!tpu.dma_semaphore, #tpu.memory_space<semaphore_mem>>) src(%dma_wait3A_764 : memref<50008x128xf32, #tpu.memory_space<hbm>>) dst(%dma_wait3A_758 : memref<128x128xf32, #tpu.memory_space<vmem>>)
    %add3A_765 = arith.constant 0 : i32
    %add3A_766 = arith.addi %sub3A_753, %add3A_765 : i32
    %mul3A_767 = arith.constant 128 : i32
    %mul3A_768 = arith.muli %add3A_766, %mul3A_767 : i32
    %run_scoped3A = arith.constant 0 : i32
    "tpu.region"() ({
      %run_scoped3A_837 = tpu.sem_alloc : memref<!tpu.dma_semaphore, #tpu.memory_space<semaphore_mem>>
      %dma_start3A_838 = arith.constant 0 : i32
      %dma_start3A_839 = arith.constant 0 : i32
      %dma_start3A_840 = tpu.memref_slice %arg6[%run_scoped3A, %dma_start3A_838, %dma_start3A_839] : memref<5x128x128xf32, #tpu.memory_space<vmem>> -> memref<1x128x128xf32, #tpu.memory_space<vmem>>
      %dma_start3A_841 = tpu.memref_squeeze %dma_start3A_840 : memref<1x128x128xf32, #tpu.memory_space<vmem>> -> memref<128x128xf32, #tpu.memory_space<vmem>>
      %dma_start3A_842 = arith.constant 0 : i32
      %dma_start3A_843 = tpu.memref_slice %arg4[%mul3A_768, %dma_start3A_842] : memref<819200x128xf32, #tpu.memory_space<hbm>> -> memref<128x128xf32, #tpu.memory_space<hbm>>
      %dma_start3A_844 = arith.constant 0 : i32
      %dma_start3A_845 = tpu.memref_slice %arg4[%mul3A_768, %dma_start3A_844] : memref<819200x128xf32, #tpu.memory_space<hbm>> -> memref<128x128xf32, #tpu.memory_space<hbm>>
      %dma_start3A_846 = arith.constant 0 : i32
      %dma_start3A_847 = arith.constant 0 : i32
      %dma_start3A_848 = tpu.memref_slice %arg6[%run_scoped3A, %dma_start3A_846, %dma_start3A_847] : memref<5x128x128xf32, #tpu.memory_space<vmem>> -> memref<1x128x128xf32, #tpu.memory_space<vmem>>
      %dma_start3A_849 = tpu.memref_squeeze %dma_start3A_848 : memref<1x128x128xf32, #tpu.memory_space<vmem>> -> memref<128x128xf32, #tpu.memory_space<vmem>>
      tpu.enqueue_dma source(%dma_start3A_849 : memref<128x128xf32, #tpu.memory_space<vmem>>) target(%dma_start3A_845 : memref<128x128xf32, #tpu.memory_space<hbm>>) target_semaphore(%run_scoped3A_837 : memref<!tpu.dma_semaphore, #tpu.memory_space<semaphore_mem>>)
      %dma_wait3A_850 = arith.constant 0 : i32
      %dma_wait3A_851 = arith.constant 0 : i32
      %dma_wait3A_852 = tpu.memref_slice %arg6[%run_scoped3A, %dma_wait3A_850, %dma_wait3A_851] : memref<5x128x128xf32, #tpu.memory_space<vmem>> -> memref<1x128x128xf32, #tpu.memory_space<vmem>>
      %dma_wait3A_853 = tpu.memref_squeeze %dma_wait3A_852 : memref<1x128x128xf32, #tpu.memory_space<vmem>> -> memref<128x128xf32, #tpu.memory_space<vmem>>
      %dma_wait3A_854 = arith.constant 0 : i32
      %dma_wait3A_855 = tpu.memref_slice %arg4[%mul3A_768, %dma_wait3A_854] : memref<819200x128xf32, #tpu.memory_space<hbm>> -> memref<128x128xf32, #tpu.memory_space<hbm>>
      %dma_wait3A_856 = arith.constant 0 : i32
      %dma_wait3A_857 = tpu.memref_slice %arg4[%mul3A_768, %dma_wait3A_856] : memref<819200x128xf32, #tpu.memory_space<hbm>> -> memref<128x128xf32, #tpu.memory_space<hbm>>
      %dma_wait3A_858 = arith.constant 0 : i32
      %dma_wait3A_859 = arith.constant 0 : i32
      %dma_wait3A_860 = tpu.memref_slice %arg6[%run_scoped3A, %dma_wait3A_858, %dma_wait3A_859] : memref<5x128x128xf32, #tpu.memory_space<vmem>> -> memref<1x128x128xf32, #tpu.memory_space<vmem>>
      %dma_wait3A_861 = tpu.memref_squeeze %dma_wait3A_860 : memref<1x128x128xf32, #tpu.memory_space<vmem>> -> memref<128x128xf32, #tpu.memory_space<vmem>>
      tpu.wait_dma2 semaphore(%run_scoped3A_837 : memref<!tpu.dma_semaphore, #tpu.memory_space<semaphore_mem>>) src(%dma_wait3A_861 : memref<128x128xf32, #tpu.memory_space<vmem>>) dst(%dma_wait3A_857 : memref<128x128xf32, #tpu.memory_space<hbm>>)
      tpu.yield
    }) : () -> ()
    %dma_wait3A_769 = arith.constant 1 : i32
    %dma_wait3A_770 = arith.constant 1 : i32
    %dma_wait3A_771 = arith.constant 0 : i32
    %dma_wait3A_772 = arith.constant 0 : i32
    %dma_wait3A_773 = tpu.memref_slice %arg6[%dma_wait3A_770, %dma_wait3A_771, %dma_wait3A_772] : memref<5x128x128xf32, #tpu.memory_space<vmem>> -> memref<1x128x128xf32, #tpu.memory_space<vmem>>
    %dma_wait3A_774 = tpu.memref_squeeze %dma_wait3A_773 : memref<1x128x128xf32, #tpu.memory_space<vmem>> -> memref<128x128xf32, #tpu.memory_space<vmem>>
    %dma_wait3A_775 = arith.constant 0 : i32
    %dma_wait3A_776 = tpu.memref_slice %arg5[%dma_wait3A_769, %dma_wait3A_775] : memref<5x128xi32, #tpu.memory_space<vmem>> -> memref<1x128xi32, #tpu.memory_space<vmem>>
    %dma_wait3A_777 = tpu.memref_squeeze %dma_wait3A_776 : memref<1x128xi32, #tpu.memory_space<vmem>> -> memref<128xi32, #tpu.memory_space<vmem>>
    %dma_wait3A_778 = arith.constant 0 : i32
    %dma_wait3A_779 = arith.constant 0 : i32
    %dma_wait3A_780 = tpu.memref_slice %arg3[%dma_wait3A_778, %dma_wait3A_779] : memref<50008x128xf32, #tpu.memory_space<hbm>> -> memref<50008x128xf32, #tpu.memory_space<hbm>>
    tpu.wait_indirect_dma semaphore(%arg8 : memref<!tpu.dma_semaphore, #tpu.memory_space<semaphore_mem>>) src(%dma_wait3A_780 : memref<50008x128xf32, #tpu.memory_space<hbm>>) dst(%dma_wait3A_774 : memref<128x128xf32, #tpu.memory_space<vmem>>)
    %add3A_781 = arith.constant 1 : i32
    %add3A_782 = arith.addi %sub3A_753, %add3A_781 : i32
    %mul3A_783 = arith.constant 128 : i32
    %mul3A_784 = arith.muli %add3A_782, %mul3A_783 : i32
    %run_scoped3A_785 = arith.constant 1 : i32
    "tpu.region"() ({
      %run_scoped3A_837 = tpu.sem_alloc : memref<!tpu.dma_semaphore, #tpu.memory_space<semaphore_mem>>
      %dma_start3A_838 = arith.constant 0 : i32
      %dma_start3A_839 = arith.constant 0 : i32
      %dma_start3A_840 = tpu.memref_slice %arg6[%run_scoped3A_785, %dma_start3A_838, %dma_start3A_839] : memref<5x128x128xf32, #tpu.memory_space<vmem>> -> memref<1x128x128xf32, #tpu.memory_space<vmem>>
      %dma_start3A_841 = tpu.memref_squeeze %dma_start3A_840 : memref<1x128x128xf32, #tpu.memory_space<vmem>> -> memref<128x128xf32, #tpu.memory_space<vmem>>
      %dma_start3A_842 = arith.constant 0 : i32
      %dma_start3A_843 = tpu.memref_slice %arg4[%mul3A_784, %dma_start3A_842] : memref<819200x128xf32, #tpu.memory_space<hbm>> -> memref<128x128xf32, #tpu.memory_space<hbm>>
      %dma_start3A_844 = arith.constant 0 : i32
      %dma_start3A_845 = tpu.memref_slice %arg4[%mul3A_784, %dma_start3A_844] : memref<819200x128xf32, #tpu.memory_space<hbm>> -> memref<128x128xf32, #tpu.memory_space<hbm>>
      %dma_start3A_846 = arith.constant 0 : i32
      %dma_start3A_847 = arith.constant 0 : i32
      %dma_start3A_848 = tpu.memref_slice %arg6[%run_scoped3A_785, %dma_start3A_846, %dma_start3A_847] : memref<5x128x128xf32, #tpu.memory_space<vmem>> -> memref<1x128x128xf32, #tpu.memory_space<vmem>>
      %dma_start3A_849 = tpu.memref_squeeze %dma_start3A_848 : memref<1x128x128xf32, #tpu.memory_space<vmem>> -> memref<128x128xf32, #tpu.memory_space<vmem>>
      tpu.enqueue_dma source(%dma_start3A_849 : memref<128x128xf32, #tpu.memory_space<vmem>>) target(%dma_start3A_845 : memref<128x128xf32, #tpu.memory_space<hbm>>) target_semaphore(%run_scoped3A_837 : memref<!tpu.dma_semaphore, #tpu.memory_space<semaphore_mem>>)
      %dma_wait3A_850 = arith.constant 0 : i32
      %dma_wait3A_851 = arith.constant 0 : i32
      %dma_wait3A_852 = tpu.memref_slice %arg6[%run_scoped3A_785, %dma_wait3A_850, %dma_wait3A_851] : memref<5x128x128xf32, #tpu.memory_space<vmem>> -> memref<1x128x128xf32, #tpu.memory_space<vmem>>
      %dma_wait3A_853 = tpu.memref_squeeze %dma_wait3A_852 : memref<1x128x128xf32, #tpu.memory_space<vmem>> -> memref<128x128xf32, #tpu.memory_space<vmem>>
      %dma_wait3A_854 = arith.constant 0 : i32
      %dma_wait3A_855 = tpu.memref_slice %arg4[%mul3A_784, %dma_wait3A_854] : memref<819200x128xf32, #tpu.memory_space<hbm>> -> memref<128x128xf32, #tpu.memory_space<hbm>>
      %dma_wait3A_856 = arith.constant 0 : i32
      %dma_wait3A_857 = tpu.memref_slice %arg4[%mul3A_784, %dma_wait3A_856] : memref<819200x128xf32, #tpu.memory_space<hbm>> -> memref<128x128xf32, #tpu.memory_space<hbm>>
      %dma_wait3A_858 = arith.constant 0 : i32
      %dma_wait3A_859 = arith.constant 0 : i32
      %dma_wait3A_860 = tpu.memref_slice %arg6[%run_scoped3A_785, %dma_wait3A_858, %dma_wait3A_859] : memref<5x128x128xf32, #tpu.memory_space<vmem>> -> memref<1x128x128xf32, #tpu.memory_space<vmem>>
      %dma_wait3A_861 = tpu.memref_squeeze %dma_wait3A_860 : memref<1x128x128xf32, #tpu.memory_space<vmem>> -> memref<128x128xf32, #tpu.memory_space<vmem>>
      tpu.wait_dma2 semaphore(%run_scoped3A_837 : memref<!tpu.dma_semaphore, #tpu.memory_space<semaphore_mem>>) src(%dma_wait3A_861 : memref<128x128xf32, #tpu.memory_space<vmem>>) dst(%dma_wait3A_857 : memref<128x128xf32, #tpu.memory_space<hbm>>)
      tpu.yield
    }) : () -> ()
    %dma_wait3A_786 = arith.constant 2 : i32
    %dma_wait3A_787 = arith.constant 2 : i32
    %dma_wait3A_788 = arith.constant 0 : i32
    %dma_wait3A_789 = arith.constant 0 : i32
    %dma_wait3A_790 = tpu.memref_slice %arg6[%dma_wait3A_787, %dma_wait3A_788, %dma_wait3A_789] : memref<5x128x128xf32, #tpu.memory_space<vmem>> -> memref<1x128x128xf32, #tpu.memory_space<vmem>>
    %dma_wait3A_791 = tpu.memref_squeeze %dma_wait3A_790 : memref<1x128x128xf32, #tpu.memory_space<vmem>> -> memref<128x128xf32, #tpu.memory_space<vmem>>
    %dma_wait3A_792 = arith.constant 0 : i32
    %dma_wait3A_793 = tpu.memref_slice %arg5[%dma_wait3A_786, %dma_wait3A_792] : memref<5x128xi32, #tpu.memory_space<vmem>> -> memref<1x128xi32, #tpu.memory_space<vmem>>
    %dma_wait3A_794 = tpu.memref_squeeze %dma_wait3A_793 : memref<1x128xi32, #tpu.memory_space<vmem>> -> memref<128xi32, #tpu.memory_space<vmem>>
    %dma_wait3A_795 = arith.constant 0 : i32
    %dma_wait3A_796 = arith.constant 0 : i32
    %dma_wait3A_797 = tpu.memref_slice %arg3[%dma_wait3A_795, %dma_wait3A_796] : memref<50008x128xf32, #tpu.memory_space<hbm>> -> memref<50008x128xf32, #tpu.memory_space<hbm>>
    tpu.wait_indirect_dma semaphore(%arg9 : memref<!tpu.dma_semaphore, #tpu.memory_space<semaphore_mem>>) src(%dma_wait3A_797 : memref<50008x128xf32, #tpu.memory_space<hbm>>) dst(%dma_wait3A_791 : memref<128x128xf32, #tpu.memory_space<vmem>>)
    %add3A_798 = arith.constant 2 : i32
    %add3A_799 = arith.addi %sub3A_753, %add3A_798 : i32
    %mul3A_800 = arith.constant 128 : i32
    %mul3A_801 = arith.muli %add3A_799, %mul3A_800 : i32
    %run_scoped3A_802 = arith.constant 2 : i32
    "tpu.region"() ({
      %run_scoped3A_837 = tpu.sem_alloc : memref<!tpu.dma_semaphore, #tpu.memory_space<semaphore_mem>>
      %dma_start3A_838 = arith.constant 0 : i32
      %dma_start3A_839 = arith.constant 0 : i32
      %dma_start3A_840 = tpu.memref_slice %arg6[%run_scoped3A_802, %dma_start3A_838, %dma_start3A_839] : memref<5x128x128xf32, #tpu.memory_space<vmem>> -> memref<1x128x128xf32, #tpu.memory_space<vmem>>
      %dma_start3A_841 = tpu.memref_squeeze %dma_start3A_840 : memref<1x128x128xf32, #tpu.memory_space<vmem>> -> memref<128x128xf32, #tpu.memory_space<vmem>>
      %dma_start3A_842 = arith.constant 0 : i32
      %dma_start3A_843 = tpu.memref_slice %arg4[%mul3A_801, %dma_start3A_842] : memref<819200x128xf32, #tpu.memory_space<hbm>> -> memref<128x128xf32, #tpu.memory_space<hbm>>
      %dma_start3A_844 = arith.constant 0 : i32
      %dma_start3A_845 = tpu.memref_slice %arg4[%mul3A_801, %dma_start3A_844] : memref<819200x128xf32, #tpu.memory_space<hbm>> -> memref<128x128xf32, #tpu.memory_space<hbm>>
      %dma_start3A_846 = arith.constant 0 : i32
      %dma_start3A_847 = arith.constant 0 : i32
      %dma_start3A_848 = tpu.memref_slice %arg6[%run_scoped3A_802, %dma_start3A_846, %dma_start3A_847] : memref<5x128x128xf32, #tpu.memory_space<vmem>> -> memref<1x128x128xf32, #tpu.memory_space<vmem>>
      %dma_start3A_849 = tpu.memref_squeeze %dma_start3A_848 : memref<1x128x128xf32, #tpu.memory_space<vmem>> -> memref<128x128xf32, #tpu.memory_space<vmem>>
      tpu.enqueue_dma source(%dma_start3A_849 : memref<128x128xf32, #tpu.memory_space<vmem>>) target(%dma_start3A_845 : memref<128x128xf32, #tpu.memory_space<hbm>>) target_semaphore(%run_scoped3A_837 : memref<!tpu.dma_semaphore, #tpu.memory_space<semaphore_mem>>)
      %dma_wait3A_850 = arith.constant 0 : i32
      %dma_wait3A_851 = arith.constant 0 : i32
      %dma_wait3A_852 = tpu.memref_slice %arg6[%run_scoped3A_802, %dma_wait3A_850, %dma_wait3A_851] : memref<5x128x128xf32, #tpu.memory_space<vmem>> -> memref<1x128x128xf32, #tpu.memory_space<vmem>>
      %dma_wait3A_853 = tpu.memref_squeeze %dma_wait3A_852 : memref<1x128x128xf32, #tpu.memory_space<vmem>> -> memref<128x128xf32, #tpu.memory_space<vmem>>
      %dma_wait3A_854 = arith.constant 0 : i32
      %dma_wait3A_855 = tpu.memref_slice %arg4[%mul3A_801, %dma_wait3A_854] : memref<819200x128xf32, #tpu.memory_space<hbm>> -> memref<128x128xf32, #tpu.memory_space<hbm>>
      %dma_wait3A_856 = arith.constant 0 : i32
      %dma_wait3A_857 = tpu.memref_slice %arg4[%mul3A_801, %dma_wait3A_856] : memref<819200x128xf32, #tpu.memory_space<hbm>> -> memref<128x128xf32, #tpu.memory_space<hbm>>
      %dma_wait3A_858 = arith.constant 0 : i32
      %dma_wait3A_859 = arith.constant 0 : i32
      %dma_wait3A_860 = tpu.memref_slice %arg6[%run_scoped3A_802, %dma_wait3A_858, %dma_wait3A_859] : memref<5x128x128xf32, #tpu.memory_space<vmem>> -> memref<1x128x128xf32, #tpu.memory_space<vmem>>
      %dma_wait3A_861 = tpu.memref_squeeze %dma_wait3A_860 : memref<1x128x128xf32, #tpu.memory_space<vmem>> -> memref<128x128xf32, #tpu.memory_space<vmem>>
      tpu.wait_dma2 semaphore(%run_scoped3A_837 : memref<!tpu.dma_semaphore, #tpu.memory_space<semaphore_mem>>) src(%dma_wait3A_861 : memref<128x128xf32, #tpu.memory_space<vmem>>) dst(%dma_wait3A_857 : memref<128x128xf32, #tpu.memory_space<hbm>>)
      tpu.yield
    }) : () -> ()
    %dma_wait3A_803 = arith.constant 3 : i32
    %dma_wait3A_804 = arith.constant 3 : i32
    %dma_wait3A_805 = arith.constant 0 : i32
    %dma_wait3A_806 = arith.constant 0 : i32
    %dma_wait3A_807 = tpu.memref_slice %arg6[%dma_wait3A_804, %dma_wait3A_805, %dma_wait3A_806] : memref<5x128x128xf32, #tpu.memory_space<vmem>> -> memref<1x128x128xf32, #tpu.memory_space<vmem>>
    %dma_wait3A_808 = tpu.memref_squeeze %dma_wait3A_807 : memref<1x128x128xf32, #tpu.memory_space<vmem>> -> memref<128x128xf32, #tpu.memory_space<vmem>>
    %dma_wait3A_809 = arith.constant 0 : i32
    %dma_wait3A_810 = tpu.memref_slice %arg5[%dma_wait3A_803, %dma_wait3A_809] : memref<5x128xi32, #tpu.memory_space<vmem>> -> memref<1x128xi32, #tpu.memory_space<vmem>>
    %dma_wait3A_811 = tpu.memref_squeeze %dma_wait3A_810 : memref<1x128xi32, #tpu.memory_space<vmem>> -> memref<128xi32, #tpu.memory_space<vmem>>
    %dma_wait3A_812 = arith.constant 0 : i32
    %dma_wait3A_813 = arith.constant 0 : i32
    %dma_wait3A_814 = tpu.memref_slice %arg3[%dma_wait3A_812, %dma_wait3A_813] : memref<50008x128xf32, #tpu.memory_space<hbm>> -> memref<50008x128xf32, #tpu.memory_space<hbm>>
    tpu.wait_indirect_dma semaphore(%arg10 : memref<!tpu.dma_semaphore, #tpu.memory_space<semaphore_mem>>) src(%dma_wait3A_814 : memref<50008x128xf32, #tpu.memory_space<hbm>>) dst(%dma_wait3A_808 : memref<128x128xf32, #tpu.memory_space<vmem>>)
    %add3A_815 = arith.constant 3 : i32
    %add3A_816 = arith.addi %sub3A_753, %add3A_815 : i32
    %mul3A_817 = arith.constant 128 : i32
    %mul3A_818 = arith.muli %add3A_816, %mul3A_817 : i32
    %run_scoped3A_819 = arith.constant 3 : i32
    "tpu.region"() ({
      %run_scoped3A_837 = tpu.sem_alloc : memref<!tpu.dma_semaphore, #tpu.memory_space<semaphore_mem>>
      %dma_start3A_838 = arith.constant 0 : i32
      %dma_start3A_839 = arith.constant 0 : i32
      %dma_start3A_840 = tpu.memref_slice %arg6[%run_scoped3A_819, %dma_start3A_838, %dma_start3A_839] : memref<5x128x128xf32, #tpu.memory_space<vmem>> -> memref<1x128x128xf32, #tpu.memory_space<vmem>>
      %dma_start3A_841 = tpu.memref_squeeze %dma_start3A_840 : memref<1x128x128xf32, #tpu.memory_space<vmem>> -> memref<128x128xf32, #tpu.memory_space<vmem>>
      %dma_start3A_842 = arith.constant 0 : i32
      %dma_start3A_843 = tpu.memref_slice %arg4[%mul3A_818, %dma_start3A_842] : memref<819200x128xf32, #tpu.memory_space<hbm>> -> memref<128x128xf32, #tpu.memory_space<hbm>>
      %dma_start3A_844 = arith.constant 0 : i32
      %dma_start3A_845 = tpu.memref_slice %arg4[%mul3A_818, %dma_start3A_844] : memref<819200x128xf32, #tpu.memory_space<hbm>> -> memref<128x128xf32, #tpu.memory_space<hbm>>
      %dma_start3A_846 = arith.constant 0 : i32
      %dma_start3A_847 = arith.constant 0 : i32
      %dma_start3A_848 = tpu.memref_slice %arg6[%run_scoped3A_819, %dma_start3A_846, %dma_start3A_847] : memref<5x128x128xf32, #tpu.memory_space<vmem>> -> memref<1x128x128xf32, #tpu.memory_space<vmem>>
      %dma_start3A_849 = tpu.memref_squeeze %dma_start3A_848 : memref<1x128x128xf32, #tpu.memory_space<vmem>> -> memref<128x128xf32, #tpu.memory_space<vmem>>
      tpu.enqueue_dma source(%dma_start3A_849 : memref<128x128xf32, #tpu.memory_space<vmem>>) target(%dma_start3A_845 : memref<128x128xf32, #tpu.memory_space<hbm>>) target_semaphore(%run_scoped3A_837 : memref<!tpu.dma_semaphore, #tpu.memory_space<semaphore_mem>>)
      %dma_wait3A_850 = arith.constant 0 : i32
      %dma_wait3A_851 = arith.constant 0 : i32
      %dma_wait3A_852 = tpu.memref_slice %arg6[%run_scoped3A_819, %dma_wait3A_850, %dma_wait3A_851] : memref<5x128x128xf32, #tpu.memory_space<vmem>> -> memref<1x128x128xf32, #tpu.memory_space<vmem>>
      %dma_wait3A_853 = tpu.memref_squeeze %dma_wait3A_852 : memref<1x128x128xf32, #tpu.memory_space<vmem>> -> memref<128x128xf32, #tpu.memory_space<vmem>>
      %dma_wait3A_854 = arith.constant 0 : i32
      %dma_wait3A_855 = tpu.memref_slice %arg4[%mul3A_818, %dma_wait3A_854] : memref<819200x128xf32, #tpu.memory_space<hbm>> -> memref<128x128xf32, #tpu.memory_space<hbm>>
      %dma_wait3A_856 = arith.constant 0 : i32
      %dma_wait3A_857 = tpu.memref_slice %arg4[%mul3A_818, %dma_wait3A_856] : memref<819200x128xf32, #tpu.memory_space<hbm>> -> memref<128x128xf32, #tpu.memory_space<hbm>>
      %dma_wait3A_858 = arith.constant 0 : i32
      %dma_wait3A_859 = arith.constant 0 : i32
      %dma_wait3A_860 = tpu.memref_slice %arg6[%run_scoped3A_819, %dma_wait3A_858, %dma_wait3A_859] : memref<5x128x128xf32, #tpu.memory_space<vmem>> -> memref<1x128x128xf32, #tpu.memory_space<vmem>>
      %dma_wait3A_861 = tpu.memref_squeeze %dma_wait3A_860 : memref<1x128x128xf32, #tpu.memory_space<vmem>> -> memref<128x128xf32, #tpu.memory_space<vmem>>
      tpu.wait_dma2 semaphore(%run_scoped3A_837 : memref<!tpu.dma_semaphore, #tpu.memory_space<semaphore_mem>>) src(%dma_wait3A_861 : memref<128x128xf32, #tpu.memory_space<vmem>>) dst(%dma_wait3A_857 : memref<128x128xf32, #tpu.memory_space<hbm>>)
      tpu.yield
    }) : () -> ()
    %dma_wait3A_820 = arith.constant 4 : i32
    %dma_wait3A_821 = arith.constant 4 : i32
    %dma_wait3A_822 = arith.constant 0 : i32
    %dma_wait3A_823 = arith.constant 0 : i32
    %dma_wait3A_824 = tpu.memref_slice %arg6[%dma_wait3A_821, %dma_wait3A_822, %dma_wait3A_823] : memref<5x128x128xf32, #tpu.memory_space<vmem>> -> memref<1x128x128xf32, #tpu.memory_space<vmem>>
    %dma_wait3A_825 = tpu.memref_squeeze %dma_wait3A_824 : memref<1x128x128xf32, #tpu.memory_space<vmem>> -> memref<128x128xf32, #tpu.memory_space<vmem>>
    %dma_wait3A_826 = arith.constant 0 : i32
    %dma_wait3A_827 = tpu.memref_slice %arg5[%dma_wait3A_820, %dma_wait3A_826] : memref<5x128xi32, #tpu.memory_space<vmem>> -> memref<1x128xi32, #tpu.memory_space<vmem>>
    %dma_wait3A_828 = tpu.memref_squeeze %dma_wait3A_827 : memref<1x128xi32, #tpu.memory_space<vmem>> -> memref<128xi32, #tpu.memory_space<vmem>>
    %dma_wait3A_829 = arith.constant 0 : i32
    %dma_wait3A_830 = arith.constant 0 : i32
    %dma_wait3A_831 = tpu.memref_slice %arg3[%dma_wait3A_829, %dma_wait3A_830] : memref<50008x128xf32, #tpu.memory_space<hbm>> -> memref<50008x128xf32, #tpu.memory_space<hbm>>
    tpu.wait_indirect_dma semaphore(%arg11 : memref<!tpu.dma_semaphore, #tpu.memory_space<semaphore_mem>>) src(%dma_wait3A_831 : memref<50008x128xf32, #tpu.memory_space<hbm>>) dst(%dma_wait3A_825 : memref<128x128xf32, #tpu.memory_space<vmem>>)
    %add3A_832 = arith.constant 4 : i32
    %add3A_833 = arith.addi %sub3A_753, %add3A_832 : i32
    %mul3A_834 = arith.constant 128 : i32
    %mul3A_835 = arith.muli %add3A_833, %mul3A_834 : i32
    %run_scoped3A_836 = arith.constant 4 : i32
    "tpu.region"() ({
      %run_scoped3A_837 = tpu.sem_alloc : memref<!tpu.dma_semaphore, #tpu.memory_space<semaphore_mem>>
      %dma_start3A_838 = arith.constant 0 : i32
      %dma_start3A_839 = arith.constant 0 : i32
      %dma_start3A_840 = tpu.memref_slice %arg6[%run_scoped3A_836, %dma_start3A_838, %dma_start3A_839] : memref<5x128x128xf32, #tpu.memory_space<vmem>> -> memref<1x128x128xf32, #tpu.memory_space<vmem>>
      %dma_start3A_841 = tpu.memref_squeeze %dma_start3A_840 : memref<1x128x128xf32, #tpu.memory_space<vmem>> -> memref<128x128xf32, #tpu.memory_space<vmem>>
      %dma_start3A_842 = arith.constant 0 : i32
      %dma_start3A_843 = tpu.memref_slice %arg4[%mul3A_835, %dma_start3A_842] : memref<819200x128xf32, #tpu.memory_space<hbm>> -> memref<128x128xf32, #tpu.memory_space<hbm>>
      %dma_start3A_844 = arith.constant 0 : i32
      %dma_start3A_845 = tpu.memref_slice %arg4[%mul3A_835, %dma_start3A_844] : memref<819200x128xf32, #tpu.memory_space<hbm>> -> memref<128x128xf32, #tpu.memory_space<hbm>>
      %dma_start3A_846 = arith.constant 0 : i32
      %dma_start3A_847 = arith.constant 0 : i32
      %dma_start3A_848 = tpu.memref_slice %arg6[%run_scoped3A_836, %dma_start3A_846, %dma_start3A_847] : memref<5x128x128xf32, #tpu.memory_space<vmem>> -> memref<1x128x128xf32, #tpu.memory_space<vmem>>
      %dma_start3A_849 = tpu.memref_squeeze %dma_start3A_848 : memref<1x128x128xf32, #tpu.memory_space<vmem>> -> memref<128x128xf32, #tpu.memory_space<vmem>>
      tpu.enqueue_dma source(%dma_start3A_849 : memref<128x128xf32, #tpu.memory_space<vmem>>) target(%dma_start3A_845 : memref<128x128xf32, #tpu.memory_space<hbm>>) target_semaphore(%run_scoped3A_837 : memref<!tpu.dma_semaphore, #tpu.memory_space<semaphore_mem>>)
      %dma_wait3A_850 = arith.constant 0 : i32
      %dma_wait3A_851 = arith.constant 0 : i32
      %dma_wait3A_852 = tpu.memref_slice %arg6[%run_scoped3A_836, %dma_wait3A_850, %dma_wait3A_851] : memref<5x128x128xf32, #tpu.memory_space<vmem>> -> memref<1x128x128xf32, #tpu.memory_space<vmem>>
      %dma_wait3A_853 = tpu.memref_squeeze %dma_wait3A_852 : memref<1x128x128xf32, #tpu.memory_space<vmem>> -> memref<128x128xf32, #tpu.memory_space<vmem>>
      %dma_wait3A_854 = arith.constant 0 : i32
      %dma_wait3A_855 = tpu.memref_slice %arg4[%mul3A_835, %dma_wait3A_854] : memref<819200x128xf32, #tpu.memory_space<hbm>> -> memref<128x128xf32, #tpu.memory_space<hbm>>
      %dma_wait3A_856 = arith.constant 0 : i32
      %dma_wait3A_857 = tpu.memref_slice %arg4[%mul3A_835, %dma_wait3A_856] : memref<819200x128xf32, #tpu.memory_space<hbm>> -> memref<128x128xf32, #tpu.memory_space<hbm>>
      %dma_wait3A_858 = arith.constant 0 : i32
      %dma_wait3A_859 = arith.constant 0 : i32
      %dma_wait3A_860 = tpu.memref_slice %arg6[%run_scoped3A_836, %dma_wait3A_858, %dma_wait3A_859] : memref<5x128x128xf32, #tpu.memory_space<vmem>> -> memref<1x128x128xf32, #tpu.memory_space<vmem>>
      %dma_wait3A_861 = tpu.memref_squeeze %dma_wait3A_860 : memref<1x128x128xf32, #tpu.memory_space<vmem>> -> memref<128x128xf32, #tpu.memory_space<vmem>>
      tpu.wait_dma2 semaphore(%run_scoped3A_837 : memref<!tpu.dma_semaphore, #tpu.memory_space<semaphore_mem>>) src(%dma_wait3A_861 : memref<128x128xf32, #tpu.memory_space<vmem>>) dst(%dma_wait3A_857 : memref<128x128xf32, #tpu.memory_space<hbm>>)
      tpu.yield
    }) : () -> ()
    return
  }
}

</mosaic_0001>

<sc_bundles>
// kernel: kernel.3.cloned.1.call-start
scs
__scs_entry_jumppad:
0x0: {  	(pc) =	sbr.rel $0x88, $3  }
0x1: {  	(tag) =	ssettag $0x0;
	lr =	simm.s32 $0x1  }
0x2: {  	[smem:$0x3F9F] =	sst lr;
	_ =	strace $0xD0000000  }
0x3: {  	_ = 	snop  }
0x4: {  	_ = 	snop  }
0x5: {  	_ = 	snop  }
0x6: {  	_ = 	snop  }
0x7: {  	_ = 	snop  }
__scs_overlays_trampoline_lowered:
0x8: {  	[smem:$0x3FAE] =	sst s0  }
0x9: {  	[smem:$0x3FAF] =	sst s1  }
0xa: {  	[smem:$0x3FB0] =	sst s2  }
0xb: {  	[smem:$0x3FB1] =	sst s3  }
0xc: {  	[smem:$0x3FB2] =	sst s4  }
0xd: {  	[smem:$0x3FB3] =	sst s5  }
0xe: {  	[smem:$0x3FB4] =	sst s6  }
0xf: {  	[smem:$0x3FB5] =	sst s7  }
0x10: {  	[smem:$0x3FB6] =	sst s8  }
0x11: {  	[smem:$0x3FB7] =	sst s9;
	s0 =	simm.s32 @!p0 $0x0  }
0x12: {  	s1 =	sld [smem:$0x3F9D];
	s0 =	simm.s32 @p0 $0x1  }
0x13: {  	[smem:$0x3FB8] =	sst s0;
	s0 =	simm.s32 @!p1 $0x0  }
0x14: {  	s2 =	sld [smem:$0x3F9C];
	s0 =	simm.s32 @p1 $0x1  }
0x15: {  	[smem:$0x3FB9] =	sst s0;
	s0 =	simm.s32 @!p2 $0x0  }
0x16: {  	s3 =	sld [smem:$0x3FDB];
	s0 =	simm.s32 @p2 $0x1  }
0x17: {  	s4 =	simm.s32 $0x1BF5;
	[smem:$0x3FBB] =	sst s0  }
0x18: {  	s0 =	sld [smem:$0x3F9E];
	_ =	swait.ge [sflag:s4], $0x0  }
0x19: {  	s7 =	sld [smem:$0x3F9F]  }
0x1a: {  	s8 =	sadd.s32 $0xFFFFE003, lr  }
0x1b: {  	s9 =	sadd.s32 $0xFFFFFEF7, lr;
	s5 =	simm.s32 $0xFFFFFFFF;
	p2 =	slt.u32 s8, $0xFFFFF086  }
0x1c: {  	p1 =	slt.u32 s9, $0xF7A;
	s5 =	simm.s32 @!p2 $0x0  }
0x1d: {  	s5 =	simm.s32 @p1 $0x1;
	p0 =	seq.s32 s7, s2  }
0x1e: {  	s7 =	smul.u32 @!p0 $0xF7A, s2;
	p2 =	seq.s32 @!p0 s5, $0x0  }
0x1f: {  	s9 =	smul.u32 $0xF7A, s1;
	s8 =	simm.s32 @!p0 $0x1BF5;
	p2 =	por !p2, p0  }
0x20: {  	[sflag:s8] =	ssyncset.s32 @!p0 $0xFFFFF086;
	s6 =	sadd.s32 @!p0 s3, s7;
	s7 =	simm.s32 @!p0 $0x108  }
0x21: {  	s3 =	sadd.s32 s3, s9;
	s6 =	sadd.s32 @!p0 $0x88, s6;
	s7 =	simm.s32 @p2 $0x1082  }
0x22: {  	[simem:s7], [sflag:s8] =	dma.local @!p0 [hbm:s6], $0xF7A  }
0x23: {  	s9 =	sor.u32 $0xD0000000, s2;
	s6 =	simm.s32 $0x108;
	_ =	swait.ge @!p0 [sflag:s8], $0x0  }
0x24: {  	s3 =	sadd.s32 $0x88, s3;
	s6 =	simm.s32 @!p1 $0x1082;
	[sflag:s4] =	ssyncset.s32 $0xFFFFF086  }
0x25: {  	[simem:s6], [sflag:s4] =	dma.local [hbm:s3], $0xF7A  }
0x26: {  	[smem:$0x3F9F] =	sst s1;
	(tag) =	ssettag s2;
	_ =	strace s9  }
0x27: {  	s1 =	sld [smem:$0x3FAF]  }
0x28: {  	s2 =	sld [smem:$0x3FB0]  }
0x29: {  	s4 =	sld [smem:$0x3FB2]  }
0x2a: {  	p0 =	seq.s32 s5, $0x0;
	s5 =	sld [smem:$0x3FB3]  }
0x2b: {  	s6 =	sld [smem:$0x3FB4]  }
0x2c: {  	s7 =	sld [smem:$0x3FB5]  }
0x2d: {  	s3 =	simm.s32 $0x108;
	s8 =	sld [smem:$0x3FB6]  }
0x2e: {  	s3 =	simm.s32 @!p0 $0x1082;
	s9 =	sld [smem:$0x3FB7]  }
0x2f: {  	lr =	sadd.s32 s0, s3;
	s0 =	sld [smem:$0x3FAE]  }
0x30: {  	s3 =	sld [smem:$0x3FB1]  }
0x31: {  	[smem:$0x3FBA] =	sst s10  }
0x32: {  	s10 =	sld [smem:$0x3FB8];
	_ =	sdelay $0x3  }
0x33: {  	p0 =	seq.s32 s10, $0x1;
	s10 =	sld [smem:$0x3FBA];
	_ =	sdelay $0x3  }
0x34: {  	[smem:$0x3FBA] =	sst s10  }
0x35: {  	s10 =	sld [smem:$0x3FB9];
	_ =	sdelay $0x3  }
0x36: {  	p1 =	seq.s32 s10, $0x1;
	s10 =	sld [smem:$0x3FBA];
	_ =	sdelay $0x3  }
0x37: {  	[smem:$0x3FBA] =	sst s10  }
0x38: {  	s10 =	sld [smem:$0x3FBB]  }
0x39: {  	_ = 	snop;
	(pc) =	sbr.ind lr, $3  }
0x3a: {  	_ = 	snop  }
0x3b: {  	_ = 	snop  }
0x3c: {  	p2 =	seq.s32 s10, $0x1;
	s10 =	sld [smem:$0x3FBA]  }
0x3d: {  	_ =	shalt  }
0x3e: {  	_ =	shalt  }
0x3f: {  	_ =	shalt  }
0x40: {  	_ =	shalt  }
0x41: {  	_ =	shalt  }
0x42: {  	_ =	shalt  }
0x43: {  	_ =	shalt  }
0x44: {  	_ =	shalt  }
0x45: {  	_ =	shalt  }
0x46: {  	_ =	shalt  }
0x47: {  	_ =	shalt  }
0x48: {  	_ =	shalt  }
0x49: {  	_ =	shalt  }
0x4a: {  	_ =	shalt  }
0x4b: {  	_ =	shalt  }
0x4c: {  	_ =	shalt  }
0x4d: {  	_ =	shalt  }
0x4e: {  	_ =	shalt  }
0x4f: {  	_ =	shalt  }
0x50: {  	_ =	shalt  }
0x51: {  	_ =	shalt  }
0x52: {  	_ =	shalt  }
0x53: {  	_ =	shalt  }
0x54: {  	_ =	shalt  }
0x55: {  	_ =	shalt  }
0x56: {  	_ =	shalt  }
0x57: {  	_ =	shalt  }
0x58: {  	_ =	shalt  }
0x59: {  	_ =	shalt  }
0x5a: {  	_ =	shalt  }
0x5b: {  	_ =	shalt  }
0x5c: {  	_ =	shalt  }
0x5d: {  	_ =	shalt  }
0x5e: {  	_ =	shalt  }
0x5f: {  	_ =	shalt  }
0x60: {  	_ =	shalt  }
0x61: {  	_ =	shalt  }
0x62: {  	_ =	shalt  }
0x63: {  	_ =	shalt  }
0x64: {  	_ =	shalt  }
0x65: {  	_ =	shalt  }
0x66: {  	_ =	shalt  }
0x67: {  	_ =	shalt  }
0x68: {  	_ =	shalt  }
0x69: {  	_ =	shalt  }
0x6a: {  	_ =	shalt  }
0x6b: {  	_ =	shalt  }
0x6c: {  	_ =	shalt  }
0x6d: {  	_ =	shalt  }
0x6e: {  	_ =	shalt  }
0x6f: {  	_ =	shalt  }
0x70: {  	_ =	shalt  }
0x71: {  	_ =	shalt  }
0x72: {  	_ =	shalt  }
0x73: {  	_ =	shalt  }
0x74: {  	_ =	shalt  }
0x75: {  	_ =	shalt  }
0x76: {  	_ =	shalt  }
0x77: {  	_ =	shalt  }
0x78: {  	_ =	shalt  }
0x79: {  	_ =	shalt  }
0x7a: {  	_ =	shalt  }
0x7b: {  	_ =	shalt  }
0x7c: {  	_ =	shalt  }
0x7d: {  	_ =	shalt  }
0x7e: {  	_ =	shalt  }
0x7f: {  	_ =	shalt  }
0x80: {  	_ =	shalt  }
0x81: {  	_ =	shalt  }
0x82: {  	_ =	shalt  }
0x83: {  	_ =	shalt  }
0x84: {  	_ =	shalt  }
0x85: {  	_ =	shalt  }
0x86: {  	_ =	shalt  }
0x87: {  	_ =	shalt  }
.Lfunc_end0:
.L_simem_size_0:
called_computation_lowered:
.L_overlay_start_0:
0x88: {  	s2 =	sld [smem:$0x3FD9]  }
0x89: {  	s3 =	sld [smem:$0x3FFE];
	_ =	sdelay $0x1  }
0x8a: {  	s1 =	srdreg.scid  }
0x8b: {  	s0 =	sand.u32 $0x1, s1  }
0x8c: {  	s17 =	sshll.u32 s0, $0xA;
	s2 =	sadd.s32 s3, s2  }
0x8d: {  	s2 =	sadd.s32 s2, s17  }
0x8e: {  	[smem:$0x3FC6] =	sst s2  }
0x8f: {  	_ = 	snop  }
0x90: {  	s2 =	sld [smem:$0x3FD0];
	(tm) =	ssettm $0x1  }
0x91: {  	s18 =	sld [smem:$0x3FFB];
	_ =	sdelay $0x3  }
0x92: {  	_ =	strace s18  }
0x93: {  	s3 =	sld [smem:$0x3FFC];
	_ =	sdelay $0x3  }
0x94: {  	_ =	strace s3  }
0x95: {  	s3 =	sld [smem:$0x3FFD];
	_ =	sdelay $0x3  }
0x96: {  	_ =	strace s3  }
0x97: {  	_ =	strace $0x8FFFFFFF  }
0x98: {  	s19 =	sld [smem:$0x3FDB];
	_ =	sdelay $0x1  }
0x99: {  	s4 =	simm.s32 $_scs_section_size  }
0x9a: {  	s5 =	simm.s32 $_size__tile_overlayer_lowered;
	s6 =	simm.s32 $_tile_overlayer_lowered  }
0x9b: {  	s22 =	simm.s32 $0x1BFF;
	s21 =	sshll.u32 s6, $0x1;
	s3 =	sadd.s32 s4, s19  }
0x9c: {  	s7 =	simm.s32 $0x0;
	s20 =	sshll.u32 s5, $0x1;
	s5 =	sadd.s32 s21, s3  }
0x9d: {  	[timem:s7], [sflag:s22] =	dma.local [hbm:s5], s20  }
0x9e: {  	_ =	swait.ge [sflag:s22], s20  }
0x9f: {  	s4 =	ssub.s32 $0x0, s20;
	[sflag:s22] =	ssyncset.done $0x0  }
0xa0: {  	[sflag:s22] =	ssyncadd.s32 s4;
	_ =	sdelay $0x1  }
0xa1: {  	s23 =	simm.s32 $0x1B8B  }
0xa2: {  	_ =	swait.ge [sflag:s23], $0x1  }
0xa3: {  	[sflag:s23] =	ssyncset.done $0x0  }
0xa4: {  	s25 =	simm.s32 $0x1B8E;
	s24 =	sld [smem:$0x3FFE];
	[sflag:s23] =	ssyncadd.s32 $0xFFFFFFFF  }
0xa5: {  	s26 =	simm.s32 $execute0_lowered;
	[smem:$0x3FD2] =	sst s25  }
0xa6: {  	s5 =	sshll.u32 s26, $0x1;
	_ =	strace $0x80000046;
	[dreg:$0x1] =	wrdreg $0xFFFFFFFF  }
0xa7: {  	s28 =	simm.s32 $_size_execute0_lowered;
	s3 =	sadd.s32 s3, s5;
	[dreg:$0x0] =	wrdreg $0x0  }
0xa8: {  	s5 =	sshll.u32 s28, $0x1;
	[dreg:$0x2] =	wrdreg s3  }
0xa9: {  	[dreg:$0x3] =	wrdreg s5  }
0xaa: {  	[dreg:$0x4] =	wrdreg $0xC0  }
0xab: {  	_ =	task [dreg:s7], $0x5FFFF  }
0xac: {  	[dreg:$0x1] =	wrdreg $0xFFFFFFFF  }
0xad: {  	[dreg:$0x0] =	wrdreg $0x60  }
0xae: {  	[dreg:$0x2] =	wrdreg s24  }
0xaf: {  	[dreg:$0x3] =	wrdreg s2  }
0xb0: {  	[dreg:$0x4] =	wrdreg $0x9  }
0xb1: {  	_ =	task.clear_ibuf [dreg:s7], $0x5FFFF;
	_ =	strace $0x90000046  }
0xb2: {  	s29 =	simm.s32 $0x9;
	_ =	strace $0x80000048  }
0xb3: {  	_ =	swait.ge [sflag:s29], $0x1  }
0xb4: {  	[sflag:s29] =	ssyncadd.s32 $0xFFFFFFFF  }
0xb5: {  	_ =	strace $0x90000048  }
0xb6: {  	_ =	sfence  }
0xb7: {  	s30 =	sld [smem:$0x0];
	_ =	sdelay $0x2  }
0xb8: {  	s31 =	sshll.u32 s1, $0xD;
	s1 =	sshrl.u32 s1, $0x2  }
0xb9: {  	s3 =	sand.u32 $0x4000, s31;
	s1 =	sadd.s32 s1, s30  }
0xba: {  	s0 =	sor.u32 s3, s0;
	s1 =	sshll.u32 s1, $0x11  }
0xbb: {  	s0 =	sor.u32 s1, s0  }
0xbc: {  	s0 =	sadd.s32 $0x8F2B, s0  }
0xbd: {  	[sflag:s0] =	ssyncadd.remote.s32 $0x1  }
0xbe: {  	_ =	sfence.sel $0xFFFF  }
0xbf: {  	[dreg:$0x0] =	wrdreg $0xFFFFFFFF;
	(pc) =	sbr.abs _section_cstart, $3  }
0xc0: {  	[dreg:$0x1] =	wrdreg $0xFFFFFFFF  }
0xc1: {  	_ =	task.clear_ibuf [dreg:s7], $0x2FFFF;
	_ =	strace $0x9FFFFFFF  }
0xc2: {  	(tm) =	ssettm $0x7FFFFFFF  }
0xc3: {  	_ =	shalt  }
tec
execute0_lowered:
.L_overlay_start_1:
0x0: {  	(tag) =	ssettag $0x1  }
0x1: {  	s0 =	rddreg [dreg:$0x0]  }
0x2: {  	s1 =	rddreg [dreg:$0x1];
	s11 =	stileid.u32  }
0x3: {  	s3 =	srdreg.scid;
	s16 =	smul.u32 $0x1900, s11  }
0x4: {  	s2 =	simm.s32 $0x0;
	s28 =	simm.s32 $0x1;
	s19 =	smul.u32 $0xC800, s11  }
0x5: {  	s5 =	sand.u32 $0x1, s3;
	s14 =	sshll.u32 s11, $0x1;
	s11 =	smul.u32 $0xC8000, s11  }
0x6: {  	s29 =	simm.s32 $0x6;
	s30 =	simm.s32 $0x2;
	s18 =	smul.u32 $0xC80, s5  }
0x7: {  	s31 =	simm.s32 $0x7;
	[smem:$0x7FF] =	sst s2;
	s21 =	smul.u32 $0x6400, s5  }
0x8: {  	s6 =	sor.u32 s5, s14;
	s15 =	ssub.s32 $0x2, s5;
	s5 =	smul.u32 $0x64000, s5  }
0x9: {  	s3 =	sadd.s32 $0x400, s0;
	s4 =	sadd.s32 $0x19400, s0;
	s7 =	smul.u32 $0xC80, s6  }
0xa: {  	_ =	strace $0x80000047;
	s8 =	sshrl.u32 s15, $0x1;
	s6 =	smul.u32 $0x320000, s6  }
0xb: {  	s24 =	sadd.s32 s16, s3;
	s0 =	ssub.s32 s15, s8;
	s25 =	sadd.s32 s21, s19  }
0xc: {  	s19 =	simm.s32 $0x400;
	s10 =	sadd.s32 s3, s7;
	[dreg:$0x3] =	wrdreg s25  }
0xd: {  	s21 =	simm.s32 $0x100;
	s0 =	smax.u32 s0, $0x1;
	[dreg:$0x5] =	wrdreg s10  }
0xe: {  	s8 =	simm.s32 $0x5;
	s7 =	sadd.s32 $0x10, s10;
	[dreg:$0xf] =	wrdreg s0  }
0xf: {  	s6 =	sshrl.u32 s6, $0x3;
	s17 =	sadd.s32 $0x20, s10;
	[dreg:$0x6] =	wrdreg s7  }
0x10: {  	s25 =	simm.s32 $0x200;
	s9 =	sadd.s32 $0x30, s10;
	[dreg:$0x7] =	wrdreg s17  }
0x11: {  	s6 =	sadd.s32 s1, s6;
	s10 =	sadd.s32 $0x40, s10;
	[dreg:$0x8] =	wrdreg s9  }
0x12: {  	s1 =	sadd.s32 s11, s1;
	[dreg:$0x9] =	wrdreg s10;
	s20 =	sadd.s32 $0x61800, s6  }
0x13: {  	s0 =	simm.s32 $0x3;
	s12 =	sadd.s32 $0x62000, s6;
	[dreg:$0xa] =	wrdreg s20  }
0x14: {  	s22 =	sadd.s32 $0x62800, s6;
	s23 =	sadd.s32 $0x63000, s6;
	[dreg:$0xb] =	wrdreg s12  }
0x15: {  	s6 =	sadd.s32 $0x63800, s6;
	s1 =	sadd.s32 s5, s1;
	[dreg:$0xc] =	wrdreg s22  }
0x16: {  	s17 =	simm.s32 $0xB;
	s7 =	simm.s32 $0x9;
	[dreg:$0xd] =	wrdreg s23  }
0x17: {  	s9 =	simm.s32 $0xA;
	s10 =	simm.s32 $0x0;
	[dreg:$0xe] =	wrdreg s6  }
0x18: {  	s6 =	sadd.s32 s18, s24;
	[dreg:$0x4] =	wrdreg s1;
	s18 =	simm.s32 $0x80  }
0x19: {  	s20 =	simm.s32 $0x4400;
	s22 =	simm.s32 $0x8400;
	s23 =	simm.s32 $0x180  }
0x1a: {  	s24 =	simm.s32 $0xC400;
	s1 =	simm.s32 $0x8;
	s26 =	sadd.s32 $0x90, s6  }
0x1b: {  	s6 =	simm.s32 $0x4;
	[dreg:$0x10] =	wrdreg s26;
	s26 =	simm.s32 $0x10400  }
.LBB2_1:
0x1c: {  	s5 =	rddreg [dreg:$0x5]  }
0x1d: {  	[tilespmem:s2], [sflag:$0xB] =	stream.linear.gather [hbm4b:s5+s2], $0x80, $0x38;
	[tilespmem:$0x14400] =	vst v63  }
0x1e: {  	_ =	swait.ge [sflag:s17], $0x80  }
0x1f: {  	[sflag:s17] =	ssyncset.done $0x0  }
0x20: {  	[sflag:s17] =	ssyncadd.s32 $0xFFFFFF80  }
0x21: {  	v0 =	vld [tilespmem:$0x0]  }
0x22: {  	v1 =	vld [tilespmem:$0x10]  }
0x23: {  	v2 =	vld [tilespmem:$0x20]  }
0x24: {  	v3 =	vld [tilespmem:$0x30]  }
0x25: {  	v4 =	vld [tilespmem:$0x40]  }
0x26: {  	v5 =	vld [tilespmem:$0x50];
	vm0 =	vlt.s32 v0, $0xC350  }
0x27: {  	v6 =	vld [tilespmem:$0x60];
	vm14 =	vlt.s32 v1, $0xC350;
	v0 =	vnsel vm0, $0xC350, v0  }
0x28: {  	vm15 =	vlt.s32 v2, $0xC350;
	[tilespmem:$0x0] =	vst v0;
	v0 =	vnsel vm14, $0xC350, v1;
	v1 =	vld [tilespmem:$0x70]  }
0x29: {  	vm4 =	vlt.s32 v3, $0xC350;
	[tilespmem:$0x10] =	vst v0;
	v0 =	vnsel vm15, $0xC350, v2  }
0x2a: {  	vm5 =	vlt.s32 v4, $0xC350;
	[tilespmem:$0x20] =	vst v0;
	v0 =	vnsel vm4, $0xC350, v3  }
0x2b: {  	vm6 =	vlt.s32 v5, $0xC350;
	[tilespmem:$0x30] =	vst v0;
	v0 =	vnsel vm5, $0xC350, v4  }
0x2c: {  	vm7 =	vlt.s32 v6, $0xC350;
	[tilespmem:$0x40] =	vst v0;
	v0 =	vnsel vm6, $0xC350, v5  }
0x2d: {  	[tilespmem:$0x50] =	vst v0;
	v0 =	vnsel vm7, $0xC350, v6;
	vm8 =	vlt.s32 v1, $0xC350  }
0x2e: {  	[tilespmem:$0x60] =	vst v0;
	v0 =	vnsel vm8, $0xC350, v1  }
0x2f: {  	[tilespmem:$0x70] =	vst v0  }
0x30: {  	[tilespmem:s19], [sflag:$0x1] =	stream.indirect.gather [hbm4b:s4+s18], $0x80, s2, s18, $0xb8;
	[tilespmem:$0x14400] =	vst v63  }
0x31: {  	s14 =	rddreg [dreg:$0x6]  }
0x32: {  	[tilespmem:s18], [sflag:$0xB] =	stream.linear.gather [hbm4b:s14+s2], $0x80, $0x38;
	[tilespmem:$0x14400] =	vst v63  }
0x33: {  	_ =	swait.ge [sflag:s17], $0x80  }
0x34: {  	[sflag:s17] =	ssyncset.done $0x0  }
0x35: {  	[sflag:s17] =	ssyncadd.s32 $0xFFFFFF80  }
0x36: {  	v0 =	vld [tilespmem:$0x80]  }
0x37: {  	v1 =	vld [tilespmem:$0x90]  }
0x38: {  	v2 =	vld [tilespmem:$0xA0]  }
0x39: {  	v3 =	vld [tilespmem:$0xB0]  }
0x3a: {  	v42 =	vld [tilespmem:$0xC0]  }
0x3b: {  	v43 =	vld [tilespmem:$0xD0];
	vm9 =	vlt.s32 v0, $0xC350  }
0x3c: {  	v44 =	vld [tilespmem:$0xE0];
	vm10 =	vlt.s32 v1, $0xC350;
	v0 =	vnsel vm9, $0xC350, v0  }
0x3d: {  	vm11 =	vlt.s32 v2, $0xC350;
	[tilespmem:$0x80] =	vst v0;
	v0 =	vnsel vm10, $0xC350, v1;
	v1 =	vld [tilespmem:$0xF0]  }
0x3e: {  	vm12 =	vlt.s32 v3, $0xC350;
	[tilespmem:$0x90] =	vst v0;
	v0 =	vnsel vm11, $0xC350, v2  }
0x3f: {  	vm13 =	vlt.s32 v42, $0xC350;
	[tilespmem:$0xA0] =	vst v0;
	v0 =	vnsel vm12, $0xC350, v3  }
0x40: {  	vm14 =	vlt.s32 v43, $0xC350;
	[tilespmem:$0xB0] =	vst v0;
	v0 =	vnsel vm13, $0xC350, v42  }
0x41: {  	vm15 =	vlt.s32 v44, $0xC350;
	[tilespmem:$0xC0] =	vst v0;
	v0 =	vnsel vm14, $0xC350, v43  }
0x42: {  	[tilespmem:$0xD0] =	vst v0;
	v0 =	vnsel vm15, $0xC350, v44;
	vm4 =	vlt.s32 v1, $0xC350  }
0x43: {  	[tilespmem:$0xE0] =	vst v0;
	v0 =	vnsel vm4, $0xC350, v1  }
0x44: {  	[tilespmem:$0xF0] =	vst v0  }
0x45: {  	[tilespmem:s20], [sflag:$0x2] =	stream.indirect.gather [hbm4b:s4+s18], $0x80, s18, s18, $0xb8;
	[tilespmem:$0x14400] =	vst v63  }
0x46: {  	s15 =	rddreg [dreg:$0x7]  }
0x47: {  	[tilespmem:s21], [sflag:$0xB] =	stream.linear.gather [hbm4b:s15+s2], $0x80, $0x38;
	[tilespmem:$0x14400] =	vst v63  }
0x48: {  	_ =	swait.ge [sflag:s17], $0x80  }
0x49: {  	[sflag:s17] =	ssyncset.done $0x0  }
0x4a: {  	[sflag:s17] =	ssyncadd.s32 $0xFFFFFF80  }
0x4b: {  	v0 =	vld [tilespmem:$0x100]  }
0x4c: {  	v1 =	vld [tilespmem:$0x110]  }
0x4d: {  	v2 =	vld [tilespmem:$0x120]  }
0x4e: {  	v3 =	vld [tilespmem:$0x130]  }
0x4f: {  	v45 =	vld [tilespmem:$0x140]  }
0x50: {  	v46 =	vld [tilespmem:$0x150];
	vm5 =	vlt.s32 v0, $0xC350  }
0x51: {  	v47 =	vld [tilespmem:$0x160];
	vm6 =	vlt.s32 v1, $0xC350;
	v0 =	vnsel vm5, $0xC350, v0  }
0x52: {  	vm7 =	vlt.s32 v2, $0xC350;
	[tilespmem:$0x100] =	vst v0;
	v0 =	vnsel vm6, $0xC350, v1;
	v1 =	vld [tilespmem:$0x170]  }
0x53: {  	vm8 =	vlt.s32 v3, $0xC350;
	[tilespmem:$0x110] =	vst v0;
	v0 =	vnsel vm7, $0xC350, v2  }
0x54: {  	vm9 =	vlt.s32 v45, $0xC350;
	[tilespmem:$0x120] =	vst v0;
	v0 =	vnsel vm8, $0xC350, v3  }
0x55: {  	vm10 =	vlt.s32 v46, $0xC350;
	[tilespmem:$0x130] =	vst v0;
	v0 =	vnsel vm9, $0xC350, v45  }
0x56: {  	vm11 =	vlt.s32 v47, $0xC350;
	[tilespmem:$0x140] =	vst v0;
	v0 =	vnsel vm10, $0xC350, v46  }
0x57: {  	[tilespmem:$0x150] =	vst v0;
	v0 =	vnsel vm11, $0xC350, v47;
	vm12 =	vlt.s32 v1, $0xC350  }
0x58: {  	[tilespmem:$0x160] =	vst v0;
	v0 =	vnsel vm12, $0xC350, v1  }
0x59: {  	[tilespmem:$0x170] =	vst v0  }
0x5a: {  	[tilespmem:s22], [sflag:$0x3] =	stream.indirect.gather [hbm4b:s4+s18], $0x80, s21, s18, $0xb8;
	[tilespmem:$0x14400] =	vst v63  }
0x5b: {  	s16 =	rddreg [dreg:$0x8]  }
0x5c: {  	[tilespmem:s23], [sflag:$0xB] =	stream.linear.gather [hbm4b:s16+s2], $0x80, $0x38;
	[tilespmem:$0x14400] =	vst v63  }
0x5d: {  	_ =	swait.ge [sflag:s17], $0x80  }
0x5e: {  	[sflag:s17] =	ssyncset.done $0x0  }
0x5f: {  	[sflag:s17] =	ssyncadd.s32 $0xFFFFFF80  }
0x60: {  	v0 =	vld [tilespmem:$0x180]  }
0x61: {  	v1 =	vld [tilespmem:$0x190]  }
0x62: {  	v2 =	vld [tilespmem:$0x1A0]  }
0x63: {  	v3 =	vld [tilespmem:$0x1B0]  }
0x64: {  	v48 =	vld [tilespmem:$0x1C0]  }
0x65: {  	v49 =	vld [tilespmem:$0x1D0];
	vm13 =	vlt.s32 v0, $0xC350  }
0x66: {  	v50 =	vld [tilespmem:$0x1E0];
	vm14 =	vlt.s32 v1, $0xC350;
	v0 =	vnsel vm13, $0xC350, v0  }
0x67: {  	vm15 =	vlt.s32 v2, $0xC350;
	[tilespmem:$0x180] =	vst v0;
	v0 =	vnsel vm14, $0xC350, v1;
	v1 =	vld [tilespmem:$0x1F0]  }
0x68: {  	vm4 =	vlt.s32 v3, $0xC350;
	[tilespmem:$0x190] =	vst v0;
	v0 =	vnsel vm15, $0xC350, v2  }
0x69: {  	vm5 =	vlt.s32 v48, $0xC350;
	[tilespmem:$0x1A0] =	vst v0;
	v0 =	vnsel vm4, $0xC350, v3  }
0x6a: {  	vm6 =	vlt.s32 v49, $0xC350;
	[tilespmem:$0x1B0] =	vst v0;
	v0 =	vnsel vm5, $0xC350, v48  }
0x6b: {  	vm7 =	vlt.s32 v50, $0xC350;
	[tilespmem:$0x1C0] =	vst v0;
	v0 =	vnsel vm6, $0xC350, v49  }
0x6c: {  	[tilespmem:$0x1D0] =	vst v0;
	v0 =	vnsel vm7, $0xC350, v50;
	vm8 =	vlt.s32 v1, $0xC350  }
0x6d: {  	[tilespmem:$0x1E0] =	vst v0;
	v0 =	vnsel vm8, $0xC350, v1  }
0x6e: {  	[tilespmem:$0x1F0] =	vst v0  }
0x6f: {  	[tilespmem:s24], [sflag:$0x4] =	stream.indirect.gather [hbm4b:s4+s18], $0x80, s23, s18, $0xb8;
	[tilespmem:$0x14400] =	vst v63  }
0x70: {  	s11 =	rddreg [dreg:$0x9]  }
0x71: {  	[tilespmem:s25], [sflag:$0xB] =	stream.linear.gather [hbm4b:s11+s2], $0x80, $0x38;
	[tilespmem:$0x14400] =	vst v63  }
0x72: {  	_ =	swait.ge [sflag:s17], $0x80  }
0x73: {  	[sflag:s17] =	ssyncset.done $0x0  }
0x74: {  	[sflag:s17] =	ssyncadd.s32 $0xFFFFFF80  }
0x75: {  	v0 =	vld [tilespmem:$0x200]  }
0x76: {  	v1 =	vld [tilespmem:$0x210]  }
0x77: {  	v2 =	vld [tilespmem:$0x220]  }
0x78: {  	v3 =	vld [tilespmem:$0x230]  }
0x79: {  	v51 =	vld [tilespmem:$0x240]  }
0x7a: {  	v52 =	vld [tilespmem:$0x250];
	vm9 =	vlt.s32 v0, $0xC350  }
0x7b: {  	v53 =	vld [tilespmem:$0x260];
	vm10 =	vlt.s32 v1, $0xC350;
	v0 =	vnsel vm9, $0xC350, v0  }
0x7c: {  	vm11 =	vlt.s32 v2, $0xC350;
	[tilespmem:$0x200] =	vst v0;
	v0 =	vnsel vm10, $0xC350, v1;
	v1 =	vld [tilespmem:$0x270]  }
0x7d: {  	vm12 =	vlt.s32 v3, $0xC350;
	[tilespmem:$0x210] =	vst v0;
	v0 =	vnsel vm11, $0xC350, v2  }
0x7e: {  	vm13 =	vlt.s32 v51, $0xC350;
	[tilespmem:$0x220] =	vst v0;
	v0 =	vnsel vm12, $0xC350, v3  }
0x7f: {  	vm14 =	vlt.s32 v52, $0xC350;
	[tilespmem:$0x230] =	vst v0;
	v0 =	vnsel vm13, $0xC350, v51  }
0x80: {  	vm15 =	vlt.s32 v53, $0xC350;
	[tilespmem:$0x240] =	vst v0;
	v0 =	vnsel vm14, $0xC350, v52  }
0x81: {  	[tilespmem:$0x250] =	vst v0;
	v0 =	vnsel vm15, $0xC350, v53;
	vm4 =	vlt.s32 v1, $0xC350  }
0x82: {  	[tilespmem:$0x260] =	vst v0;
	v0 =	vnsel vm4, $0xC350, v1  }
0x83: {  	[tilespmem:$0x270] =	vst v0  }
0x84: {  	[tilespmem:s26], [sflag:$0x5] =	stream.indirect.gather [hbm4b:s4+s18], $0x80, s25, s18, $0xb8;
	[tilespmem:$0x14400] =	vst v63  }
0x85: {  	_ =	swait.ge [sflag:s28], $0x4000  }
0x86: {  	s12 =	rddreg [dreg:$0x4];
	[sflag:s28] =	ssyncset.done $0x0  }
0x87: {  	s16 =	rddreg [dreg:$0x10];
	[sflag:s28] =	ssyncadd.s32 $0xFFFFC000;
	s11 =	sadd.s32 $0x0, s12  }
0x88: {  	[hbm4b:s11+s2] =	stream.linear.scatter [tilespmem:s19], [sflag:$0x6], $0x4000, $0x38;
	[tilespmem:$0x14400] =	vst v63  }
0x89: {  	s13 =	sadd.s32 $0xFFFFFFC0, s16  }
0x8a: {  	[tilespmem:s2], [sflag:$0xB] =	stream.linear.gather [hbm4b:s13+s2], $0x80, $0x38;
	[tilespmem:$0x14400] =	vst v63  }
0x8b: {  	_ =	swait.ge [sflag:s17], $0x80  }
0x8c: {  	[sflag:s17] =	ssyncset.done $0x0  }
0x8d: {  	[sflag:s17] =	ssyncadd.s32 $0xFFFFFF80  }
0x8e: {  	v0 =	vld [tilespmem:$0x60]  }
0x8f: {  	v1 =	vld [tilespmem:$0x50]  }
0x90: {  	v2 =	vld [tilespmem:$0x70]  }
0x91: {  	v3 =	vld [tilespmem:$0x10]  }
0x92: {  	v54 =	vld [tilespmem:$0x30]  }
0x93: {  	v55 =	vld [tilespmem:$0x20];
	vm5 =	vlt.s32 v0, $0xC350  }
0x94: {  	v56 =	vld [tilespmem:$0x40];
	vm1 =	vlt.s32 v1, $0xC350;
	v0 =	vnsel vm5, $0xC350, v0  }
0x95: {  	v7 =	vld [tilespmem:$0x0];
	vm6 =	vlt.s32 v2, $0xC350;
	v1 =	vnsel vm1, $0xC350, v1;
	[tilespmem:$0x60] =	vst v0  }
0x96: {  	vm7 =	vlt.s32 v3, $0xC350;
	[tilespmem:$0x50] =	vst v1;
	v0 =	vnsel vm6, $0xC350, v2  }
0x97: {  	vm8 =	vlt.s32 v54, $0xC350;
	v1 =	vnsel vm7, $0xC350, v3;
	[tilespmem:$0x70] =	vst v0  }
0x98: {  	vm9 =	vlt.s32 v55, $0xC350;
	[tilespmem:$0x10] =	vst v1;
	v0 =	vnsel vm8, $0xC350, v54  }
0x99: {  	vm10 =	vlt.s32 v56, $0xC350;
	v1 =	vnsel vm9, $0xC350, v55;
	[tilespmem:$0x30] =	vst v0  }
0x9a: {  	vm11 =	vlt.s32 v7, $0xC350;
	[tilespmem:$0x20] =	vst v1;
	v0 =	vnsel vm10, $0xC350, v56  }
0x9b: {  	v1 =	vnsel vm11, $0xC350, v7;
	[tilespmem:$0x40] =	vst v0  }
0x9c: {  	[tilespmem:$0x0] =	vst v1  }
0x9d: {  	_ =	swait.ge [sflag:s29], $0x4000  }
0x9e: {  	[sflag:s29] =	ssyncset.done $0x0  }
0x9f: {  	[sflag:s29] =	ssyncadd.s32 $0xFFFFC000  }
0xa0: {  	[tilespmem:s19], [sflag:$0x1] =	stream.indirect.gather [hbm4b:s4+s18], $0x80, s2, s18, $0xb8;
	[tilespmem:$0x14400] =	vst v63  }
0xa1: {  	_ =	swait.ge [sflag:s30], $0x4000  }
0xa2: {  	[sflag:s30] =	ssyncset.done $0x0  }
0xa3: {  	s14 =	sadd.s32 $0x800, s11;
	[sflag:s30] =	ssyncadd.s32 $0xFFFFC000  }
0xa4: {  	[hbm4b:s14+s2] =	stream.linear.scatter [tilespmem:s20], [sflag:$0x7], $0x4000, $0x38;
	[tilespmem:$0x14400] =	vst v63  }
0xa5: {  	s15 =	sadd.s32 $0xFFFFFFD0, s16  }
0xa6: {  	[tilespmem:s18], [sflag:$0xB] =	stream.linear.gather [hbm4b:s15+s2], $0x80, $0x38;
	[tilespmem:$0x14400] =	vst v63  }
0xa7: {  	_ =	swait.ge [sflag:s17], $0x80  }
0xa8: {  	[sflag:s17] =	ssyncset.done $0x0  }
0xa9: {  	[sflag:s17] =	ssyncadd.s32 $0xFFFFFF80  }
0xaa: {  	v0 =	vld [tilespmem:$0x90]  }
0xab: {  	v1 =	vld [tilespmem:$0xA0]  }
0xac: {  	v3 =	vld [tilespmem:$0x80]  }
0xad: {  	v2 =	vld [tilespmem:$0xB0]  }
0xae: {  	v58 =	vld [tilespmem:$0xD0]  }
0xaf: {  	v57 =	vld [tilespmem:$0xF0];
	vm12 =	vlt.s32 v0, $0xC350  }
0xb0: {  	v60 =	vld [tilespmem:$0xC0];
	vm13 =	vlt.s32 v1, $0xC350;
	v0 =	vnsel vm12, $0xC350, v0  }
0xb1: {  	v59 =	vld [tilespmem:$0xE0];
	vm15 =	vlt.s32 v3, $0xC350;
	[tilespmem:$0x90] =	vst v0;
	v0 =	vnsel vm13, $0xC350, v1  }
0xb2: {  	vm14 =	vlt.s32 v2, $0xC350;
	v1 =	vnsel vm15, $0xC350, v3;
	[tilespmem:$0xA0] =	vst v0  }
0xb3: {  	vm5 =	vlt.s32 v58, $0xC350;
	v0 =	vnsel vm14, $0xC350, v2;
	[tilespmem:$0x80] =	vst v1  }
0xb4: {  	vm4 =	vlt.s32 v57, $0xC350;
	v1 =	vnsel vm5, $0xC350, v58;
	[tilespmem:$0xB0] =	vst v0  }
0xb5: {  	vm7 =	vlt.s32 v60, $0xC350;
	v0 =	vnsel vm4, $0xC350, v57;
	[tilespmem:$0xD0] =	vst v1  }
0xb6: {  	vm6 =	vlt.s32 v59, $0xC350;
	v1 =	vnsel vm7, $0xC350, v60;
	[tilespmem:$0xF0] =	vst v0  }
0xb7: {  	v0 =	vnsel vm6, $0xC350, v59;
	[tilespmem:$0xC0] =	vst v1  }
0xb8: {  	[tilespmem:$0xE0] =	vst v0  }
0xb9: {  	_ =	swait.ge [sflag:s31], $0x4000  }
0xba: {  	[sflag:s31] =	ssyncset.done $0x0  }
0xbb: {  	[sflag:s31] =	ssyncadd.s32 $0xFFFFC000  }
0xbc: {  	[tilespmem:s20], [sflag:$0x2] =	stream.indirect.gather [hbm4b:s4+s18], $0x80, s18, s18, $0xb8;
	[tilespmem:$0x14400] =	vst v63  }
0xbd: {  	_ =	swait.ge [sflag:s0], $0x4000  }
0xbe: {  	[sflag:s0] =	ssyncset.done $0x0  }
0xbf: {  	s12 =	sadd.s32 $0x1000, s11;
	[sflag:s0] =	ssyncadd.s32 $0xFFFFC000  }
0xc0: {  	[hbm4b:s12+s2] =	stream.linear.scatter [tilespmem:s22], [sflag:$0x8], $0x4000, $0x38;
	[tilespmem:$0x14400] =	vst v63  }
0xc1: {  	s13 =	sadd.s32 $0xFFFFFFE0, s16  }
0xc2: {  	[tilespmem:s21], [sflag:$0xB] =	stream.linear.gather [hbm4b:s13+s2], $0x80, $0x38;
	[tilespmem:$0x14400] =	vst v63  }
0xc3: {  	_ =	swait.ge [sflag:s17], $0x80  }
0xc4: {  	[sflag:s17] =	ssyncset.done $0x0  }
0xc5: {  	[sflag:s17] =	ssyncadd.s32 $0xFFFFFF80  }
0xc6: {  	v0 =	vld [tilespmem:$0x100]  }
0xc7: {  	v1 =	vld [tilespmem:$0x110]  }
0xc8: {  	v2 =	vld [tilespmem:$0x120]  }
0xc9: {  	v3 =	vld [tilespmem:$0x130]  }
0xca: {  	v61 =	vld [tilespmem:$0x150]  }
0xcb: {  	v62 =	vld [tilespmem:$0x160];
	vm8 =	vlt.s32 v0, $0xC350  }
0xcc: {  	v63 =	vld [tilespmem:$0x170];
	vm9 =	vlt.s32 v1, $0xC350;
	v0 =	vnsel vm8, $0xC350, v0  }
0xcd: {  	vm10 =	vlt.s32 v2, $0xC350;
	[tilespmem:$0x100] =	vst v0;
	v0 =	vnsel vm9, $0xC350, v1;
	v1 =	vld [tilespmem:$0x140]  }
0xce: {  	vm11 =	vlt.s32 v3, $0xC350;
	[tilespmem:$0x110] =	vst v0;
	v0 =	vnsel vm10, $0xC350, v2  }
0xcf: {  	vm12 =	vlt.s32 v61, $0xC350;
	[tilespmem:$0x120] =	vst v0;
	v0 =	vnsel vm11, $0xC350, v3  }
0xd0: {  	vm13 =	vlt.s32 v62, $0xC350;
	[tilespmem:$0x130] =	vst v0;
	v0 =	vnsel vm12, $0xC350, v61  }
0xd1: {  	vm14 =	vlt.s32 v63, $0xC350;
	[tilespmem:$0x150] =	vst v0;
	v0 =	vnsel vm13, $0xC350, v62  }
0xd2: {  	vm15 =	vlt.s32 v1, $0xC350;
	[tilespmem:$0x160] =	vst v0;
	v0 =	vnsel vm14, $0xC350, v63  }
0xd3: {  	v1 =	vnsel vm15, $0xC350, v1;
	[tilespmem:$0x170] =	vst v0  }
0xd4: {  	[tilespmem:$0x140] =	vst v1  }
0xd5: {  	_ =	swait.ge [sflag:s1], $0x4000  }
0xd6: {  	[sflag:s1] =	ssyncset.done $0x0  }
0xd7: {  	[sflag:s1] =	ssyncadd.s32 $0xFFFFC000  }
0xd8: {  	[tilespmem:s22], [sflag:$0x3] =	stream.indirect.gather [hbm4b:s4+s18], $0x80, s21, s18, $0xb8;
	[tilespmem:$0x14400] =	vst v63  }
0xd9: {  	_ =	swait.ge [sflag:s6], $0x4000  }
0xda: {  	s14 =	rddreg [dreg:$0x3]  }
0xdb: {  	s15 =	sadd.s32 $0x1800, s11;
	[sflag:s6] =	ssyncset.done $0x0;
	s5 =	sadd.s32 $0x0, s14  }
0xdc: {  	s12 =	sand.u32 $0x380, s2;
	[sflag:s6] =	ssyncadd.s32 $0xFFFFC000;
	s5 =	sand.u32 $0x7FFFFC00, s5  }
0xdd: {  	[hbm4b:s15+s2] =	stream.linear.scatter [tilespmem:s24], [sflag:$0x9], $0x4000, $0x38;
	[tilespmem:$0x14400] =	vst v63  }
0xde: {  	s5 =	sor.u32 s12, s5  }
0xdf: {  	s5 =	sadd.s32 $0x400, s5  }
0xe0: {  	s5 =	sshrl.u32 s5, $0x3  }
0xe1: {  	s5 =	sadd.s32 s3, s5  }
0xe2: {  	[tilespmem:s23], [sflag:$0xB] =	stream.linear.gather [hbm4b:s5+s2], $0x80, $0x38;
	[tilespmem:$0x14400] =	vst v63  }
0xe3: {  	_ =	swait.ge [sflag:s17], $0x80  }
0xe4: {  	[sflag:s17] =	ssyncset.done $0x0  }
0xe5: {  	[sflag:s17] =	ssyncadd.s32 $0xFFFFFF80  }
0xe6: {  	s13 =	simm.s32 $0x2800;
	s14 =	simm.s32 $0x0;
	s12 =	smov.u32 s16;
	v0 =	vld [tilespmem:$0x1E0]  }
.LBB2_2:
0xe7: {  	v2 =	vld [tilespmem:$0x1A0]  }
0xe8: {  	v1 =	vld [tilespmem:$0x1B0]  }
0xe9: {  	v3 =	vld [tilespmem:$0x190]  }
0xea: {  	v4 =	vld [tilespmem:$0x1C0]  }
0xeb: {  	v5 =	vld [tilespmem:$0x180];
	vm6 =	vlt.s32 v0, $0xC350  }
0xec: {  	v7 =	vld [tilespmem:$0x1D0];
	vm0 =	vlt.s32 v2, $0xC350;
	v0 =	vnsel vm6, $0xC350, v0  }
0xed: {  	v6 =	vld [tilespmem:$0x1F0];
	vm15 =	vlt.s32 v1, $0xC350;
	v2 =	vnsel vm0, $0xC350, v2;
	[tilespmem:$0x1E0] =	vst v0  }
0xee: {  	vm1 =	vlt.s32 v3, $0xC350;
	v1 =	vnsel vm15, $0xC350, v1;
	[tilespmem:$0x1A0] =	vst v2  }
0xef: {  	vm4 =	vlt.s32 v4, $0xC350;
	v3 =	vnsel vm1, $0xC350, v3;
	[tilespmem:$0x1B0] =	vst v1  }
0xf0: {  	vm5 =	vlt.s32 v5, $0xC350;
	v1 =	vnsel vm4, $0xC350, v4;
	[tilespmem:$0x190] =	vst v3  }
0xf1: {  	vm8 =	vlt.s32 v7, $0xC350;
	v2 =	vnsel vm5, $0xC350, v5;
	[tilespmem:$0x1C0] =	vst v1  }
0xf2: {  	vm7 =	vlt.s32 v6, $0xC350;
	[tilespmem:$0x180] =	vst v2;
	v2 =	vnsel vm8, $0xC350, v7  }
0xf3: {  	v1 =	vnsel vm7, $0xC350, v6;
	[tilespmem:$0x1D0] =	vst v2  }
0xf4: {  	[tilespmem:$0x1F0] =	vst v1  }
0xf5: {  	_ =	swait.ge [sflag:s7], $0x4000  }
0xf6: {  	[sflag:s7] =	ssyncset.done $0x0  }
0xf7: {  	[sflag:s7] =	ssyncadd.s32 $0xFFFFC000  }
0xf8: {  	[tilespmem:s24], [sflag:$0x4] =	stream.indirect.gather [hbm4b:s4+s18], $0x80, s23, s18, $0xb8;
	[tilespmem:$0x14400] =	vst v63  }
0xf9: {  	_ =	swait.ge [sflag:s8], $0x4000  }
0xfa: {  	[sflag:s8] =	ssyncset.done $0x0  }
0xfb: {  	s11 =	sadd.s32 $0x2000, s11;
	[sflag:s8] =	ssyncadd.s32 $0xFFFFC000  }
0xfc: {  	[hbm4b:s11+s2] =	stream.linear.scatter [tilespmem:s26], [sflag:$0xA], $0x4000, $0x38;
	[tilespmem:$0x14400] =	vst v63  }
0xfd: {  	_ = 	snop  }
0xfe: {  	[tilespmem:s25], [sflag:$0xB] =	stream.linear.gather [hbm4b:s16+s2], $0x80, $0x38;
	[tilespmem:$0x14400] =	vst v63  }
0xff: {  	_ =	swait.ge [sflag:s17], $0x80  }
0x100: {  	[sflag:s17] =	ssyncset.done $0x0  }
0x101: {  	[sflag:s17] =	ssyncadd.s32 $0xFFFFFF80  }
0x102: {  	v0 =	vld [tilespmem:$0x200]  }
0x103: {  	v1 =	vld [tilespmem:$0x210]  }
0x104: {  	v2 =	vld [tilespmem:$0x220]  }
0x105: {  	v3 =	vld [tilespmem:$0x230]  }
0x106: {  	v50 =	vld [tilespmem:$0x240]  }
0x107: {  	v51 =	vld [tilespmem:$0x260];
	vm9 =	vlt.s32 v0, $0xC350  }
0x108: {  	v52 =	vld [tilespmem:$0x270];
	vm10 =	vlt.s32 v1, $0xC350;
	v0 =	vnsel vm9, $0xC350, v0  }
0x109: {  	vm11 =	vlt.s32 v2, $0xC350;
	[tilespmem:$0x200] =	vst v0;
	v0 =	vnsel vm10, $0xC350, v1;
	v1 =	vld [tilespmem:$0x250]  }
0x10a: {  	vm12 =	vlt.s32 v3, $0xC350;
	[tilespmem:$0x210] =	vst v0;
	v0 =	vnsel vm11, $0xC350, v2  }
0x10b: {  	vm13 =	vlt.s32 v50, $0xC350;
	[tilespmem:$0x220] =	vst v0;
	v0 =	vnsel vm12, $0xC350, v3  }
0x10c: {  	vm14 =	vlt.s32 v51, $0xC350;
	[tilespmem:$0x230] =	vst v0;
	v0 =	vnsel vm13, $0xC350, v50  }
0x10d: {  	vm15 =	vlt.s32 v52, $0xC350;
	[tilespmem:$0x240] =	vst v0;
	v0 =	vnsel vm14, $0xC350, v51  }
0x10e: {  	vm4 =	vlt.s32 v1, $0xC350;
	[tilespmem:$0x260] =	vst v0;
	v0 =	vnsel vm15, $0xC350, v52  }
0x10f: {  	v1 =	vnsel vm4, $0xC350, v1;
	[tilespmem:$0x270] =	vst v0  }
0x110: {  	[tilespmem:$0x250] =	vst v1  }
0x111: {  	_ =	swait.ge [sflag:s9], $0x4000  }
0x112: {  	[sflag:s9] =	ssyncset.done $0x0  }
0x113: {  	[sflag:s9] =	ssyncadd.s32 $0xFFFFC000  }
0x114: {  	[tilespmem:s26], [sflag:$0x5] =	stream.indirect.gather [hbm4b:s4+s18], $0x80, s25, s18, $0xb8;
	[tilespmem:$0x14400] =	vst v63  }
0x115: {  	_ =	swait.ge [sflag:s28], $0x4000  }
0x116: {  	s5 =	smov.u32 s13;
	s15 =	rddreg [dreg:$0x4];
	[sflag:s28] =	ssyncset.done $0x0  }
0x117: {  	s12 =	sadd.s32 $0x50, s12;
	[sflag:s28] =	ssyncadd.s32 $0xFFFFC000;
	s11 =	sadd.s32 s5, s15  }
0x118: {  	[hbm4b:s11+s2] =	stream.linear.scatter [tilespmem:s19], [sflag:$0x6], $0x4000, $0x38;
	[tilespmem:$0x14400] =	vst v63  }
0x119: {  	s15 =	sadd.s32 $0xFFFFFFC0, s12  }
0x11a: {  	[tilespmem:s2], [sflag:$0xB] =	stream.linear.gather [hbm4b:s15+s2], $0x80, $0x38;
	[tilespmem:$0x14400] =	vst v63  }
0x11b: {  	_ =	swait.ge [sflag:s17], $0x80  }
0x11c: {  	[sflag:s17] =	ssyncset.done $0x0  }
0x11d: {  	[sflag:s17] =	ssyncadd.s32 $0xFFFFFF80  }
0x11e: {  	v0 =	vld [tilespmem:$0x60]  }
0x11f: {  	v1 =	vld [tilespmem:$0x50]  }
0x120: {  	v2 =	vld [tilespmem:$0x70]  }
0x121: {  	v3 =	vld [tilespmem:$0x10]  }
0x122: {  	v53 =	vld [tilespmem:$0x30]  }
0x123: {  	v54 =	vld [tilespmem:$0x20];
	vm5 =	vlt.s32 v0, $0xC350  }
0x124: {  	v55 =	vld [tilespmem:$0x40];
	vm6 =	vlt.s32 v1, $0xC350;
	v0 =	vnsel vm5, $0xC350, v0  }
0x125: {  	v56 =	vld [tilespmem:$0x0];
	vm7 =	vlt.s32 v2, $0xC350;
	v1 =	vnsel vm6, $0xC350, v1;
	[tilespmem:$0x60] =	vst v0  }
0x126: {  	vm8 =	vlt.s32 v3, $0xC350;
	[tilespmem:$0x50] =	vst v1;
	v0 =	vnsel vm7, $0xC350, v2  }
0x127: {  	vm9 =	vlt.s32 v53, $0xC350;
	v1 =	vnsel vm8, $0xC350, v3;
	[tilespmem:$0x70] =	vst v0  }
0x128: {  	vm10 =	vlt.s32 v54, $0xC350;
	[tilespmem:$0x10] =	vst v1;
	v0 =	vnsel vm9, $0xC350, v53  }
0x129: {  	vm11 =	vlt.s32 v55, $0xC350;
	v1 =	vnsel vm10, $0xC350, v54;
	[tilespmem:$0x30] =	vst v0  }
0x12a: {  	vm12 =	vlt.s32 v56, $0xC350;
	[tilespmem:$0x20] =	vst v1;
	v0 =	vnsel vm11, $0xC350, v55  }
0x12b: {  	v1 =	vnsel vm12, $0xC350, v56;
	[tilespmem:$0x40] =	vst v0  }
0x12c: {  	[tilespmem:$0x0] =	vst v1  }
0x12d: {  	_ =	swait.ge [sflag:s29], $0x4000  }
0x12e: {  	[sflag:s29] =	ssyncset.done $0x0  }
0x12f: {  	[sflag:s29] =	ssyncadd.s32 $0xFFFFC000  }
0x130: {  	[tilespmem:s19], [sflag:$0x1] =	stream.indirect.gather [hbm4b:s4+s18], $0x80, s2, s18, $0xb8;
	[tilespmem:$0x14400] =	vst v63  }
0x131: {  	_ =	swait.ge [sflag:s30], $0x4000  }
0x132: {  	[sflag:s30] =	ssyncset.done $0x0  }
0x133: {  	s15 =	sadd.s32 $0x800, s11;
	[sflag:s30] =	ssyncadd.s32 $0xFFFFC000  }
0x134: {  	[hbm4b:s15+s2] =	stream.linear.scatter [tilespmem:s20], [sflag:$0x7], $0x4000, $0x38;
	[tilespmem:$0x14400] =	vst v63  }
0x135: {  	s15 =	sadd.s32 $0xFFFFFFD0, s12  }
0x136: {  	[tilespmem:s18], [sflag:$0xB] =	stream.linear.gather [hbm4b:s15+s2], $0x80, $0x38;
	[tilespmem:$0x14400] =	vst v63  }
0x137: {  	_ =	swait.ge [sflag:s17], $0x80  }
0x138: {  	[sflag:s17] =	ssyncset.done $0x0  }
0x139: {  	[sflag:s17] =	ssyncadd.s32 $0xFFFFFF80  }
0x13a: {  	v1 =	vld [tilespmem:$0x90]  }
0x13b: {  	v0 =	vld [tilespmem:$0xB0]  }
0x13c: {  	v2 =	vld [tilespmem:$0xA0]  }
0x13d: {  	v57 =	vld [tilespmem:$0x80]  }
0x13e: {  	v58 =	vld [tilespmem:$0xD0]  }
0x13f: {  	v3 =	vld [tilespmem:$0xF0];
	vm13 =	vlt.s32 v1, $0xC350  }
0x140: {  	v59 =	vld [tilespmem:$0xE0];
	vm15 =	vlt.s32 v0, $0xC350;
	v1 =	vnsel vm13, $0xC350, v1  }
0x141: {  	v60 =	vld [tilespmem:$0xC0];
	vm14 =	vlt.s32 v2, $0xC350;
	v0 =	vnsel vm15, $0xC350, v0;
	[tilespmem:$0x90] =	vst v1  }
0x142: {  	vm2 =	vlt.s32 v57, $0xC350;
	v1 =	vnsel vm14, $0xC350, v2;
	[tilespmem:$0xB0] =	vst v0  }
0x143: {  	vm5 =	vlt.s32 v58, $0xC350;
	v2 =	vnsel vm2, $0xC350, v57;
	[tilespmem:$0xA0] =	vst v1  }
0x144: {  	vm4 =	vlt.s32 v3, $0xC350;
	v0 =	vnsel vm5, $0xC350, v58;
	[tilespmem:$0x80] =	vst v2  }
0x145: {  	vm6 =	vlt.s32 v59, $0xC350;
	v1 =	vnsel vm4, $0xC350, v3;
	[tilespmem:$0xD0] =	vst v0  }
0x146: {  	vm7 =	vlt.s32 v60, $0xC350;
	v2 =	vnsel vm6, $0xC350, v59;
	[tilespmem:$0xF0] =	vst v1  }
0x147: {  	v1 =	vnsel vm7, $0xC350, v60;
	[tilespmem:$0xE0] =	vst v2  }
0x148: {  	[tilespmem:$0xC0] =	vst v1  }
0x149: {  	_ =	swait.ge [sflag:s31], $0x4000  }
0x14a: {  	[sflag:s31] =	ssyncset.done $0x0  }
0x14b: {  	[sflag:s31] =	ssyncadd.s32 $0xFFFFC000  }
0x14c: {  	[tilespmem:s20], [sflag:$0x2] =	stream.indirect.gather [hbm4b:s4+s18], $0x80, s18, s18, $0xb8;
	[tilespmem:$0x14400] =	vst v63  }
0x14d: {  	_ =	swait.ge [sflag:s0], $0x4000  }
0x14e: {  	[sflag:s0] =	ssyncset.done $0x0  }
0x14f: {  	s15 =	sadd.s32 $0x1000, s11;
	[sflag:s0] =	ssyncadd.s32 $0xFFFFC000  }
0x150: {  	[hbm4b:s15+s2] =	stream.linear.scatter [tilespmem:s22], [sflag:$0x8], $0x4000, $0x38;
	[tilespmem:$0x14400] =	vst v63  }
0x151: {  	s15 =	sadd.s32 $0xFFFFFFE0, s12  }
0x152: {  	[tilespmem:s21], [sflag:$0xB] =	stream.linear.gather [hbm4b:s15+s2], $0x80, $0x38;
	[tilespmem:$0x14400] =	vst v63  }
0x153: {  	_ =	swait.ge [sflag:s17], $0x80  }
0x154: {  	[sflag:s17] =	ssyncset.done $0x0  }
0x155: {  	[sflag:s17] =	ssyncadd.s32 $0xFFFFFF80  }
0x156: {  	v0 =	vld [tilespmem:$0x100]  }
0x157: {  	v1 =	vld [tilespmem:$0x110]  }
0x158: {  	v2 =	vld [tilespmem:$0x120]  }
0x159: {  	v3 =	vld [tilespmem:$0x130]  }
0x15a: {  	v61 =	vld [tilespmem:$0x150]  }
0x15b: {  	v62 =	vld [tilespmem:$0x160];
	vm8 =	vlt.s32 v0, $0xC350  }
0x15c: {  	v63 =	vld [tilespmem:$0x170];
	vm9 =	vlt.s32 v1, $0xC350;
	v0 =	vnsel vm8, $0xC350, v0  }
0x15d: {  	vm10 =	vlt.s32 v2, $0xC350;
	[tilespmem:$0x100] =	vst v0;
	v0 =	vnsel vm9, $0xC350, v1;
	v1 =	vld [tilespmem:$0x140]  }
0x15e: {  	vm11 =	vlt.s32 v3, $0xC350;
	[tilespmem:$0x110] =	vst v0;
	v0 =	vnsel vm10, $0xC350, v2  }
0x15f: {  	vm12 =	vlt.s32 v61, $0xC350;
	[tilespmem:$0x120] =	vst v0;
	v0 =	vnsel vm11, $0xC350, v3  }
0x160: {  	vm13 =	vlt.s32 v62, $0xC350;
	[tilespmem:$0x130] =	vst v0;
	v0 =	vnsel vm12, $0xC350, v61  }
0x161: {  	vm14 =	vlt.s32 v63, $0xC350;
	[tilespmem:$0x150] =	vst v0;
	v0 =	vnsel vm13, $0xC350, v62  }
0x162: {  	vm15 =	vlt.s32 v1, $0xC350;
	[tilespmem:$0x160] =	vst v0;
	v0 =	vnsel vm14, $0xC350, v63  }
0x163: {  	v1 =	vnsel vm15, $0xC350, v1;
	[tilespmem:$0x170] =	vst v0  }
0x164: {  	[tilespmem:$0x140] =	vst v1  }
0x165: {  	_ =	swait.ge [sflag:s1], $0x4000  }
0x166: {  	[sflag:s1] =	ssyncset.done $0x0  }
0x167: {  	[sflag:s1] =	ssyncadd.s32 $0xFFFFC000  }
0x168: {  	[tilespmem:s22], [sflag:$0x3] =	stream.indirect.gather [hbm4b:s4+s18], $0x80, s21, s18, $0xb8;
	[tilespmem:$0x14400] =	vst v63  }
0x169: {  	_ =	swait.ge [sflag:s6], $0x4000  }
0x16a: {  	s14 =	sadd.s32 $0x280, s14;
	s15 =	rddreg [dreg:$0x3]  }
0x16b: {  	s5 =	sadd.s32 s14, s15  }
0x16c: {  	s15 =	sand.u32 $0x380, s14;
	s5 =	sand.u32 $0x7FFFFC00, s5  }
0x16d: {  	[sflag:s6] =	ssyncset.done $0x0;
	s5 =	sor.u32 s15, s5  }
0x16e: {  	[sflag:s6] =	ssyncadd.s32 $0xFFFFC000;
	s15 =	sadd.s32 $0x1800, s11;
	s5 =	sadd.s32 $0x400, s5  }
0x16f: {  	[hbm4b:s15+s2] =	stream.linear.scatter [tilespmem:s24], [sflag:$0x9], $0x4000, $0x38;
	[tilespmem:$0x14400] =	vst v63  }
0x170: {  	s5 =	sshrl.u32 s5, $0x3  }
0x171: {  	p0 =	sne.s32 s13, $0x5F000;
	s5 =	sadd.s32 s3, s5  }
0x172: {  	[tilespmem:s23], [sflag:$0xB] =	stream.linear.gather [hbm4b:s5+s2], $0x80, $0x38;
	[tilespmem:$0x14400] =	vst v63  }
.Ltmp0:
0x173: {  	_ = 	snop;
	(pc) =	sbr.rel @p0 .LBB2_2-.Ltmp0, $4  }
0x174: {  	_ =	swait.ge [sflag:s17], $0x80  }
0x175: {  	[sflag:s17] =	ssyncset.done $0x0  }
0x176: {  	[sflag:s17] =	ssyncadd.s32 $0xFFFFFF80  }
0x177: {  	s13 =	sadd.s32 $0x2800, s13;
	s16 =	smov.u32 s12;
	v0 =	vld [tilespmem:$0x1E0]  }
0x178: {  	v1 =	vld [tilespmem:$0x1A0]  }
0x179: {  	v2 =	vld [tilespmem:$0x1B0]  }
0x17a: {  	v3 =	vld [tilespmem:$0x1C0]  }
0x17b: {  	v4 =	vld [tilespmem:$0x180]  }
0x17c: {  	v5 =	vld [tilespmem:$0x1D0];
	vm4 =	vlt.s32 v0, $0xC350  }
0x17d: {  	v6 =	vld [tilespmem:$0x1F0];
	vm0 =	vlt.s32 v1, $0xC350;
	v0 =	vnsel vm4, $0xC350, v0  }
0x17e: {  	v7 =	vld [tilespmem:$0x190];
	vm14 =	vlt.s32 v2, $0xC350;
	v1 =	vnsel vm0, $0xC350, v1;
	[tilespmem:$0x1E0] =	vst v0  }
0x17f: {  	vm15 =	vlt.s32 v3, $0xC350;
	v44 =	vnsel vm14, $0xC350, v2;
	[tilespmem:$0x1A0] =	vst v1  }
0x180: {  	vm1 =	vlt.s32 v4, $0xC350;
	v45 =	vnsel vm15, $0xC350, v3;
	[tilespmem:$0x1B0] =	vst v44  }
0x181: {  	vm5 =	vlt.s32 v5, $0xC350;
	v46 =	vnsel vm1, $0xC350, v4;
	[tilespmem:$0x1C0] =	vst v45  }
0x182: {  	vm6 =	vlt.s32 v6, $0xC350;
	v47 =	vnsel vm5, $0xC350, v5;
	[tilespmem:$0x180] =	vst v46  }
0x183: {  	vm7 =	vlt.s32 v7, $0xC350;
	v48 =	vnsel vm6, $0xC350, v6;
	[tilespmem:$0x1D0] =	vst v47  }
0x184: {  	v49 =	vnsel vm7, $0xC350, v7;
	[tilespmem:$0x1F0] =	vst v48  }
0x185: {  	[tilespmem:$0x190] =	vst v49  }
0x186: {  	_ =	swait.ge [sflag:s7], $0x4000  }
0x187: {  	[sflag:s7] =	ssyncset.done $0x0  }
0x188: {  	[sflag:s7] =	ssyncadd.s32 $0xFFFFC000  }
0x189: {  	[tilespmem:s24], [sflag:$0x4] =	stream.indirect.gather [hbm4b:s4+s18], $0x80, s23, s18, $0xb8;
	[tilespmem:$0x14400] =	vst v63  }
0x18a: {  	_ =	swait.ge [sflag:s8], $0x4000  }
0x18b: {  	[sflag:s8] =	ssyncset.done $0x0  }
0x18c: {  	s5 =	sadd.s32 $0x2000, s11;
	[sflag:s8] =	ssyncadd.s32 $0xFFFFC000  }
0x18d: {  	[hbm4b:s5+s2] =	stream.linear.scatter [tilespmem:s26], [sflag:$0xA], $0x4000, $0x38;
	[tilespmem:$0x14400] =	vst v63  }
0x18e: {  	_ = 	snop  }
0x18f: {  	[tilespmem:s25], [sflag:$0xB] =	stream.linear.gather [hbm4b:s16+s2], $0x80, $0x38;
	[tilespmem:$0x14400] =	vst v63  }
0x190: {  	_ =	swait.ge [sflag:s17], $0x80  }
0x191: {  	[sflag:s17] =	ssyncset.done $0x0  }
0x192: {  	[sflag:s17] =	ssyncadd.s32 $0xFFFFFF80  }
0x193: {  	v50 =	vld [tilespmem:$0x200]  }
0x194: {  	v51 =	vld [tilespmem:$0x210]  }
0x195: {  	v52 =	vld [tilespmem:$0x220]  }
0x196: {  	v53 =	vld [tilespmem:$0x230]  }
0x197: {  	v54 =	vld [tilespmem:$0x240]  }
0x198: {  	v55 =	vld [tilespmem:$0x260];
	vm8 =	vlt.s32 v50, $0xC350  }
0x199: {  	v56 =	vld [tilespmem:$0x270];
	vm9 =	vlt.s32 v51, $0xC350;
	v0 =	vnsel vm8, $0xC350, v50  }
0x19a: {  	v58 =	vld [tilespmem:$0x250];
	vm10 =	vlt.s32 v52, $0xC350;
	v57 =	vnsel vm9, $0xC350, v51;
	[tilespmem:$0x200] =	vst v0  }
0x19b: {  	vm11 =	vlt.s32 v53, $0xC350;
	v59 =	vnsel vm10, $0xC350, v52;
	[tilespmem:$0x210] =	vst v57  }
0x19c: {  	vm12 =	vlt.s32 v54, $0xC350;
	v60 =	vnsel vm11, $0xC350, v53;
	[tilespmem:$0x220] =	vst v59  }
0x19d: {  	vm13 =	vlt.s32 v55, $0xC350;
	v61 =	vnsel vm12, $0xC350, v54;
	[tilespmem:$0x230] =	vst v60  }
0x19e: {  	vm14 =	vlt.s32 v56, $0xC350;
	v62 =	vnsel vm13, $0xC350, v55;
	[tilespmem:$0x240] =	vst v61  }
0x19f: {  	vm15 =	vlt.s32 v58, $0xC350;
	v63 =	vnsel vm14, $0xC350, v56;
	[tilespmem:$0x260] =	vst v62  }
0x1a0: {  	v1 =	vnsel vm15, $0xC350, v58;
	[tilespmem:$0x270] =	vst v63  }
0x1a1: {  	[tilespmem:$0x250] =	vst v1  }
0x1a2: {  	_ =	swait.ge [sflag:s9], $0x4000  }
0x1a3: {  	[sflag:s9] =	ssyncset.done $0x0  }
0x1a4: {  	[sflag:s9] =	ssyncadd.s32 $0xFFFFC000  }
0x1a5: {  	[tilespmem:s26], [sflag:$0x5] =	stream.indirect.gather [hbm4b:s4+s18], $0x80, s25, s18, $0xb8;
	[tilespmem:$0x14400] =	vst v63  }
0x1a6: {  	_ =	swait.ge [sflag:s28], $0x4000  }
0x1a7: {  	[sflag:s28] =	ssyncset.done $0x0  }
0x1a8: {  	s11 =	rddreg [dreg:$0xa];
	[sflag:s28] =	ssyncadd.s32 $0xFFFFC000  }
0x1a9: {  	[hbm4b:s11+s2] =	stream.linear.scatter [tilespmem:s19], [sflag:$0xB], $0x4000, $0x38;
	[tilespmem:$0x14400] =	vst v63  }
0x1aa: {  	_ =	swait.ge [sflag:s17], $0x4000  }
0x1ab: {  	[sflag:s17] =	ssyncset.done $0x0  }
0x1ac: {  	[sflag:s17] =	ssyncadd.s32 $0xFFFFC000  }
0x1ad: {  	_ =	swait.ge [sflag:s30], $0x4000  }
0x1ae: {  	[sflag:s30] =	ssyncset.done $0x0  }
0x1af: {  	s12 =	rddreg [dreg:$0xb];
	[sflag:s30] =	ssyncadd.s32 $0xFFFFC000  }
0x1b0: {  	[hbm4b:s12+s2] =	stream.linear.scatter [tilespmem:s20], [sflag:$0xB], $0x4000, $0x38;
	[tilespmem:$0x14400] =	vst v63  }
0x1b1: {  	_ =	swait.ge [sflag:s17], $0x4000  }
0x1b2: {  	[sflag:s17] =	ssyncset.done $0x0  }
0x1b3: {  	[sflag:s17] =	ssyncadd.s32 $0xFFFFC000  }
0x1b4: {  	_ =	swait.ge [sflag:s0], $0x4000  }
0x1b5: {  	[sflag:s0] =	ssyncset.done $0x0  }
0x1b6: {  	s13 =	rddreg [dreg:$0xc];
	[sflag:s0] =	ssyncadd.s32 $0xFFFFC000  }
0x1b7: {  	[hbm4b:s13+s2] =	stream.linear.scatter [tilespmem:s22], [sflag:$0xB], $0x4000, $0x38;
	[tilespmem:$0x14400] =	vst v63  }
0x1b8: {  	_ =	swait.ge [sflag:s17], $0x4000  }
0x1b9: {  	[sflag:s17] =	ssyncset.done $0x0  }
0x1ba: {  	[sflag:s17] =	ssyncadd.s32 $0xFFFFC000  }
0x1bb: {  	_ =	swait.ge [sflag:s6], $0x4000  }
0x1bc: {  	[sflag:s6] =	ssyncset.done $0x0  }
0x1bd: {  	s14 =	rddreg [dreg:$0xd];
	[sflag:s6] =	ssyncadd.s32 $0xFFFFC000  }
0x1be: {  	[hbm4b:s14+s2] =	stream.linear.scatter [tilespmem:s24], [sflag:$0xB], $0x4000, $0x38;
	[tilespmem:$0x14400] =	vst v63  }
0x1bf: {  	_ =	swait.ge [sflag:s17], $0x4000  }
0x1c0: {  	[sflag:s17] =	ssyncset.done $0x0  }
0x1c1: {  	[sflag:s17] =	ssyncadd.s32 $0xFFFFC000  }
0x1c2: {  	_ =	swait.ge [sflag:s8], $0x4000  }
0x1c3: {  	[sflag:s8] =	ssyncset.done $0x0  }
0x1c4: {  	s15 =	rddreg [dreg:$0xe];
	[sflag:s8] =	ssyncadd.s32 $0xFFFFC000  }
0x1c5: {  	[hbm4b:s15+s2] =	stream.linear.scatter [tilespmem:s26], [sflag:$0xB], $0x4000, $0x38;
	[tilespmem:$0x14400] =	vst v63  }
0x1c6: {  	_ =	swait.ge [sflag:s17], $0x4000  }
0x1c7: {  	s10 =	sadd.s32 $0x1, s10;
	s16 =	rddreg [dreg:$0xf]  }
0x1c8: {  	p0 =	sne.s32 s10, s16  }
.Ltmp1:
0x1c9: {  	_ = 	snop;
	(pc) =	sbr.rel @p0 .LBB2_1-.Ltmp1, $3  }
0x1ca: {  	_ =	sdelay $0x1  }
0x1cb: {  	[sflag:s17] =	ssyncset.done $0x0  }
0x1cc: {  	[sflag:s17] =	ssyncadd.s32 $0xFFFFC000  }
0x1cd: {  	_ =	sfence.sel $0x180000  }
0x1ce: {  	[bflag:$0x0] =	sbarrier.arrive $0xFFFF  }
0x1cf: {  	_ =	strace $0x90000047  }
0x1d0: {  	s0 =	stileid.u32;
	[bflag:$0x2] =	sbarrier.arrive $0xFFFF  }
0x1d1: {  	p0 =	sne.s32 s0, $0x0;
	s0 =	rddreg [dreg:$0x2]  }
0x1d2: {  	s0 =	sadd.s32 @!p0 $0x100000, s0  }
0x1d3: {  	[sflag:s0] =	ssyncadd.tile.s32 @!p0 $0x1;
	_ =	shalt  }
.Lfunc_end2:
_tile_overlayer_lowered:
.L_overlay_start_2:
0x1d4: {  	(tag) =	ssettag $0x2  }
0x1d5: {  	s0 =	rddreg [dreg:$0x0];
	s2 =	stileid.u32  }
0x1d6: {  	s1 =	rddreg [dreg:$0x1];
	p0 =	sne.s32 s2, $0x0  }
0x1d7: {  	s3 =	rddreg [dreg:$0x2];
	[bflag:$0x3] =	sbarrier.arrive $0xFFFF;
	s2 =	simm.s32 @!p0 $0x1C0B  }
0x1d8: {  	[timem:s3], [sflag:s2] =	dma.local @!p0 [hbm:s0], s1  }
0x1d9: {  	s0 =	simm.s32 @!p0 $0xB  }
0x1da: {  	_ =	swait.ge @!p0 [sflag:s0], s1  }
0x1db: {  	s1 =	ssub.s32 @!p0 $0x0, s1;
	[sflag:s0] =	ssyncset.done @!p0 $0x0  }
0x1dc: {  	[sflag:s0] =	ssyncadd.s32 @!p0 s1  }
0x1dd: {  	[bflag:$0x3] =	sbarrier.arrive $0xFFFF  }
0x1de: {  	_ =	shalt  }

</sc_bundles>
